<compile_context>
chip_gen: v7x
topology: tpu7x:2x2x1
jax: 0.10.2.dev20260603
libtpu: 0.0.44.dev20260713+nightly
codegen_flags: <defaults>
</compile_context>

<pallas_src>
import functools

import jax
import jax.numpy as jnp
from jax import lax
from jax.experimental import pallas as pl
from jax.experimental.pallas import tpu as pltpu
from jax.experimental.pallas import tpu_sc as plsc

N_U = 25000
N_I = 25000
N = N_U + N_I
NP = 51200
D = 64
HALF = 32
NE = 800000
G = 128
NROWS = 6400
NE_PAD = NROWS * G
NC = 2
NS = 16
ROWS_PER_TILE = NROWS // NS
SUP = 16
N_SUP = ROWS_PER_TILE // SUP
NODE_TILE = NP // NS
FCH = 64
N_FCH = NODE_TILE // FCH


def _sc_body(e0h, src2, dst2, w2, outh, acc, eb1, eb2,
             idx_v, dst_v, w_v, rows_v, b0, b1, b2, b3, sem):
    c = lax.axis_index("c")
    s = lax.axis_index("s")
    tbase = s * NODE_TILE
    gbase = c * NP
    ebase = s * ROWS_PER_TILE

    zeros16 = jnp.zeros((16,), jnp.float32)

    def zfill(r, _):
        b0[r, pl.ds(0, 16)] = zeros16
        b0[r, pl.ds(16, 16)] = zeros16
        return _
    lax.fori_loop(0, FCH, zfill, None)

    def do_layer(table, flush):
        def zero_body(k, _):
            pltpu.sync_copy(b0, acc.at[pl.ds(tbase + k * FCH, FCH)])
            return _
        lax.fori_loop(0, N_FCH, zero_body, None)
        plsc.subcore_barrier()

        def sup_body(it, _):
            row0 = ebase + it * SUP
            pltpu.sync_copy(src2.at[c, pl.ds(row0, SUP), :], idx_v)
            pltpu.sync_copy(dst2.at[pl.ds(row0, SUP), :], dst_v)
            pltpu.sync_copy(w2.at[pl.ds(row0, SUP), :], w_v)

            def row_body(j, _):
                pltpu.async_copy(table.at[idx_v.at[j]], rows_v, sem).wait()

                def group_body(g, _):
                    w16 = w_v[j, pl.ds(g * 16, 16)]
                    for lane in range(16):
                        e = g * 16 + lane
                        w = w16[lane]
                        rows_v[e, pl.ds(0, 16)] = rows_v[e, pl.ds(0, 16)] * w
                        rows_v[e, pl.ds(16, 16)] = rows_v[e, pl.ds(16, 16)] * w
                    return _
                lax.fori_loop(0, G // 16, group_body, None)

                pltpu.sync_copy(rows_v, acc.at[dst_v.at[j]], add=True)
                return _
            lax.fori_loop(0, SUP, row_body, None)
            return _
        lax.fori_loop(0, N_SUP, sup_body, None)
        plsc.subcore_barrier()

        if flush is not None:
            def flush_body(k, _):
                r = tbase + k * FCH
                pltpu.sync_copy(acc.at[pl.ds(r, FCH)], b1)
                pltpu.sync_copy(b1, flush.at[pl.ds(gbase + r, FCH)])
                return _
            lax.fori_loop(0, N_FCH, flush_body, None)
            plsc.subcore_barrier()

    do_layer(e0h, eb1)
    do_layer(eb1, eb2)
    do_layer(eb2, None)

    def mean_body(k, _):
        r = tbase + k * FCH
        pltpu.sync_copy(e0h.at[pl.ds(gbase + r, FCH)], b0)
        pltpu.sync_copy(eb1.at[pl.ds(gbase + r, FCH)], b1)
        pltpu.sync_copy(eb2.at[pl.ds(gbase + r, FCH)], b2)
        pltpu.sync_copy(acc.at[pl.ds(r, FCH)], b3)

        def mean_row(rr, _):
            for h in range(2):
                sl = pl.ds(h * 16, 16)
                b0[rr, sl] = (b0[rr, sl] + b1[rr, sl] + b2[rr, sl]
                              + b3[rr, sl]) * 0.25
            return _
        lax.fori_loop(0, FCH, mean_row, None)
        pltpu.sync_copy(b0, outh.at[pl.ds(gbase + r, FCH)])
        return _
    lax.fori_loop(0, N_FCH, mean_body, None)


@jax.jit
def _lightgcn_sc(E0h, src2, dst2, w2):
    mesh = plsc.VectorSubcoreMesh(core_axis_name="c", subcore_axis_name="s")
    f = pl.kernel(
        _sc_body,
        out_type=jax.ShapeDtypeStruct((NC * NP, HALF), jnp.float32),
        mesh=mesh,
        scratch_types=[
            pltpu.VMEM_SHARED((NP, HALF), jnp.float32),
            pltpu.HBM((NC * NP, HALF), jnp.float32),
            pltpu.HBM((NC * NP, HALF), jnp.float32),
            pltpu.VMEM((SUP, G), jnp.int32),
            pltpu.VMEM((SUP, G), jnp.int32),
            pltpu.VMEM((SUP, G), jnp.float32),
            pltpu.VMEM((G, HALF), jnp.float32),
            pltpu.VMEM((FCH, HALF), jnp.float32),
            pltpu.VMEM((FCH, HALF), jnp.float32),
            pltpu.VMEM((FCH, HALF), jnp.float32),
            pltpu.VMEM((FCH, HALF), jnp.float32),
            pltpu.SemaphoreType.DMA,
        ],
        compiler_params=pltpu.CompilerParams(use_tc_tiling_on_sc=False),
    )
    return f(E0h, src2, dst2, w2)


def kernel(E_u, E_i, edge_weight, edge_index):
    E = jnp.concatenate([E_u, E_i], axis=0)
    Eh = E.reshape(N, NC, HALF).transpose(1, 0, 2)
    E0h = jnp.pad(Eh, ((0, 0), (0, NP - N), (0, 0))).reshape(NC * NP, HALF)

    pad = NE_PAD - NE
    src = jnp.pad(edge_index[0], (0, pad))
    dst = jnp.pad(edge_index[1], (0, pad))
    w = jnp.pad(edge_weight, (0, pad))
    src2 = jnp.stack([src, src + NP]).reshape(NC, NROWS, G)
    dst2 = dst.reshape(NROWS, G)
    w2 = w.reshape(NROWS, G)

    outh = _lightgcn_sc(E0h, src2, dst2, w2)
    outh = outh.reshape(NC, NP, HALF)[:, :N, :]
    return outh.transpose(1, 0, 2).reshape(N, D)

# --- scband reference (transcript-rebuilt; emitter-appended) ---
"""Pipeline reference for scband-light-gcn-85684597555233 (READ-ONLY COPY).

The authoritative reference and input builder live on the scoring server;
editing this copy changes nothing except your own understanding.
"""

import jax, jax.numpy as jnp
import numpy as np

N_USERS = 25000
N_ITEMS = 25000
D = 64
N_LAYERS = 3
N_EDGES = 800000


def setup_inputs(seed: int = 0) -> dict:
    key = jax.random.key(seed)
    k1, k2, k3, k4 = jax.random.split(key, 4)
    n = N_USERS + N_ITEMS
    # COO representation of the symmetric-normalized bipartite adjacency A_hat
    edge_index = jax.random.randint(k1, (2, N_EDGES), 0, n, dtype=jnp.int32)
    edge_weight = jax.random.uniform(k2, (N_EDGES,), dtype=jnp.float32)
    # learned embedding tables (nn.Embedding weights), init normal std=0.1
    E_u = jax.random.normal(k3, (N_USERS, D), dtype=jnp.float32) * 0.1
    E_i = jax.random.normal(k4, (N_ITEMS, D), dtype=jnp.float32) * 0.1
    return {"E_u": E_u, "E_i": E_i, "edge_weight": edge_weight, "edge_index": edge_index}


def reference(E_u, E_i, edge_weight, edge_index):
    # LightGCN.propagate(): E = cat(E_u, E_i); repeat A_hat @ E; mean over layer outputs
    E = jnp.concatenate([E_u, E_i], axis=0)
    n = E.shape[0]
    src = edge_index[0]
    dst = edge_index[1]
    outs = [E]
    for _ in range(N_LAYERS):
        # sparse matmul A_hat @ E as gather + weight + scatter-add
        msgs = jnp.take(E, src, axis=0) * edge_weight[:, None]
        E = jnp.zeros((n, E.shape[1]), dtype=E.dtype).at[dst].add(msgs)
        outs.append(E)
    E_final = jnp.mean(jnp.stack(outs, axis=0), axis=0)
    return E_final

if __name__ == "__main__":
    import jax
    _d = setup_inputs()
    print(jax.jit(kernel)(*tuple(_d.values())))

</pallas_src>

<mosaic_0001>
#map = affine_map<(d0, d1) -> (0, 0)>
#map1 = affine_map<(d0, d1) -> (0, 0, 0)>
module attributes {stable_mosaic.version = 14 : i64} {
  func.func @_sc_body(%arg0: i32, %arg1: i32, %arg2: memref<102400x32xf32, #tpu.memory_space<hbm>>, %arg3: memref<2x6400x128xi32, #tpu.memory_space<hbm>>, %arg4: memref<6400x128xi32, #tpu.memory_space<hbm>>, %arg5: memref<6400x128xf32, #tpu.memory_space<hbm>>, %arg6: memref<102400x32xf32, #tpu.memory_space<hbm>>, %arg7: memref<51200x32xf32, #tpu.memory_space<vmem_shared>>, %arg8: memref<102400x32xf32, #tpu.memory_space<hbm>>, %arg9: memref<102400x32xf32, #tpu.memory_space<hbm>>, %arg10: memref<16x128xi32, #tpu.memory_space<vmem>>, %arg11: memref<16x128xi32, #tpu.memory_space<vmem>>, %arg12: memref<16x128xf32, #tpu.memory_space<vmem>>, %arg13: memref<128x32xf32, #tpu.memory_space<vmem>>, %arg14: memref<64x32xf32, #tpu.memory_space<vmem>>, %arg15: memref<64x32xf32, #tpu.memory_space<vmem>>, %arg16: memref<64x32xf32, #tpu.memory_space<vmem>>, %arg17: memref<64x32xf32, #tpu.memory_space<vmem>>, %arg18: memref<!tpu.dma_semaphore, #tpu.memory_space<semaphore_mem>>) attributes {dimension_semantics = [#tpu.dimension_semantics<core_parallel>, #tpu.dimension_semantics<subcore_parallel>], iteration_bounds = array<i64: 2, 16>, scalar_prefetch = 0 : i64, scratch_operands = 12 : i64, tpu.core_type = #tpu.core_type<sc_vector_subcore>, window_params = [{transform_indices = #map}, {transform_indices = #map1}, {transform_indices = #map}, {transform_indices = #map}, {transform_indices = #map}]} {
    %mul3A = arith.constant 3200 : i32
    %mul3A_0 = arith.muli %arg1, %mul3A : i32
    %mul3A_1 = arith.constant 51200 : i32
    %mul3A_2 = arith.muli %arg0, %mul3A_1 : i32
    %mul3A_3 = arith.constant 400 : i32
    %mul3A_4 = arith.muli %arg1, %mul3A_3 : i32
    %broadcast_in_dim3A = arith.constant 0.000000e+00 : f32
    %broadcast_in_dim3A_5 = vector.broadcast %broadcast_in_dim3A : f32 to vector<16xf32>
    %scan3A = arith.constant 0 : i32
    %scan3A_6 = arith.constant 64 : i32
    %scan3A_7 = arith.addi %scan3A, %scan3A_6 : i32
    %scan3A_8 = arith.constant 1 : i32
    scf.for %scan3A_62 = %scan3A to %scan3A_7 step %scan3A_8  : i32 {
      %swap3A = arith.index_cast %scan3A_62 : i32 to index
      %swap3A_63 = arith.constant 0 : index
      %swap3A_64 = tpu.vector_load %arg14[%swap3A, %swap3A_63] {strides = array<i32>} : memref<64x32xf32, #tpu.memory_space<vmem>>, vector<1x16xf32>,
      %swap3A_65 = vector.shape_cast %swap3A_64 : vector<1x16xf32> to vector<16xf32>
      %swap3A_66 = vector.shape_cast %broadcast_in_dim3A_5 : vector<16xf32> to vector<1x16xf32>
      tpu.vector_store %arg14[%swap3A, %swap3A_63], %swap3A_66 {strides = array<i32>} : memref<64x32xf32, #tpu.memory_space<vmem>>, vector<1x16xf32>,
      %swap3A_67 = arith.index_cast %scan3A_62 : i32 to index
      %swap3A_68 = arith.constant 16 : index
      %swap3A_69 = tpu.vector_load %arg14[%swap3A_67, %swap3A_68] {strides = array<i32>} : memref<64x32xf32, #tpu.memory_space<vmem>>, vector<1x16xf32>,
      %swap3A_70 = vector.shape_cast %swap3A_69 : vector<1x16xf32> to vector<16xf32>
      %swap3A_71 = vector.shape_cast %broadcast_in_dim3A_5 : vector<16xf32> to vector<1x16xf32>
      tpu.vector_store %arg14[%swap3A_67, %swap3A_68], %swap3A_71 {strides = array<i32>} : memref<64x32xf32, #tpu.memory_space<vmem>>, vector<1x16xf32>,
    }
    %scan3A_9 = arith.constant 64 : i32
    %scan3A_10 = arith.constant 0 : i32
    %scan3A_11 = arith.constant 50 : i32
    %scan3A_12 = arith.addi %scan3A_10, %scan3A_11 : i32
    %scan3A_13 = arith.constant 1 : i32
    scf.for %scan3A_62 = %scan3A_10 to %scan3A_12 step %scan3A_13  : i32 {
      %mul3A_63 = arith.constant 64 : i32
      %mul3A_64 = arith.muli %scan3A_62, %mul3A_63 : i32
      %add3A = arith.addi %mul3A_0, %mul3A_64 : i32
      "tpu.region"() ({
        %run_scoped3A = tpu.sem_alloc : memref<!tpu.dma_semaphore, #tpu.memory_space<semaphore_mem>>
        %dma_start3A = arith.constant 0 : i32
        %dma_start3A_65 = tpu.memref_slice %arg7[%add3A, %dma_start3A] : memref<51200x32xf32, #tpu.memory_space<vmem_shared>> -> memref<64x32xf32, #tpu.memory_space<vmem_shared>>
        %dma_start3A_66 = arith.constant 0 : i32
        %dma_start3A_67 = tpu.memref_slice %arg7[%add3A, %dma_start3A_66] : memref<51200x32xf32, #tpu.memory_space<vmem_shared>> -> memref<64x32xf32, #tpu.memory_space<vmem_shared>>
        tpu.enqueue_dma source(%arg14 : memref<64x32xf32, #tpu.memory_space<vmem>>) target(%dma_start3A_67 : memref<64x32xf32, #tpu.memory_space<vmem_shared>>) target_semaphore(%run_scoped3A : memref<!tpu.dma_semaphore, #tpu.memory_space<semaphore_mem>>)
        %dma_wait3A = arith.constant 0 : i32
        %dma_wait3A_68 = tpu.memref_slice %arg7[%add3A, %dma_wait3A] : memref<51200x32xf32, #tpu.memory_space<vmem_shared>> -> memref<64x32xf32, #tpu.memory_space<vmem_shared>>
        %dma_wait3A_69 = arith.constant 0 : i32
        %dma_wait3A_70 = tpu.memref_slice %arg7[%add3A, %dma_wait3A_69] : memref<51200x32xf32, #tpu.memory_space<vmem_shared>> -> memref<64x32xf32, #tpu.memory_space<vmem_shared>>
        tpu.wait_dma2 semaphore(%run_scoped3A : memref<!tpu.dma_semaphore, #tpu.memory_space<semaphore_mem>>) src(%arg14 : memref<64x32xf32, #tpu.memory_space<vmem>>) dst(%dma_wait3A_70 : memref<64x32xf32, #tpu.memory_space<vmem_shared>>)
        tpu.yield
      }) : () -> ()
    }
    %scan3A_14 = arith.constant 50 : i32
    %barrier3A = arith.constant 0 : index
    tpu.barrier barrier_id(%barrier3A)
    %scan3A_15 = arith.constant 0 : i32
    %scan3A_16 = arith.constant 25 : i32
    %scan3A_17 = arith.addi %scan3A_15, %scan3A_16 : i32
    %scan3A_18 = arith.constant 1 : i32
    scf.for %scan3A_62 = %scan3A_15 to %scan3A_17 step %scan3A_18  : i32 {
      %mul3A_63 = arith.constant 16 : i32
      %mul3A_64 = arith.muli %scan3A_62, %mul3A_63 : i32
      %add3A = arith.addi %mul3A_4, %mul3A_64 : i32
      "tpu.region"() ({
        %run_scoped3A = tpu.sem_alloc : memref<!tpu.dma_semaphore, #tpu.memory_space<semaphore_mem>>
        %dma_start3A = arith.constant 0 : i32
        %dma_start3A_70 = tpu.memref_slice %arg3[%arg0, %add3A, %dma_start3A] : memref<2x6400x128xi32, #tpu.memory_space<hbm>> -> memref<1x16x128xi32, #tpu.memory_space<hbm>>
        %dma_start3A_71 = tpu.memref_squeeze %dma_start3A_70 : memref<1x16x128xi32, #tpu.memory_space<hbm>> -> memref<16x128xi32, #tpu.memory_space<hbm>>
        %dma_start3A_72 = arith.constant 0 : i32
        %dma_start3A_73 = tpu.memref_slice %arg3[%arg0, %add3A, %dma_start3A_72] : memref<2x6400x128xi32, #tpu.memory_space<hbm>> -> memref<1x16x128xi32, #tpu.memory_space<hbm>>
        %dma_start3A_74 = tpu.memref_squeeze %dma_start3A_73 : memref<1x16x128xi32, #tpu.memory_space<hbm>> -> memref<16x128xi32, #tpu.memory_space<hbm>>
        tpu.enqueue_dma source(%dma_start3A_74 : memref<16x128xi32, #tpu.memory_space<hbm>>) target(%arg10 : memref<16x128xi32, #tpu.memory_space<vmem>>) target_semaphore(%run_scoped3A : memref<!tpu.dma_semaphore, #tpu.memory_space<semaphore_mem>>)
        %dma_wait3A = arith.constant 0 : i32
        %dma_wait3A_75 = tpu.memref_slice %arg3[%arg0, %add3A, %dma_wait3A] : memref<2x6400x128xi32, #tpu.memory_space<hbm>> -> memref<1x16x128xi32, #tpu.memory_space<hbm>>
        %dma_wait3A_76 = tpu.memref_squeeze %dma_wait3A_75 : memref<1x16x128xi32, #tpu.memory_space<hbm>> -> memref<16x128xi32, #tpu.memory_space<hbm>>
        %dma_wait3A_77 = arith.constant 0 : i32
        %dma_wait3A_78 = tpu.memref_slice %arg3[%arg0, %add3A, %dma_wait3A_77] : memref<2x6400x128xi32, #tpu.memory_space<hbm>> -> memref<1x16x128xi32, #tpu.memory_space<hbm>>
        %dma_wait3A_79 = tpu.memref_squeeze %dma_wait3A_78 : memref<1x16x128xi32, #tpu.memory_space<hbm>> -> memref<16x128xi32, #tpu.memory_space<hbm>>
        tpu.wait_dma2 semaphore(%run_scoped3A : memref<!tpu.dma_semaphore, #tpu.memory_space<semaphore_mem>>) src(%dma_wait3A_79 : memref<16x128xi32, #tpu.memory_space<hbm>>) dst(%arg10 : memref<16x128xi32, #tpu.memory_space<vmem>>)
        tpu.yield
      }) : () -> ()
      "tpu.region"() ({
        %run_scoped3A = tpu.sem_alloc : memref<!tpu.dma_semaphore, #tpu.memory_space<semaphore_mem>>
        %dma_start3A = arith.constant 0 : i32
        %dma_start3A_70 = tpu.memref_slice %arg4[%add3A, %dma_start3A] : memref<6400x128xi32, #tpu.memory_space<hbm>> -> memref<16x128xi32, #tpu.memory_space<hbm>>
        %dma_start3A_71 = arith.constant 0 : i32
        %dma_start3A_72 = tpu.memref_slice %arg4[%add3A, %dma_start3A_71] : memref<6400x128xi32, #tpu.memory_space<hbm>> -> memref<16x128xi32, #tpu.memory_space<hbm>>
        tpu.enqueue_dma source(%dma_start3A_72 : memref<16x128xi32, #tpu.memory_space<hbm>>) target(%arg11 : memref<16x128xi32, #tpu.memory_space<vmem>>) target_semaphore(%run_scoped3A : memref<!tpu.dma_semaphore, #tpu.memory_space<semaphore_mem>>)
        %dma_wait3A = arith.constant 0 : i32
        %dma_wait3A_73 = tpu.memref_slice %arg4[%add3A, %dma_wait3A] : memref<6400x128xi32, #tpu.memory_space<hbm>> -> memref<16x128xi32, #tpu.memory_space<hbm>>
        %dma_wait3A_74 = arith.constant 0 : i32
        %dma_wait3A_75 = tpu.memref_slice %arg4[%add3A, %dma_wait3A_74] : memref<6400x128xi32, #tpu.memory_space<hbm>> -> memref<16x128xi32, #tpu.memory_space<hbm>>
        tpu.wait_dma2 semaphore(%run_scoped3A : memref<!tpu.dma_semaphore, #tpu.memory_space<semaphore_mem>>) src(%dma_wait3A_75 : memref<16x128xi32, #tpu.memory_space<hbm>>) dst(%arg11 : memref<16x128xi32, #tpu.memory_space<vmem>>)
        tpu.yield
      }) : () -> ()
      "tpu.region"() ({
        %run_scoped3A = tpu.sem_alloc : memref<!tpu.dma_semaphore, #tpu.memory_space<semaphore_mem>>
        %dma_start3A = arith.constant 0 : i32
        %dma_start3A_70 = tpu.memref_slice %arg5[%add3A, %dma_start3A] : memref<6400x128xf32, #tpu.memory_space<hbm>> -> memref<16x128xf32, #tpu.memory_space<hbm>>
        %dma_start3A_71 = arith.constant 0 : i32
        %dma_start3A_72 = tpu.memref_slice %arg5[%add3A, %dma_start3A_71] : memref<6400x128xf32, #tpu.memory_space<hbm>> -> memref<16x128xf32, #tpu.memory_space<hbm>>
        tpu.enqueue_dma source(%dma_start3A_72 : memref<16x128xf32, #tpu.memory_space<hbm>>) target(%arg12 : memref<16x128xf32, #tpu.memory_space<vmem>>) target_semaphore(%run_scoped3A : memref<!tpu.dma_semaphore, #tpu.memory_space<semaphore_mem>>)
        %dma_wait3A = arith.constant 0 : i32
        %dma_wait3A_73 = tpu.memref_slice %arg5[%add3A, %dma_wait3A] : memref<6400x128xf32, #tpu.memory_space<hbm>> -> memref<16x128xf32, #tpu.memory_space<hbm>>
        %dma_wait3A_74 = arith.constant 0 : i32
        %dma_wait3A_75 = tpu.memref_slice %arg5[%add3A, %dma_wait3A_74] : memref<6400x128xf32, #tpu.memory_space<hbm>> -> memref<16x128xf32, #tpu.memory_space<hbm>>
        tpu.wait_dma2 semaphore(%run_scoped3A : memref<!tpu.dma_semaphore, #tpu.memory_space<semaphore_mem>>) src(%dma_wait3A_75 : memref<16x128xf32, #tpu.memory_space<hbm>>) dst(%arg12 : memref<16x128xf32, #tpu.memory_space<vmem>>)
        tpu.yield
      }) : () -> ()
      %scan3A_65 = arith.constant 0 : i32
      %scan3A_66 = arith.constant 16 : i32
      %scan3A_67 = arith.addi %scan3A_65, %scan3A_66 : i32
      %scan3A_68 = arith.constant 1 : i32
      scf.for %scan3A_70 = %scan3A_65 to %scan3A_67 step %scan3A_68  : i32 {
        %dma_start3A = arith.constant 0 : i32
        %dma_start3A_71 = tpu.memref_slice %arg10[%scan3A_70, %dma_start3A] : memref<16x128xi32, #tpu.memory_space<vmem>> -> memref<1x128xi32, #tpu.memory_space<vmem>>
        %dma_start3A_72 = tpu.memref_squeeze %dma_start3A_71 : memref<1x128xi32, #tpu.memory_space<vmem>> -> memref<128xi32, #tpu.memory_space<vmem>>
        %dma_start3A_73 = arith.constant 0 : i32
        %dma_start3A_74 = arith.constant 0 : i32
        %dma_start3A_75 = tpu.memref_slice %arg2[%dma_start3A_73, %dma_start3A_74] : memref<102400x32xf32, #tpu.memory_space<hbm>> -> memref<102400x32xf32, #tpu.memory_space<hbm>>
        tpu.enqueue_indirect_dma source(%dma_start3A_75 : memref<102400x32xf32, #tpu.memory_space<hbm>>) target(%arg13 : memref<128x32xf32, #tpu.memory_space<vmem>>) offsets(%dma_start3A_72 : memref<128xi32, #tpu.memory_space<vmem>>) semaphore(%arg18 : memref<!tpu.dma_semaphore, #tpu.memory_space<semaphore_mem>>)
        %dma_wait3A = arith.constant 0 : i32
        %dma_wait3A_76 = tpu.memref_slice %arg10[%scan3A_70, %dma_wait3A] : memref<16x128xi32, #tpu.memory_space<vmem>> -> memref<1x128xi32, #tpu.memory_space<vmem>>
        %dma_wait3A_77 = tpu.memref_squeeze %dma_wait3A_76 : memref<1x128xi32, #tpu.memory_space<vmem>> -> memref<128xi32, #tpu.memory_space<vmem>>
        %dma_wait3A_78 = arith.constant 0 : i32
        %dma_wait3A_79 = arith.constant 0 : i32
        %dma_wait3A_80 = tpu.memref_slice %arg2[%dma_wait3A_78, %dma_wait3A_79] : memref<102400x32xf32, #tpu.memory_space<hbm>> -> memref<102400x32xf32, #tpu.memory_space<hbm>>
        tpu.wait_indirect_dma semaphore(%arg18 : memref<!tpu.dma_semaphore, #tpu.memory_space<semaphore_mem>>) src(%dma_wait3A_80 : memref<102400x32xf32, #tpu.memory_space<hbm>>) dst(%arg13 : memref<128x32xf32, #tpu.memory_space<vmem>>)
        %scan3A_81 = arith.constant 0 : i32
        %scan3A_82 = arith.constant 8 : i32
        %scan3A_83 = arith.addi %scan3A_81, %scan3A_82 : i32
        %scan3A_84 = arith.constant 1 : i32
        scf.for %scan3A_86 = %scan3A_81 to %scan3A_83 step %scan3A_84  : i32 {
          %mul3A_87 = arith.constant 16 : i32
          %mul3A_88 = arith.muli %scan3A_86, %mul3A_87 : i32
          %get3A = arith.index_cast %scan3A_70 : i32 to index
          %get3A_89 = arith.index_cast %mul3A_88 : i32 to index
          %get3A_90 = tpu.vector_load %arg12[%get3A, %get3A_89] {strides = array<i32>} : memref<16x128xf32, #tpu.memory_space<vmem>>, vector<1x16xf32>,
          %get3A_91 = vector.shape_cast %get3A_90 : vector<1x16xf32> to vector<16xf32>
          %mul3A_92 = arith.constant 16 : i32
          %mul3A_93 = arith.muli %scan3A_86, %mul3A_92 : i32
          %add3A_94 = arith.constant 0 : i32
          %add3A_95 = arith.addi %mul3A_93, %add3A_94 : i32
          %slice3A = vector.extract_strided_slice %get3A_91 {offsets = [0], sizes = [1], strides = [1]} : vector<16xf32> to vector<1xf32>
          %squeeze3A = vector.extract %slice3A[0] : f32 from vector<1xf32>
          %get3A_96 = arith.index_cast %add3A_95 : i32 to index
          %get3A_97 = arith.constant 0 : index
          %get3A_98 = tpu.vector_load %arg13[%get3A_96, %get3A_97] {strides = array<i32>} : memref<128x32xf32, #tpu.memory_space<vmem>>, vector<1x16xf32>,
          %get3A_99 = vector.shape_cast %get3A_98 : vector<1x16xf32> to vector<16xf32>
          %mul3A_100 = vector.broadcast %squeeze3A : f32 to vector<16xf32>
          %mul3A_101 = arith.mulf %get3A_99, %mul3A_100 : vector<16xf32>
          %swap3A = arith.index_cast %add3A_95 : i32 to index
          %swap3A_102 = arith.constant 0 : index
          %swap3A_103 = tpu.vector_load %arg13[%swap3A, %swap3A_102] {strides = array<i32>} : memref<128x32xf32, #tpu.memory_space<vmem>>, vector<1x16xf32>,
          %swap3A_104 = vector.shape_cast %swap3A_103 : vector<1x16xf32> to vector<16xf32>
          %swap3A_105 = vector.shape_cast %mul3A_101 : vector<16xf32> to vector<1x16xf32>
          tpu.vector_store %arg13[%swap3A, %swap3A_102], %swap3A_105 {strides = array<i32>} : memref<128x32xf32, #tpu.memory_space<vmem>>, vector<1x16xf32>,
          %get3A_106 = arith.index_cast %add3A_95 : i32 to index
          %get3A_107 = arith.constant 16 : index
          %get3A_108 = tpu.vector_load %arg13[%get3A_106, %get3A_107] {strides = array<i32>} : memref<128x32xf32, #tpu.memory_space<vmem>>, vector<1x16xf32>,
          %get3A_109 = vector.shape_cast %get3A_108 : vector<1x16xf32> to vector<16xf32>
          %mul3A_110 = vector.broadcast %squeeze3A : f32 to vector<16xf32>
          %mul3A_111 = arith.mulf %get3A_109, %mul3A_110 : vector<16xf32>
          %swap3A_112 = arith.index_cast %add3A_95 : i32 to index
          %swap3A_113 = arith.constant 16 : index
          %swap3A_114 = tpu.vector_load %arg13[%swap3A_112, %swap3A_113] {strides = array<i32>} : memref<128x32xf32, #tpu.memory_space<vmem>>, vector<1x16xf32>,
          %swap3A_115 = vector.shape_cast %swap3A_114 : vector<1x16xf32> to vector<16xf32>
          %swap3A_116 = vector.shape_cast %mul3A_111 : vector<16xf32> to vector<1x16xf32>
          tpu.vector_store %arg13[%swap3A_112, %swap3A_113], %swap3A_116 {strides = array<i32>} : memref<128x32xf32, #tpu.memory_space<vmem>>, vector<1x16xf32>,
          %mul3A_117 = arith.constant 16 : i32
          %mul3A_118 = arith.muli %scan3A_86, %mul3A_117 : i32
          %add3A_119 = arith.constant 1 : i32
          %add3A_120 = arith.addi %mul3A_118, %add3A_119 : i32
          %slice3A_121 = vector.extract_strided_slice %get3A_91 {offsets = [1], sizes = [1], strides = [1]} : vector<16xf32> to vector<1xf32>
          %squeeze3A_122 = vector.extract %slice3A_121[0] : f32 from vector<1xf32>
          %get3A_123 = arith.index_cast %add3A_120 : i32 to index
          %get3A_124 = arith.constant 0 : index
          %get3A_125 = tpu.vector_load %arg13[%get3A_123, %get3A_124] {strides = array<i32>} : memref<128x32xf32, #tpu.memory_space<vmem>>, vector<1x16xf32>,
          %get3A_126 = vector.shape_cast %get3A_125 : vector<1x16xf32> to vector<16xf32>
          %mul3A_127 = vector.broadcast %squeeze3A_122 : f32 to vector<16xf32>
          %mul3A_128 = arith.mulf %get3A_126, %mul3A_127 : vector<16xf32>
          %swap3A_129 = arith.index_cast %add3A_120 : i32 to index
          %swap3A_130 = arith.constant 0 : index
          %swap3A_131 = tpu.vector_load %arg13[%swap3A_129, %swap3A_130] {strides = array<i32>} : memref<128x32xf32, #tpu.memory_space<vmem>>, vector<1x16xf32>,
          %swap3A_132 = vector.shape_cast %swap3A_131 : vector<1x16xf32> to vector<16xf32>
          %swap3A_133 = vector.shape_cast %mul3A_128 : vector<16xf32> to vector<1x16xf32>
          tpu.vector_store %arg13[%swap3A_129, %swap3A_130], %swap3A_133 {strides = array<i32>} : memref<128x32xf32, #tpu.memory_space<vmem>>, vector<1x16xf32>,
          %get3A_134 = arith.index_cast %add3A_120 : i32 to index
          %get3A_135 = arith.constant 16 : index
          %get3A_136 = tpu.vector_load %arg13[%get3A_134, %get3A_135] {strides = array<i32>} : memref<128x32xf32, #tpu.memory_space<vmem>>, vector<1x16xf32>,
          %get3A_137 = vector.shape_cast %get3A_136 : vector<1x16xf32> to vector<16xf32>
          %mul3A_138 = vector.broadcast %squeeze3A_122 : f32 to vector<16xf32>
          %mul3A_139 = arith.mulf %get3A_137, %mul3A_138 : vector<16xf32>
          %swap3A_140 = arith.index_cast %add3A_120 : i32 to index
          %swap3A_141 = arith.constant 16 : index
          %swap3A_142 = tpu.vector_load %arg13[%swap3A_140, %swap3A_141] {strides = array<i32>} : memref<128x32xf32, #tpu.memory_space<vmem>>, vector<1x16xf32>,
          %swap3A_143 = vector.shape_cast %swap3A_142 : vector<1x16xf32> to vector<16xf32>
          %swap3A_144 = vector.shape_cast %mul3A_139 : vector<16xf32> to vector<1x16xf32>
          tpu.vector_store %arg13[%swap3A_140, %swap3A_141], %swap3A_144 {strides = array<i32>} : memref<128x32xf32, #tpu.memory_space<vmem>>, vector<1x16xf32>,
          %mul3A_145 = arith.constant 16 : i32
          %mul3A_146 = arith.muli %scan3A_86, %mul3A_145 : i32
          %add3A_147 = arith.constant 2 : i32
          %add3A_148 = arith.addi %mul3A_146, %add3A_147 : i32
          %slice3A_149 = vector.extract_strided_slice %get3A_91 {offsets = [2], sizes = [1], strides = [1]} : vector<16xf32> to vector<1xf32>
          %squeeze3A_150 = vector.extract %slice3A_149[0] : f32 from vector<1xf32>
          %get3A_151 = arith.index_cast %add3A_148 : i32 to index
          %get3A_152 = arith.constant 0 : index
          %get3A_153 = tpu.vector_load %arg13[%get3A_151, %get3A_152] {strides = array<i32>} : memref<128x32xf32, #tpu.memory_space<vmem>>, vector<1x16xf32>,
          %get3A_154 = vector.shape_cast %get3A_153 : vector<1x16xf32> to vector<16xf32>
          %mul3A_155 = vector.broadcast %squeeze3A_150 : f32 to vector<16xf32>
          %mul3A_156 = arith.mulf %get3A_154, %mul3A_155 : vector<16xf32>
          %swap3A_157 = arith.index_cast %add3A_148 : i32 to index
          %swap3A_158 = arith.constant 0 : index
          %swap3A_159 = tpu.vector_load %arg13[%swap3A_157, %swap3A_158] {strides = array<i32>} : memref<128x32xf32, #tpu.memory_space<vmem>>, vector<1x16xf32>,
          %swap3A_160 = vector.shape_cast %swap3A_159 : vector<1x16xf32> to vector<16xf32>
          %swap3A_161 = vector.shape_cast %mul3A_156 : vector<16xf32> to vector<1x16xf32>
          tpu.vector_store %arg13[%swap3A_157, %swap3A_158], %swap3A_161 {strides = array<i32>} : memref<128x32xf32, #tpu.memory_space<vmem>>, vector<1x16xf32>,
          %get3A_162 = arith.index_cast %add3A_148 : i32 to index
          %get3A_163 = arith.constant 16 : index
          %get3A_164 = tpu.vector_load %arg13[%get3A_162, %get3A_163] {strides = array<i32>} : memref<128x32xf32, #tpu.memory_space<vmem>>, vector<1x16xf32>,
          %get3A_165 = vector.shape_cast %get3A_164 : vector<1x16xf32> to vector<16xf32>
          %mul3A_166 = vector.broadcast %squeeze3A_150 : f32 to vector<16xf32>
          %mul3A_167 = arith.mulf %get3A_165, %mul3A_166 : vector<16xf32>
          %swap3A_168 = arith.index_cast %add3A_148 : i32 to index
          %swap3A_169 = arith.constant 16 : index
          %swap3A_170 = tpu.vector_load %arg13[%swap3A_168, %swap3A_169] {strides = array<i32>} : memref<128x32xf32, #tpu.memory_space<vmem>>, vector<1x16xf32>,
          %swap3A_171 = vector.shape_cast %swap3A_170 : vector<1x16xf32> to vector<16xf32>
          %swap3A_172 = vector.shape_cast %mul3A_167 : vector<16xf32> to vector<1x16xf32>
          tpu.vector_store %arg13[%swap3A_168, %swap3A_169], %swap3A_172 {strides = array<i32>} : memref<128x32xf32, #tpu.memory_space<vmem>>, vector<1x16xf32>,
          %mul3A_173 = arith.constant 16 : i32
          %mul3A_174 = arith.muli %scan3A_86, %mul3A_173 : i32
          %add3A_175 = arith.constant 3 : i32
          %add3A_176 = arith.addi %mul3A_174, %add3A_175 : i32
          %slice3A_177 = vector.extract_strided_slice %get3A_91 {offsets = [3], sizes = [1], strides = [1]} : vector<16xf32> to vector<1xf32>
          %squeeze3A_178 = vector.extract %slice3A_177[0] : f32 from vector<1xf32>
          %get3A_179 = arith.index_cast %add3A_176 : i32 to index
          %get3A_180 = arith.constant 0 : index
          %get3A_181 = tpu.vector_load %arg13[%get3A_179, %get3A_180] {strides = array<i32>} : memref<128x32xf32, #tpu.memory_space<vmem>>, vector<1x16xf32>,
          %get3A_182 = vector.shape_cast %get3A_181 : vector<1x16xf32> to vector<16xf32>
          %mul3A_183 = vector.broadcast %squeeze3A_178 : f32 to vector<16xf32>
          %mul3A_184 = arith.mulf %get3A_182, %mul3A_183 : vector<16xf32>
          %swap3A_185 = arith.index_cast %add3A_176 : i32 to index
          %swap3A_186 = arith.constant 0 : index
          %swap3A_187 = tpu.vector_load %arg13[%swap3A_185, %swap3A_186] {strides = array<i32>} : memref<128x32xf32, #tpu.memory_space<vmem>>, vector<1x16xf32>,
          %swap3A_188 = vector.shape_cast %swap3A_187 : vector<1x16xf32> to vector<16xf32>
          %swap3A_189 = vector.shape_cast %mul3A_184 : vector<16xf32> to vector<1x16xf32>
          tpu.vector_store %arg13[%swap3A_185, %swap3A_186], %swap3A_189 {strides = array<i32>} : memref<128x32xf32, #tpu.memory_space<vmem>>, vector<1x16xf32>,
          %get3A_190 = arith.index_cast %add3A_176 : i32 to index
          %get3A_191 = arith.constant 16 : index
          %get3A_192 = tpu.vector_load %arg13[%get3A_190, %get3A_191] {strides = array<i32>} : memref<128x32xf32, #tpu.memory_space<vmem>>, vector<1x16xf32>,
          %get3A_193 = vector.shape_cast %get3A_192 : vector<1x16xf32> to vector<16xf32>
          %mul3A_194 = vector.broadcast %squeeze3A_178 : f32 to vector<16xf32>
          %mul3A_195 = arith.mulf %get3A_193, %mul3A_194 : vector<16xf32>
          %swap3A_196 = arith.index_cast %add3A_176 : i32 to index
          %swap3A_197 = arith.constant 16 : index
          %swap3A_198 = tpu.vector_load %arg13[%swap3A_196, %swap3A_197] {strides = array<i32>} : memref<128x32xf32, #tpu.memory_space<vmem>>, vector<1x16xf32>,
          %swap3A_199 = vector.shape_cast %swap3A_198 : vector<1x16xf32> to vector<16xf32>
          %swap3A_200 = vector.shape_cast %mul3A_195 : vector<16xf32> to vector<1x16xf32>
          tpu.vector_store %arg13[%swap3A_196, %swap3A_197], %swap3A_200 {strides = array<i32>} : memref<128x32xf32, #tpu.memory_space<vmem>>, vector<1x16xf32>,
          %mul3A_201 = arith.constant 16 : i32
          %mul3A_202 = arith.muli %scan3A_86, %mul3A_201 : i32
          %add3A_203 = arith.constant 4 : i32
          %add3A_204 = arith.addi %mul3A_202, %add3A_203 : i32
          %slice3A_205 = vector.extract_strided_slice %get3A_91 {offsets = [4], sizes = [1], strides = [1]} : vector<16xf32> to vector<1xf32>
          %squeeze3A_206 = vector.extract %slice3A_205[0] : f32 from vector<1xf32>
          %get3A_207 = arith.index_cast %add3A_204 : i32 to index
          %get3A_208 = arith.constant 0 : index
          %get3A_209 = tpu.vector_load %arg13[%get3A_207, %get3A_208] {strides = array<i32>} : memref<128x32xf32, #tpu.memory_space<vmem>>, vector<1x16xf32>,
          %get3A_210 = vector.shape_cast %get3A_209 : vector<1x16xf32> to vector<16xf32>
          %mul3A_211 = vector.broadcast %squeeze3A_206 : f32 to vector<16xf32>
          %mul3A_212 = arith.mulf %get3A_210, %mul3A_211 : vector<16xf32>
          %swap3A_213 = arith.index_cast %add3A_204 : i32 to index
          %swap3A_214 = arith.constant 0 : index
          %swap3A_215 = tpu.vector_load %arg13[%swap3A_213, %swap3A_214] {strides = array<i32>} : memref<128x32xf32, #tpu.memory_space<vmem>>, vector<1x16xf32>,
          %swap3A_216 = vector.shape_cast %swap3A_215 : vector<1x16xf32> to vector<16xf32>
          %swap3A_217 = vector.shape_cast %mul3A_212 : vector<16xf32> to vector<1x16xf32>
          tpu.vector_store %arg13[%swap3A_213, %swap3A_214], %swap3A_217 {strides = array<i32>} : memref<128x32xf32, #tpu.memory_space<vmem>>, vector<1x16xf32>,
          %get3A_218 = arith.index_cast %add3A_204 : i32 to index
          %get3A_219 = arith.constant 16 : index
          %get3A_220 = tpu.vector_load %arg13[%get3A_218, %get3A_219] {strides = array<i32>} : memref<128x32xf32, #tpu.memory_space<vmem>>, vector<1x16xf32>,
          %get3A_221 = vector.shape_cast %get3A_220 : vector<1x16xf32> to vector<16xf32>
          %mul3A_222 = vector.broadcast %squeeze3A_206 : f32 to vector<16xf32>
          %mul3A_223 = arith.mulf %get3A_221, %mul3A_222 : vector<16xf32>
          %swap3A_224 = arith.index_cast %add3A_204 : i32 to index
          %swap3A_225 = arith.constant 16 : index
          %swap3A_226 = tpu.vector_load %arg13[%swap3A_224, %swap3A_225] {strides = array<i32>} : memref<128x32xf32, #tpu.memory_space<vmem>>, vector<1x16xf32>,
          %swap3A_227 = vector.shape_cast %swap3A_226 : vector<1x16xf32> to vector<16xf32>
          %swap3A_228 = vector.shape_cast %mul3A_223 : vector<16xf32> to vector<1x16xf32>
          tpu.vector_store %arg13[%swap3A_224, %swap3A_225], %swap3A_228 {strides = array<i32>} : memref<128x32xf32, #tpu.memory_space<vmem>>, vector<1x16xf32>,
          %mul3A_229 = arith.constant 16 : i32
          %mul3A_230 = arith.muli %scan3A_86, %mul3A_229 : i32
          %add3A_231 = arith.constant 5 : i32
          %add3A_232 = arith.addi %mul3A_230, %add3A_231 : i32
          %slice3A_233 = vector.extract_strided_slice %get3A_91 {offsets = [5], sizes = [1], strides = [1]} : vector<16xf32> to vector<1xf32>
          %squeeze3A_234 = vector.extract %slice3A_233[0] : f32 from vector<1xf32>
          %get3A_235 = arith.index_cast %add3A_232 : i32 to index
          %get3A_236 = arith.constant 0 : index
          %get3A_237 = tpu.vector_load %arg13[%get3A_235, %get3A_236] {strides = array<i32>} : memref<128x32xf32, #tpu.memory_space<vmem>>, vector<1x16xf32>,
          %get3A_238 = vector.shape_cast %get3A_237 : vector<1x16xf32> to vector<16xf32>
          %mul3A_239 = vector.broadcast %squeeze3A_234 : f32 to vector<16xf32>
          %mul3A_240 = arith.mulf %get3A_238, %mul3A_239 : vector<16xf32>
          %swap3A_241 = arith.index_cast %add3A_232 : i32 to index
          %swap3A_242 = arith.constant 0 : index
          %swap3A_243 = tpu.vector_load %arg13[%swap3A_241, %swap3A_242] {strides = array<i32>} : memref<128x32xf32, #tpu.memory_space<vmem>>, vector<1x16xf32>,
          %swap3A_244 = vector.shape_cast %swap3A_243 : vector<1x16xf32> to vector<16xf32>
          %swap3A_245 = vector.shape_cast %mul3A_240 : vector<16xf32> to vector<1x16xf32>
          tpu.vector_store %arg13[%swap3A_241, %swap3A_242], %swap3A_245 {strides = array<i32>} : memref<128x32xf32, #tpu.memory_space<vmem>>, vector<1x16xf32>,
          %get3A_246 = arith.index_cast %add3A_232 : i32 to index
          %get3A_247 = arith.constant 16 : index
          %get3A_248 = tpu.vector_load %arg13[%get3A_246, %get3A_247] {strides = array<i32>} : memref<128x32xf32, #tpu.memory_space<vmem>>, vector<1x16xf32>,
          %get3A_249 = vector.shape_cast %get3A_248 : vector<1x16xf32> to vector<16xf32>
          %mul3A_250 = vector.broadcast %squeeze3A_234 : f32 to vector<16xf32>
          %mul3A_251 = arith.mulf %get3A_249, %mul3A_250 : vector<16xf32>
          %swap3A_252 = arith.index_cast %add3A_232 : i32 to index
          %swap3A_253 = arith.constant 16 : index
          %swap3A_254 = tpu.vector_load %arg13[%swap3A_252, %swap3A_253] {strides = array<i32>} : memref<128x32xf32, #tpu.memory_space<vmem>>, vector<1x16xf32>,
          %swap3A_255 = vector.shape_cast %swap3A_254 : vector<1x16xf32> to vector<16xf32>
          %swap3A_256 = vector.shape_cast %mul3A_251 : vector<16xf32> to vector<1x16xf32>
          tpu.vector_store %arg13[%swap3A_252, %swap3A_253], %swap3A_256 {strides = array<i32>} : memref<128x32xf32, #tpu.memory_space<vmem>>, vector<1x16xf32>,
          %mul3A_257 = arith.constant 16 : i32
          %mul3A_258 = arith.muli %scan3A_86, %mul3A_257 : i32
          %add3A_259 = arith.constant 6 : i32
          %add3A_260 = arith.addi %mul3A_258, %add3A_259 : i32
          %slice3A_261 = vector.extract_strided_slice %get3A_91 {offsets = [6], sizes = [1], strides = [1]} : vector<16xf32> to vector<1xf32>
          %squeeze3A_262 = vector.extract %slice3A_261[0] : f32 from vector<1xf32>
          %get3A_263 = arith.index_cast %add3A_260 : i32 to index
          %get3A_264 = arith.constant 0 : index
          %get3A_265 = tpu.vector_load %arg13[%get3A_263, %get3A_264] {strides = array<i32>} : memref<128x32xf32, #tpu.memory_space<vmem>>, vector<1x16xf32>,
          %get3A_266 = vector.shape_cast %get3A_265 : vector<1x16xf32> to vector<16xf32>
          %mul3A_267 = vector.broadcast %squeeze3A_262 : f32 to vector<16xf32>
          %mul3A_268 = arith.mulf %get3A_266, %mul3A_267 : vector<16xf32>
          %swap3A_269 = arith.index_cast %add3A_260 : i32 to index
          %swap3A_270 = arith.constant 0 : index
          %swap3A_271 = tpu.vector_load %arg13[%swap3A_269, %swap3A_270] {strides = array<i32>} : memref<128x32xf32, #tpu.memory_space<vmem>>, vector<1x16xf32>,
          %swap3A_272 = vector.shape_cast %swap3A_271 : vector<1x16xf32> to vector<16xf32>
          %swap3A_273 = vector.shape_cast %mul3A_268 : vector<16xf32> to vector<1x16xf32>
          tpu.vector_store %arg13[%swap3A_269, %swap3A_270], %swap3A_273 {strides = array<i32>} : memref<128x32xf32, #tpu.memory_space<vmem>>, vector<1x16xf32>,
          %get3A_274 = arith.index_cast %add3A_260 : i32 to index
          %get3A_275 = arith.constant 16 : index
          %get3A_276 = tpu.vector_load %arg13[%get3A_274, %get3A_275] {strides = array<i32>} : memref<128x32xf32, #tpu.memory_space<vmem>>, vector<1x16xf32>,
          %get3A_277 = vector.shape_cast %get3A_276 : vector<1x16xf32> to vector<16xf32>
          %mul3A_278 = vector.broadcast %squeeze3A_262 : f32 to vector<16xf32>
          %mul3A_279 = arith.mulf %get3A_277, %mul3A_278 : vector<16xf32>
          %swap3A_280 = arith.index_cast %add3A_260 : i32 to index
          %swap3A_281 = arith.constant 16 : index
          %swap3A_282 = tpu.vector_load %arg13[%swap3A_280, %swap3A_281] {strides = array<i32>} : memref<128x32xf32, #tpu.memory_space<vmem>>, vector<1x16xf32>,
          %swap3A_283 = vector.shape_cast %swap3A_282 : vector<1x16xf32> to vector<16xf32>
          %swap3A_284 = vector.shape_cast %mul3A_279 : vector<16xf32> to vector<1x16xf32>
          tpu.vector_store %arg13[%swap3A_280, %swap3A_281], %swap3A_284 {strides = array<i32>} : memref<128x32xf32, #tpu.memory_space<vmem>>, vector<1x16xf32>,
          %mul3A_285 = arith.constant 16 : i32
          %mul3A_286 = arith.muli %scan3A_86, %mul3A_285 : i32
          %add3A_287 = arith.constant 7 : i32
          %add3A_288 = arith.addi %mul3A_286, %add3A_287 : i32
          %slice3A_289 = vector.extract_strided_slice %get3A_91 {offsets = [7], sizes = [1], strides = [1]} : vector<16xf32> to vector<1xf32>
          %squeeze3A_290 = vector.extract %slice3A_289[0] : f32 from vector<1xf32>
          %get3A_291 = arith.index_cast %add3A_288 : i32 to index
          %get3A_292 = arith.constant 0 : index
          %get3A_293 = tpu.vector_load %arg13[%get3A_291, %get3A_292] {strides = array<i32>} : memref<128x32xf32, #tpu.memory_space<vmem>>, vector<1x16xf32>,
          %get3A_294 = vector.shape_cast %get3A_293 : vector<1x16xf32> to vector<16xf32>
          %mul3A_295 = vector.broadcast %squeeze3A_290 : f32 to vector<16xf32>
          %mul3A_296 = arith.mulf %get3A_294, %mul3A_295 : vector<16xf32>
          %swap3A_297 = arith.index_cast %add3A_288 : i32 to index
          %swap3A_298 = arith.constant 0 : index
          %swap3A_299 = tpu.vector_load %arg13[%swap3A_297, %swap3A_298] {strides = array<i32>} : memref<128x32xf32, #tpu.memory_space<vmem>>, vector<1x16xf32>,
          %swap3A_300 = vector.shape_cast %swap3A_299 : vector<1x16xf32> to vector<16xf32>
          %swap3A_301 = vector.shape_cast %mul3A_296 : vector<16xf32> to vector<1x16xf32>
          tpu.vector_store %arg13[%swap3A_297, %swap3A_298], %swap3A_301 {strides = array<i32>} : memref<128x32xf32, #tpu.memory_space<vmem>>, vector<1x16xf32>,
          %get3A_302 = arith.index_cast %add3A_288 : i32 to index
          %get3A_303 = arith.constant 16 : index
          %get3A_304 = tpu.vector_load %arg13[%get3A_302, %get3A_303] {strides = array<i32>} : memref<128x32xf32, #tpu.memory_space<vmem>>, vector<1x16xf32>,
          %get3A_305 = vector.shape_cast %get3A_304 : vector<1x16xf32> to vector<16xf32>
          %mul3A_306 = vector.broadcast %squeeze3A_290 : f32 to vector<16xf32>
          %mul3A_307 = arith.mulf %get3A_305, %mul3A_306 : vector<16xf32>
          %swap3A_308 = arith.index_cast %add3A_288 : i32 to index
          %swap3A_309 = arith.constant 16 : index
          %swap3A_310 = tpu.vector_load %arg13[%swap3A_308, %swap3A_309] {strides = array<i32>} : memref<128x32xf32, #tpu.memory_space<vmem>>, vector<1x16xf32>,
          %swap3A_311 = vector.shape_cast %swap3A_310 : vector<1x16xf32> to vector<16xf32>
          %swap3A_312 = vector.shape_cast %mul3A_307 : vector<16xf32> to vector<1x16xf32>
          tpu.vector_store %arg13[%swap3A_308, %swap3A_309], %swap3A_312 {strides = array<i32>} : memref<128x32xf32, #tpu.memory_space<vmem>>, vector<1x16xf32>,
          %mul3A_313 = arith.constant 16 : i32
          %mul3A_314 = arith.muli %scan3A_86, %mul3A_313 : i32
          %add3A_315 = arith.constant 8 : i32
          %add3A_316 = arith.addi %mul3A_314, %add3A_315 : i32
          %slice3A_317 = vector.extract_strided_slice %get3A_91 {offsets = [8], sizes = [1], strides = [1]} : vector<16xf32> to vector<1xf32>
          %squeeze3A_318 = vector.extract %slice3A_317[0] : f32 from vector<1xf32>
          %get3A_319 = arith.index_cast %add3A_316 : i32 to index
          %get3A_320 = arith.constant 0 : index
          %get3A_321 = tpu.vector_load %arg13[%get3A_319, %get3A_320] {strides = array<i32>} : memref<128x32xf32, #tpu.memory_space<vmem>>, vector<1x16xf32>,
          %get3A_322 = vector.shape_cast %get3A_321 : vector<1x16xf32> to vector<16xf32>
          %mul3A_323 = vector.broadcast %squeeze3A_318 : f32 to vector<16xf32>
          %mul3A_324 = arith.mulf %get3A_322, %mul3A_323 : vector<16xf32>
          %swap3A_325 = arith.index_cast %add3A_316 : i32 to index
          %swap3A_326 = arith.constant 0 : index
          %swap3A_327 = tpu.vector_load %arg13[%swap3A_325, %swap3A_326] {strides = array<i32>} : memref<128x32xf32, #tpu.memory_space<vmem>>, vector<1x16xf32>,
          %swap3A_328 = vector.shape_cast %swap3A_327 : vector<1x16xf32> to vector<16xf32>
          %swap3A_329 = vector.shape_cast %mul3A_324 : vector<16xf32> to vector<1x16xf32>
          tpu.vector_store %arg13[%swap3A_325, %swap3A_326], %swap3A_329 {strides = array<i32>} : memref<128x32xf32, #tpu.memory_space<vmem>>, vector<1x16xf32>,
          %get3A_330 = arith.index_cast %add3A_316 : i32 to index
          %get3A_331 = arith.constant 16 : index
          %get3A_332 = tpu.vector_load %arg13[%get3A_330, %get3A_331] {strides = array<i32>} : memref<128x32xf32, #tpu.memory_space<vmem>>, vector<1x16xf32>,
          %get3A_333 = vector.shape_cast %get3A_332 : vector<1x16xf32> to vector<16xf32>
          %mul3A_334 = vector.broadcast %squeeze3A_318 : f32 to vector<16xf32>
          %mul3A_335 = arith.mulf %get3A_333, %mul3A_334 : vector<16xf32>
          %swap3A_336 = arith.index_cast %add3A_316 : i32 to index
          %swap3A_337 = arith.constant 16 : index
          %swap3A_338 = tpu.vector_load %arg13[%swap3A_336, %swap3A_337] {strides = array<i32>} : memref<128x32xf32, #tpu.memory_space<vmem>>, vector<1x16xf32>,
          %swap3A_339 = vector.shape_cast %swap3A_338 : vector<1x16xf32> to vector<16xf32>
          %swap3A_340 = vector.shape_cast %mul3A_335 : vector<16xf32> to vector<1x16xf32>
          tpu.vector_store %arg13[%swap3A_336, %swap3A_337], %swap3A_340 {strides = array<i32>} : memref<128x32xf32, #tpu.memory_space<vmem>>, vector<1x16xf32>,
          %mul3A_341 = arith.constant 16 : i32
          %mul3A_342 = arith.muli %scan3A_86, %mul3A_341 : i32
          %add3A_343 = arith.constant 9 : i32
          %add3A_344 = arith.addi %mul3A_342, %add3A_343 : i32
          %slice3A_345 = vector.extract_strided_slice %get3A_91 {offsets = [9], sizes = [1], strides = [1]} : vector<16xf32> to vector<1xf32>
          %squeeze3A_346 = vector.extract %slice3A_345[0] : f32 from vector<1xf32>
          %get3A_347 = arith.index_cast %add3A_344 : i32 to index
          %get3A_348 = arith.constant 0 : index
          %get3A_349 = tpu.vector_load %arg13[%get3A_347, %get3A_348] {strides = array<i32>} : memref<128x32xf32, #tpu.memory_space<vmem>>, vector<1x16xf32>,
          %get3A_350 = vector.shape_cast %get3A_349 : vector<1x16xf32> to vector<16xf32>
          %mul3A_351 = vector.broadcast %squeeze3A_346 : f32 to vector<16xf32>
          %mul3A_352 = arith.mulf %get3A_350, %mul3A_351 : vector<16xf32>
          %swap3A_353 = arith.index_cast %add3A_344 : i32 to index
          %swap3A_354 = arith.constant 0 : index
          %swap3A_355 = tpu.vector_load %arg13[%swap3A_353, %swap3A_354] {strides = array<i32>} : memref<128x32xf32, #tpu.memory_space<vmem>>, vector<1x16xf32>,
          %swap3A_356 = vector.shape_cast %swap3A_355 : vector<1x16xf32> to vector<16xf32>
          %swap3A_357 = vector.shape_cast %mul3A_352 : vector<16xf32> to vector<1x16xf32>
          tpu.vector_store %arg13[%swap3A_353, %swap3A_354], %swap3A_357 {strides = array<i32>} : memref<128x32xf32, #tpu.memory_space<vmem>>, vector<1x16xf32>,
          %get3A_358 = arith.index_cast %add3A_344 : i32 to index
          %get3A_359 = arith.constant 16 : index
          %get3A_360 = tpu.vector_load %arg13[%get3A_358, %get3A_359] {strides = array<i32>} : memref<128x32xf32, #tpu.memory_space<vmem>>, vector<1x16xf32>,
          %get3A_361 = vector.shape_cast %get3A_360 : vector<1x16xf32> to vector<16xf32>
          %mul3A_362 = vector.broadcast %squeeze3A_346 : f32 to vector<16xf32>
          %mul3A_363 = arith.mulf %get3A_361, %mul3A_362 : vector<16xf32>
          %swap3A_364 = arith.index_cast %add3A_344 : i32 to index
          %swap3A_365 = arith.constant 16 : index
          %swap3A_366 = tpu.vector_load %arg13[%swap3A_364, %swap3A_365] {strides = array<i32>} : memref<128x32xf32, #tpu.memory_space<vmem>>, vector<1x16xf32>,
          %swap3A_367 = vector.shape_cast %swap3A_366 : vector<1x16xf32> to vector<16xf32>
          %swap3A_368 = vector.shape_cast %mul3A_363 : vector<16xf32> to vector<1x16xf32>
          tpu.vector_store %arg13[%swap3A_364, %swap3A_365], %swap3A_368 {strides = array<i32>} : memref<128x32xf32, #tpu.memory_space<vmem>>, vector<1x16xf32>,
          %mul3A_369 = arith.constant 16 : i32
          %mul3A_370 = arith.muli %scan3A_86, %mul3A_369 : i32
          %add3A_371 = arith.constant 10 : i32
          %add3A_372 = arith.addi %mul3A_370, %add3A_371 : i32
          %slice3A_373 = vector.extract_strided_slice %get3A_91 {offsets = [10], sizes = [1], strides = [1]} : vector<16xf32> to vector<1xf32>
          %squeeze3A_374 = vector.extract %slice3A_373[0] : f32 from vector<1xf32>
          %get3A_375 = arith.index_cast %add3A_372 : i32 to index
          %get3A_376 = arith.constant 0 : index
          %get3A_377 = tpu.vector_load %arg13[%get3A_375, %get3A_376] {strides = array<i32>} : memref<128x32xf32, #tpu.memory_space<vmem>>, vector<1x16xf32>,
          %get3A_378 = vector.shape_cast %get3A_377 : vector<1x16xf32> to vector<16xf32>
          %mul3A_379 = vector.broadcast %squeeze3A_374 : f32 to vector<16xf32>
          %mul3A_380 = arith.mulf %get3A_378, %mul3A_379 : vector<16xf32>
          %swap3A_381 = arith.index_cast %add3A_372 : i32 to index
          %swap3A_382 = arith.constant 0 : index
          %swap3A_383 = tpu.vector_load %arg13[%swap3A_381, %swap3A_382] {strides = array<i32>} : memref<128x32xf32, #tpu.memory_space<vmem>>, vector<1x16xf32>,
          %swap3A_384 = vector.shape_cast %swap3A_383 : vector<1x16xf32> to vector<16xf32>
          %swap3A_385 = vector.shape_cast %mul3A_380 : vector<16xf32> to vector<1x16xf32>
          tpu.vector_store %arg13[%swap3A_381, %swap3A_382], %swap3A_385 {strides = array<i32>} : memref<128x32xf32, #tpu.memory_space<vmem>>, vector<1x16xf32>,
          %get3A_386 = arith.index_cast %add3A_372 : i32 to index
          %get3A_387 = arith.constant 16 : index
          %get3A_388 = tpu.vector_load %arg13[%get3A_386, %get3A_387] {strides = array<i32>} : memref<128x32xf32, #tpu.memory_space<vmem>>, vector<1x16xf32>,
          %get3A_389 = vector.shape_cast %get3A_388 : vector<1x16xf32> to vector<16xf32>
          %mul3A_390 = vector.broadcast %squeeze3A_374 : f32 to vector<16xf32>
          %mul3A_391 = arith.mulf %get3A_389, %mul3A_390 : vector<16xf32>
          %swap3A_392 = arith.index_cast %add3A_372 : i32 to index
          %swap3A_393 = arith.constant 16 : index
          %swap3A_394 = tpu.vector_load %arg13[%swap3A_392, %swap3A_393] {strides = array<i32>} : memref<128x32xf32, #tpu.memory_space<vmem>>, vector<1x16xf32>,
          %swap3A_395 = vector.shape_cast %swap3A_394 : vector<1x16xf32> to vector<16xf32>
          %swap3A_396 = vector.shape_cast %mul3A_391 : vector<16xf32> to vector<1x16xf32>
          tpu.vector_store %arg13[%swap3A_392, %swap3A_393], %swap3A_396 {strides = array<i32>} : memref<128x32xf32, #tpu.memory_space<vmem>>, vector<1x16xf32>,
          %mul3A_397 = arith.constant 16 : i32
          %mul3A_398 = arith.muli %scan3A_86, %mul3A_397 : i32
          %add3A_399 = arith.constant 11 : i32
          %add3A_400 = arith.addi %mul3A_398, %add3A_399 : i32
          %slice3A_401 = vector.extract_strided_slice %get3A_91 {offsets = [11], sizes = [1], strides = [1]} : vector<16xf32> to vector<1xf32>
          %squeeze3A_402 = vector.extract %slice3A_401[0] : f32 from vector<1xf32>
          %get3A_403 = arith.index_cast %add3A_400 : i32 to index
          %get3A_404 = arith.constant 0 : index
          %get3A_405 = tpu.vector_load %arg13[%get3A_403, %get3A_404] {strides = array<i32>} : memref<128x32xf32, #tpu.memory_space<vmem>>, vector<1x16xf32>,
          %get3A_406 = vector.shape_cast %get3A_405 : vector<1x16xf32> to vector<16xf32>
          %mul3A_407 = vector.broadcast %squeeze3A_402 : f32 to vector<16xf32>
          %mul3A_408 = arith.mulf %get3A_406, %mul3A_407 : vector<16xf32>
          %swap3A_409 = arith.index_cast %add3A_400 : i32 to index
          %swap3A_410 = arith.constant 0 : index
          %swap3A_411 = tpu.vector_load %arg13[%swap3A_409, %swap3A_410] {strides = array<i32>} : memref<128x32xf32, #tpu.memory_space<vmem>>, vector<1x16xf32>,
          %swap3A_412 = vector.shape_cast %swap3A_411 : vector<1x16xf32> to vector<16xf32>
          %swap3A_413 = vector.shape_cast %mul3A_408 : vector<16xf32> to vector<1x16xf32>
          tpu.vector_store %arg13[%swap3A_409, %swap3A_410], %swap3A_413 {strides = array<i32>} : memref<128x32xf32, #tpu.memory_space<vmem>>, vector<1x16xf32>,
          %get3A_414 = arith.index_cast %add3A_400 : i32 to index
          %get3A_415 = arith.constant 16 : index
          %get3A_416 = tpu.vector_load %arg13[%get3A_414, %get3A_415] {strides = array<i32>} : memref<128x32xf32, #tpu.memory_space<vmem>>, vector<1x16xf32>,
          %get3A_417 = vector.shape_cast %get3A_416 : vector<1x16xf32> to vector<16xf32>
          %mul3A_418 = vector.broadcast %squeeze3A_402 : f32 to vector<16xf32>
          %mul3A_419 = arith.mulf %get3A_417, %mul3A_418 : vector<16xf32>
          %swap3A_420 = arith.index_cast %add3A_400 : i32 to index
          %swap3A_421 = arith.constant 16 : index
          %swap3A_422 = tpu.vector_load %arg13[%swap3A_420, %swap3A_421] {strides = array<i32>} : memref<128x32xf32, #tpu.memory_space<vmem>>, vector<1x16xf32>,
          %swap3A_423 = vector.shape_cast %swap3A_422 : vector<1x16xf32> to vector<16xf32>
          %swap3A_424 = vector.shape_cast %mul3A_419 : vector<16xf32> to vector<1x16xf32>
          tpu.vector_store %arg13[%swap3A_420, %swap3A_421], %swap3A_424 {strides = array<i32>} : memref<128x32xf32, #tpu.memory_space<vmem>>, vector<1x16xf32>,
          %mul3A_425 = arith.constant 16 : i32
          %mul3A_426 = arith.muli %scan3A_86, %mul3A_425 : i32
          %add3A_427 = arith.constant 12 : i32
          %add3A_428 = arith.addi %mul3A_426, %add3A_427 : i32
          %slice3A_429 = vector.extract_strided_slice %get3A_91 {offsets = [12], sizes = [1], strides = [1]} : vector<16xf32> to vector<1xf32>
          %squeeze3A_430 = vector.extract %slice3A_429[0] : f32 from vector<1xf32>
          %get3A_431 = arith.index_cast %add3A_428 : i32 to index
          %get3A_432 = arith.constant 0 : index
          %get3A_433 = tpu.vector_load %arg13[%get3A_431, %get3A_432] {strides = array<i32>} : memref<128x32xf32, #tpu.memory_space<vmem>>, vector<1x16xf32>,
          %get3A_434 = vector.shape_cast %get3A_433 : vector<1x16xf32> to vector<16xf32>
          %mul3A_435 = vector.broadcast %squeeze3A_430 : f32 to vector<16xf32>
          %mul3A_436 = arith.mulf %get3A_434, %mul3A_435 : vector<16xf32>
          %swap3A_437 = arith.index_cast %add3A_428 : i32 to index
          %swap3A_438 = arith.constant 0 : index
          %swap3A_439 = tpu.vector_load %arg13[%swap3A_437, %swap3A_438] {strides = array<i32>} : memref<128x32xf32, #tpu.memory_space<vmem>>, vector<1x16xf32>,
          %swap3A_440 = vector.shape_cast %swap3A_439 : vector<1x16xf32> to vector<16xf32>
          %swap3A_441 = vector.shape_cast %mul3A_436 : vector<16xf32> to vector<1x16xf32>
          tpu.vector_store %arg13[%swap3A_437, %swap3A_438], %swap3A_441 {strides = array<i32>} : memref<128x32xf32, #tpu.memory_space<vmem>>, vector<1x16xf32>,
          %get3A_442 = arith.index_cast %add3A_428 : i32 to index
          %get3A_443 = arith.constant 16 : index
          %get3A_444 = tpu.vector_load %arg13[%get3A_442, %get3A_443] {strides = array<i32>} : memref<128x32xf32, #tpu.memory_space<vmem>>, vector<1x16xf32>,
          %get3A_445 = vector.shape_cast %get3A_444 : vector<1x16xf32> to vector<16xf32>
          %mul3A_446 = vector.broadcast %squeeze3A_430 : f32 to vector<16xf32>
          %mul3A_447 = arith.mulf %get3A_445, %mul3A_446 : vector<16xf32>
          %swap3A_448 = arith.index_cast %add3A_428 : i32 to index
          %swap3A_449 = arith.constant 16 : index
          %swap3A_450 = tpu.vector_load %arg13[%swap3A_448, %swap3A_449] {strides = array<i32>} : memref<128x32xf32, #tpu.memory_space<vmem>>, vector<1x16xf32>,
          %swap3A_451 = vector.shape_cast %swap3A_450 : vector<1x16xf32> to vector<16xf32>
          %swap3A_452 = vector.shape_cast %mul3A_447 : vector<16xf32> to vector<1x16xf32>
          tpu.vector_store %arg13[%swap3A_448, %swap3A_449], %swap3A_452 {strides = array<i32>} : memref<128x32xf32, #tpu.memory_space<vmem>>, vector<1x16xf32>,
          %mul3A_453 = arith.constant 16 : i32
          %mul3A_454 = arith.muli %scan3A_86, %mul3A_453 : i32
          %add3A_455 = arith.constant 13 : i32
          %add3A_456 = arith.addi %mul3A_454, %add3A_455 : i32
          %slice3A_457 = vector.extract_strided_slice %get3A_91 {offsets = [13], sizes = [1], strides = [1]} : vector<16xf32> to vector<1xf32>
          %squeeze3A_458 = vector.extract %slice3A_457[0] : f32 from vector<1xf32>
          %get3A_459 = arith.index_cast %add3A_456 : i32 to index
          %get3A_460 = arith.constant 0 : index
          %get3A_461 = tpu.vector_load %arg13[%get3A_459, %get3A_460] {strides = array<i32>} : memref<128x32xf32, #tpu.memory_space<vmem>>, vector<1x16xf32>,
          %get3A_462 = vector.shape_cast %get3A_461 : vector<1x16xf32> to vector<16xf32>
          %mul3A_463 = vector.broadcast %squeeze3A_458 : f32 to vector<16xf32>
          %mul3A_464 = arith.mulf %get3A_462, %mul3A_463 : vector<16xf32>
          %swap3A_465 = arith.index_cast %add3A_456 : i32 to index
          %swap3A_466 = arith.constant 0 : index
          %swap3A_467 = tpu.vector_load %arg13[%swap3A_465, %swap3A_466] {strides = array<i32>} : memref<128x32xf32, #tpu.memory_space<vmem>>, vector<1x16xf32>,
          %swap3A_468 = vector.shape_cast %swap3A_467 : vector<1x16xf32> to vector<16xf32>
          %swap3A_469 = vector.shape_cast %mul3A_464 : vector<16xf32> to vector<1x16xf32>
          tpu.vector_store %arg13[%swap3A_465, %swap3A_466], %swap3A_469 {strides = array<i32>} : memref<128x32xf32, #tpu.memory_space<vmem>>, vector<1x16xf32>,
          %get3A_470 = arith.index_cast %add3A_456 : i32 to index
          %get3A_471 = arith.constant 16 : index
          %get3A_472 = tpu.vector_load %arg13[%get3A_470, %get3A_471] {strides = array<i32>} : memref<128x32xf32, #tpu.memory_space<vmem>>, vector<1x16xf32>,
          %get3A_473 = vector.shape_cast %get3A_472 : vector<1x16xf32> to vector<16xf32>
          %mul3A_474 = vector.broadcast %squeeze3A_458 : f32 to vector<16xf32>
          %mul3A_475 = arith.mulf %get3A_473, %mul3A_474 : vector<16xf32>
          %swap3A_476 = arith.index_cast %add3A_456 : i32 to index
          %swap3A_477 = arith.constant 16 : index
          %swap3A_478 = tpu.vector_load %arg13[%swap3A_476, %swap3A_477] {strides = array<i32>} : memref<128x32xf32, #tpu.memory_space<vmem>>, vector<1x16xf32>,
          %swap3A_479 = vector.shape_cast %swap3A_478 : vector<1x16xf32> to vector<16xf32>
          %swap3A_480 = vector.shape_cast %mul3A_475 : vector<16xf32> to vector<1x16xf32>
          tpu.vector_store %arg13[%swap3A_476, %swap3A_477], %swap3A_480 {strides = array<i32>} : memref<128x32xf32, #tpu.memory_space<vmem>>, vector<1x16xf32>,
          %mul3A_481 = arith.constant 16 : i32
          %mul3A_482 = arith.muli %scan3A_86, %mul3A_481 : i32
          %add3A_483 = arith.constant 14 : i32
          %add3A_484 = arith.addi %mul3A_482, %add3A_483 : i32
          %slice3A_485 = vector.extract_strided_slice %get3A_91 {offsets = [14], sizes = [1], strides = [1]} : vector<16xf32> to vector<1xf32>
          %squeeze3A_486 = vector.extract %slice3A_485[0] : f32 from vector<1xf32>
          %get3A_487 = arith.index_cast %add3A_484 : i32 to index
          %get3A_488 = arith.constant 0 : index
          %get3A_489 = tpu.vector_load %arg13[%get3A_487, %get3A_488] {strides = array<i32>} : memref<128x32xf32, #tpu.memory_space<vmem>>, vector<1x16xf32>,
          %get3A_490 = vector.shape_cast %get3A_489 : vector<1x16xf32> to vector<16xf32>
          %mul3A_491 = vector.broadcast %squeeze3A_486 : f32 to vector<16xf32>
          %mul3A_492 = arith.mulf %get3A_490, %mul3A_491 : vector<16xf32>
          %swap3A_493 = arith.index_cast %add3A_484 : i32 to index
          %swap3A_494 = arith.constant 0 : index
          %swap3A_495 = tpu.vector_load %arg13[%swap3A_493, %swap3A_494] {strides = array<i32>} : memref<128x32xf32, #tpu.memory_space<vmem>>, vector<1x16xf32>,
          %swap3A_496 = vector.shape_cast %swap3A_495 : vector<1x16xf32> to vector<16xf32>
          %swap3A_497 = vector.shape_cast %mul3A_492 : vector<16xf32> to vector<1x16xf32>
          tpu.vector_store %arg13[%swap3A_493, %swap3A_494], %swap3A_497 {strides = array<i32>} : memref<128x32xf32, #tpu.memory_space<vmem>>, vector<1x16xf32>,
          %get3A_498 = arith.index_cast %add3A_484 : i32 to index
          %get3A_499 = arith.constant 16 : index
          %get3A_500 = tpu.vector_load %arg13[%get3A_498, %get3A_499] {strides = array<i32>} : memref<128x32xf32, #tpu.memory_space<vmem>>, vector<1x16xf32>,
          %get3A_501 = vector.shape_cast %get3A_500 : vector<1x16xf32> to vector<16xf32>
          %mul3A_502 = vector.broadcast %squeeze3A_486 : f32 to vector<16xf32>
          %mul3A_503 = arith.mulf %get3A_501, %mul3A_502 : vector<16xf32>
          %swap3A_504 = arith.index_cast %add3A_484 : i32 to index
          %swap3A_505 = arith.constant 16 : index
          %swap3A_506 = tpu.vector_load %arg13[%swap3A_504, %swap3A_505] {strides = array<i32>} : memref<128x32xf32, #tpu.memory_space<vmem>>, vector<1x16xf32>,
          %swap3A_507 = vector.shape_cast %swap3A_506 : vector<1x16xf32> to vector<16xf32>
          %swap3A_508 = vector.shape_cast %mul3A_503 : vector<16xf32> to vector<1x16xf32>
          tpu.vector_store %arg13[%swap3A_504, %swap3A_505], %swap3A_508 {strides = array<i32>} : memref<128x32xf32, #tpu.memory_space<vmem>>, vector<1x16xf32>,
          %mul3A_509 = arith.constant 16 : i32
          %mul3A_510 = arith.muli %scan3A_86, %mul3A_509 : i32
          %add3A_511 = arith.constant 15 : i32
          %add3A_512 = arith.addi %mul3A_510, %add3A_511 : i32
          %slice3A_513 = vector.extract_strided_slice %get3A_91 {offsets = [15], sizes = [1], strides = [1]} : vector<16xf32> to vector<1xf32>
          %squeeze3A_514 = vector.extract %slice3A_513[0] : f32 from vector<1xf32>
          %get3A_515 = arith.index_cast %add3A_512 : i32 to index
          %get3A_516 = arith.constant 0 : index
          %get3A_517 = tpu.vector_load %arg13[%get3A_515, %get3A_516] {strides = array<i32>} : memref<128x32xf32, #tpu.memory_space<vmem>>, vector<1x16xf32>,
          %get3A_518 = vector.shape_cast %get3A_517 : vector<1x16xf32> to vector<16xf32>
          %mul3A_519 = vector.broadcast %squeeze3A_514 : f32 to vector<16xf32>
          %mul3A_520 = arith.mulf %get3A_518, %mul3A_519 : vector<16xf32>
          %swap3A_521 = arith.index_cast %add3A_512 : i32 to index
          %swap3A_522 = arith.constant 0 : index
          %swap3A_523 = tpu.vector_load %arg13[%swap3A_521, %swap3A_522] {strides = array<i32>} : memref<128x32xf32, #tpu.memory_space<vmem>>, vector<1x16xf32>,
          %swap3A_524 = vector.shape_cast %swap3A_523 : vector<1x16xf32> to vector<16xf32>
          %swap3A_525 = vector.shape_cast %mul3A_520 : vector<16xf32> to vector<1x16xf32>
          tpu.vector_store %arg13[%swap3A_521, %swap3A_522], %swap3A_525 {strides = array<i32>} : memref<128x32xf32, #tpu.memory_space<vmem>>, vector<1x16xf32>,
          %get3A_526 = arith.index_cast %add3A_512 : i32 to index
          %get3A_527 = arith.constant 16 : index
          %get3A_528 = tpu.vector_load %arg13[%get3A_526, %get3A_527] {strides = array<i32>} : memref<128x32xf32, #tpu.memory_space<vmem>>, vector<1x16xf32>,
          %get3A_529 = vector.shape_cast %get3A_528 : vector<1x16xf32> to vector<16xf32>
          %mul3A_530 = vector.broadcast %squeeze3A_514 : f32 to vector<16xf32>
          %mul3A_531 = arith.mulf %get3A_529, %mul3A_530 : vector<16xf32>
          %swap3A_532 = arith.index_cast %add3A_512 : i32 to index
          %swap3A_533 = arith.constant 16 : index
          %swap3A_534 = tpu.vector_load %arg13[%swap3A_532, %swap3A_533] {strides = array<i32>} : memref<128x32xf32, #tpu.memory_space<vmem>>, vector<1x16xf32>,
          %swap3A_535 = vector.shape_cast %swap3A_534 : vector<1x16xf32> to vector<16xf32>
          %swap3A_536 = vector.shape_cast %mul3A_531 : vector<16xf32> to vector<1x16xf32>
          tpu.vector_store %arg13[%swap3A_532, %swap3A_533], %swap3A_536 {strides = array<i32>} : memref<128x32xf32, #tpu.memory_space<vmem>>, vector<1x16xf32>,
        }
        %scan3A_85 = arith.constant 8 : i32
        "tpu.region"() ({
          %run_scoped3A = tpu.sem_alloc : memref<!tpu.dma_semaphore, #tpu.memory_space<semaphore_mem>>
          %dma_start3A_86 = arith.constant 0 : i32
          %dma_start3A_87 = tpu.memref_slice %arg11[%scan3A_70, %dma_start3A_86] : memref<16x128xi32, #tpu.memory_space<vmem>> -> memref<1x128xi32, #tpu.memory_space<vmem>>
          %dma_start3A_88 = tpu.memref_squeeze %dma_start3A_87 : memref<1x128xi32, #tpu.memory_space<vmem>> -> memref<128xi32, #tpu.memory_space<vmem>>
          %dma_start3A_89 = arith.constant 0 : i32
          %dma_start3A_90 = arith.constant 0 : i32
          %dma_start3A_91 = tpu.memref_slice %arg7[%dma_start3A_89, %dma_start3A_90] : memref<51200x32xf32, #tpu.memory_space<vmem_shared>> -> memref<51200x32xf32, #tpu.memory_space<vmem_shared>>
          tpu.enqueue_indirect_dma source(%arg13 : memref<128x32xf32, #tpu.memory_space<vmem>>) target(%dma_start3A_91 : memref<51200x32xf32, #tpu.memory_space<vmem_shared>>) offsets(%dma_start3A_88 : memref<128xi32, #tpu.memory_space<vmem>>) semaphore(%run_scoped3A : memref<!tpu.dma_semaphore, #tpu.memory_space<semaphore_mem>>) {add = true}
          %dma_wait3A_92 = arith.constant 0 : i32
          %dma_wait3A_93 = tpu.memref_slice %arg11[%scan3A_70, %dma_wait3A_92] : memref<16x128xi32, #tpu.memory_space<vmem>> -> memref<1x128xi32, #tpu.memory_space<vmem>>
          %dma_wait3A_94 = tpu.memref_squeeze %dma_wait3A_93 : memref<1x128xi32, #tpu.memory_space<vmem>> -> memref<128xi32, #tpu.memory_space<vmem>>
          %dma_wait3A_95 = arith.constant 0 : i32
          %dma_wait3A_96 = arith.constant 0 : i32
          %dma_wait3A_97 = tpu.memref_slice %arg7[%dma_wait3A_95, %dma_wait3A_96] : memref<51200x32xf32, #tpu.memory_space<vmem_shared>> -> memref<51200x32xf32, #tpu.memory_space<vmem_shared>>
          tpu.wait_indirect_dma semaphore(%run_scoped3A : memref<!tpu.dma_semaphore, #tpu.memory_space<semaphore_mem>>) src(%arg13 : memref<128x32xf32, #tpu.memory_space<vmem>>) dst(%dma_wait3A_97 : memref<51200x32xf32, #tpu.memory_space<vmem_shared>>)
          tpu.yield
        }) : () -> ()
      }
      %scan3A_69 = arith.constant 16 : i32
    }
    %scan3A_19 = arith.constant 25 : i32
    %barrier3A_20 = arith.constant 0 : index
    tpu.barrier barrier_id(%barrier3A_20)
    %scan3A_21 = arith.constant 0 : i32
    %scan3A_22 = arith.constant 50 : i32
    %scan3A_23 = arith.addi %scan3A_21, %scan3A_22 : i32
    %scan3A_24 = arith.constant 1 : i32
    scf.for %scan3A_62 = %scan3A_21 to %scan3A_23 step %scan3A_24  : i32 {
      %mul3A_63 = arith.constant 64 : i32
      %mul3A_64 = arith.muli %scan3A_62, %mul3A_63 : i32
      %add3A = arith.addi %mul3A_0, %mul3A_64 : i32
      "tpu.region"() ({
        %run_scoped3A = tpu.sem_alloc : memref<!tpu.dma_semaphore, #tpu.memory_space<semaphore_mem>>
        %dma_start3A = arith.constant 0 : i32
        %dma_start3A_66 = tpu.memref_slice %arg7[%add3A, %dma_start3A] : memref<51200x32xf32, #tpu.memory_space<vmem_shared>> -> memref<64x32xf32, #tpu.memory_space<vmem_shared>>
        %dma_start3A_67 = arith.constant 0 : i32
        %dma_start3A_68 = tpu.memref_slice %arg7[%add3A, %dma_start3A_67] : memref<51200x32xf32, #tpu.memory_space<vmem_shared>> -> memref<64x32xf32, #tpu.memory_space<vmem_shared>>
        tpu.enqueue_dma source(%dma_start3A_68 : memref<64x32xf32, #tpu.memory_space<vmem_shared>>) target(%arg15 : memref<64x32xf32, #tpu.memory_space<vmem>>) target_semaphore(%run_scoped3A : memref<!tpu.dma_semaphore, #tpu.memory_space<semaphore_mem>>)
        %dma_wait3A = arith.constant 0 : i32
        %dma_wait3A_69 = tpu.memref_slice %arg7[%add3A, %dma_wait3A] : memref<51200x32xf32, #tpu.memory_space<vmem_shared>> -> memref<64x32xf32, #tpu.memory_space<vmem_shared>>
        %dma_wait3A_70 = arith.constant 0 : i32
        %dma_wait3A_71 = tpu.memref_slice %arg7[%add3A, %dma_wait3A_70] : memref<51200x32xf32, #tpu.memory_space<vmem_shared>> -> memref<64x32xf32, #tpu.memory_space<vmem_shared>>
        tpu.wait_dma2 semaphore(%run_scoped3A : memref<!tpu.dma_semaphore, #tpu.memory_space<semaphore_mem>>) src(%dma_wait3A_71 : memref<64x32xf32, #tpu.memory_space<vmem_shared>>) dst(%arg15 : memref<64x32xf32, #tpu.memory_space<vmem>>)
        tpu.yield
      }) : () -> ()
      %add3A_65 = arith.addi %mul3A_2, %add3A : i32
      "tpu.region"() ({
        %run_scoped3A = tpu.sem_alloc : memref<!tpu.dma_semaphore, #tpu.memory_space<semaphore_mem>>
        %dma_start3A = arith.constant 0 : i32
        %dma_start3A_66 = tpu.memref_slice %arg8[%add3A_65, %dma_start3A] : memref<102400x32xf32, #tpu.memory_space<hbm>> -> memref<64x32xf32, #tpu.memory_space<hbm>>
        %dma_start3A_67 = arith.constant 0 : i32
        %dma_start3A_68 = tpu.memref_slice %arg8[%add3A_65, %dma_start3A_67] : memref<102400x32xf32, #tpu.memory_space<hbm>> -> memref<64x32xf32, #tpu.memory_space<hbm>>
        tpu.enqueue_dma source(%arg15 : memref<64x32xf32, #tpu.memory_space<vmem>>) target(%dma_start3A_68 : memref<64x32xf32, #tpu.memory_space<hbm>>) target_semaphore(%run_scoped3A : memref<!tpu.dma_semaphore, #tpu.memory_space<semaphore_mem>>)
        %dma_wait3A = arith.constant 0 : i32
        %dma_wait3A_69 = tpu.memref_slice %arg8[%add3A_65, %dma_wait3A] : memref<102400x32xf32, #tpu.memory_space<hbm>> -> memref<64x32xf32, #tpu.memory_space<hbm>>
        %dma_wait3A_70 = arith.constant 0 : i32
        %dma_wait3A_71 = tpu.memref_slice %arg8[%add3A_65, %dma_wait3A_70] : memref<102400x32xf32, #tpu.memory_space<hbm>> -> memref<64x32xf32, #tpu.memory_space<hbm>>
        tpu.wait_dma2 semaphore(%run_scoped3A : memref<!tpu.dma_semaphore, #tpu.memory_space<semaphore_mem>>) src(%arg15 : memref<64x32xf32, #tpu.memory_space<vmem>>) dst(%dma_wait3A_71 : memref<64x32xf32, #tpu.memory_space<hbm>>)
        tpu.yield
      }) : () -> ()
    }
    %scan3A_25 = arith.constant 50 : i32
    %barrier3A_26 = arith.constant 0 : index
    tpu.barrier barrier_id(%barrier3A_26)
    %scan3A_27 = arith.constant 0 : i32
    %scan3A_28 = arith.constant 50 : i32
    %scan3A_29 = arith.addi %scan3A_27, %scan3A_28 : i32
    %scan3A_30 = arith.constant 1 : i32
    scf.for %scan3A_62 = %scan3A_27 to %scan3A_29 step %scan3A_30  : i32 {
      %mul3A_63 = arith.constant 64 : i32
      %mul3A_64 = arith.muli %scan3A_62, %mul3A_63 : i32
      %add3A = arith.addi %mul3A_0, %mul3A_64 : i32
      "tpu.region"() ({
        %run_scoped3A = tpu.sem_alloc : memref<!tpu.dma_semaphore, #tpu.memory_space<semaphore_mem>>
        %dma_start3A = arith.constant 0 : i32
        %dma_start3A_65 = tpu.memref_slice %arg7[%add3A, %dma_start3A] : memref<51200x32xf32, #tpu.memory_space<vmem_shared>> -> memref<64x32xf32, #tpu.memory_space<vmem_shared>>
        %dma_start3A_66 = arith.constant 0 : i32
        %dma_start3A_67 = tpu.memref_slice %arg7[%add3A, %dma_start3A_66] : memref<51200x32xf32, #tpu.memory_space<vmem_shared>> -> memref<64x32xf32, #tpu.memory_space<vmem_shared>>
        tpu.enqueue_dma source(%arg14 : memref<64x32xf32, #tpu.memory_space<vmem>>) target(%dma_start3A_67 : memref<64x32xf32, #tpu.memory_space<vmem_shared>>) target_semaphore(%run_scoped3A : memref<!tpu.dma_semaphore, #tpu.memory_space<semaphore_mem>>)
        %dma_wait3A = arith.constant 0 : i32
        %dma_wait3A_68 = tpu.memref_slice %arg7[%add3A, %dma_wait3A] : memref<51200x32xf32, #tpu.memory_space<vmem_shared>> -> memref<64x32xf32, #tpu.memory_space<vmem_shared>>
        %dma_wait3A_69 = arith.constant 0 : i32
        %dma_wait3A_70 = tpu.memref_slice %arg7[%add3A, %dma_wait3A_69] : memref<51200x32xf32, #tpu.memory_space<vmem_shared>> -> memref<64x32xf32, #tpu.memory_space<vmem_shared>>
        tpu.wait_dma2 semaphore(%run_scoped3A : memref<!tpu.dma_semaphore, #tpu.memory_space<semaphore_mem>>) src(%arg14 : memref<64x32xf32, #tpu.memory_space<vmem>>) dst(%dma_wait3A_70 : memref<64x32xf32, #tpu.memory_space<vmem_shared>>)
        tpu.yield
      }) : () -> ()
    }
    %scan3A_31 = arith.constant 50 : i32
    %barrier3A_32 = arith.constant 0 : index
    tpu.barrier barrier_id(%barrier3A_32)
    %scan3A_33 = arith.constant 0 : i32
    %scan3A_34 = arith.constant 25 : i32
    %scan3A_35 = arith.addi %scan3A_33, %scan3A_34 : i32
    %scan3A_36 = arith.constant 1 : i32
    scf.for %scan3A_62 = %scan3A_33 to %scan3A_35 step %scan3A_36  : i32 {
      %mul3A_63 = arith.constant 16 : i32
      %mul3A_64 = arith.muli %scan3A_62, %mul3A_63 : i32
      %add3A = arith.addi %mul3A_4, %mul3A_64 : i32
      "tpu.region"() ({
        %run_scoped3A = tpu.sem_alloc : memref<!tpu.dma_semaphore, #tpu.memory_space<semaphore_mem>>
        %dma_start3A = arith.constant 0 : i32
        %dma_start3A_70 = tpu.memref_slice %arg3[%arg0, %add3A, %dma_start3A] : memref<2x6400x128xi32, #tpu.memory_space<hbm>> -> memref<1x16x128xi32, #tpu.memory_space<hbm>>
        %dma_start3A_71 = tpu.memref_squeeze %dma_start3A_70 : memref<1x16x128xi32, #tpu.memory_space<hbm>> -> memref<16x128xi32, #tpu.memory_space<hbm>>
        %dma_start3A_72 = arith.constant 0 : i32
        %dma_start3A_73 = tpu.memref_slice %arg3[%arg0, %add3A, %dma_start3A_72] : memref<2x6400x128xi32, #tpu.memory_space<hbm>> -> memref<1x16x128xi32, #tpu.memory_space<hbm>>
        %dma_start3A_74 = tpu.memref_squeeze %dma_start3A_73 : memref<1x16x128xi32, #tpu.memory_space<hbm>> -> memref<16x128xi32, #tpu.memory_space<hbm>>
        tpu.enqueue_dma source(%dma_start3A_74 : memref<16x128xi32, #tpu.memory_space<hbm>>) target(%arg10 : memref<16x128xi32, #tpu.memory_space<vmem>>) target_semaphore(%run_scoped3A : memref<!tpu.dma_semaphore, #tpu.memory_space<semaphore_mem>>)
        %dma_wait3A = arith.constant 0 : i32
        %dma_wait3A_75 = tpu.memref_slice %arg3[%arg0, %add3A, %dma_wait3A] : memref<2x6400x128xi32, #tpu.memory_space<hbm>> -> memref<1x16x128xi32, #tpu.memory_space<hbm>>
        %dma_wait3A_76 = tpu.memref_squeeze %dma_wait3A_75 : memref<1x16x128xi32, #tpu.memory_space<hbm>> -> memref<16x128xi32, #tpu.memory_space<hbm>>
        %dma_wait3A_77 = arith.constant 0 : i32
        %dma_wait3A_78 = tpu.memref_slice %arg3[%arg0, %add3A, %dma_wait3A_77] : memref<2x6400x128xi32, #tpu.memory_space<hbm>> -> memref<1x16x128xi32, #tpu.memory_space<hbm>>
        %dma_wait3A_79 = tpu.memref_squeeze %dma_wait3A_78 : memref<1x16x128xi32, #tpu.memory_space<hbm>> -> memref<16x128xi32, #tpu.memory_space<hbm>>
        tpu.wait_dma2 semaphore(%run_scoped3A : memref<!tpu.dma_semaphore, #tpu.memory_space<semaphore_mem>>) src(%dma_wait3A_79 : memref<16x128xi32, #tpu.memory_space<hbm>>) dst(%arg10 : memref<16x128xi32, #tpu.memory_space<vmem>>)
        tpu.yield
      }) : () -> ()
      "tpu.region"() ({
        %run_scoped3A = tpu.sem_alloc : memref<!tpu.dma_semaphore, #tpu.memory_space<semaphore_mem>>
        %dma_start3A = arith.constant 0 : i32
        %dma_start3A_70 = tpu.memref_slice %arg4[%add3A, %dma_start3A] : memref<6400x128xi32, #tpu.memory_space<hbm>> -> memref<16x128xi32, #tpu.memory_space<hbm>>
        %dma_start3A_71 = arith.constant 0 : i32
        %dma_start3A_72 = tpu.memref_slice %arg4[%add3A, %dma_start3A_71] : memref<6400x128xi32, #tpu.memory_space<hbm>> -> memref<16x128xi32, #tpu.memory_space<hbm>>
        tpu.enqueue_dma source(%dma_start3A_72 : memref<16x128xi32, #tpu.memory_space<hbm>>) target(%arg11 : memref<16x128xi32, #tpu.memory_space<vmem>>) target_semaphore(%run_scoped3A : memref<!tpu.dma_semaphore, #tpu.memory_space<semaphore_mem>>)
        %dma_wait3A = arith.constant 0 : i32
        %dma_wait3A_73 = tpu.memref_slice %arg4[%add3A, %dma_wait3A] : memref<6400x128xi32, #tpu.memory_space<hbm>> -> memref<16x128xi32, #tpu.memory_space<hbm>>
        %dma_wait3A_74 = arith.constant 0 : i32
        %dma_wait3A_75 = tpu.memref_slice %arg4[%add3A, %dma_wait3A_74] : memref<6400x128xi32, #tpu.memory_space<hbm>> -> memref<16x128xi32, #tpu.memory_space<hbm>>
        tpu.wait_dma2 semaphore(%run_scoped3A : memref<!tpu.dma_semaphore, #tpu.memory_space<semaphore_mem>>) src(%dma_wait3A_75 : memref<16x128xi32, #tpu.memory_space<hbm>>) dst(%arg11 : memref<16x128xi32, #tpu.memory_space<vmem>>)
        tpu.yield
      }) : () -> ()
      "tpu.region"() ({
        %run_scoped3A = tpu.sem_alloc : memref<!tpu.dma_semaphore, #tpu.memory_space<semaphore_mem>>
        %dma_start3A = arith.constant 0 : i32
        %dma_start3A_70 = tpu.memref_slice %arg5[%add3A, %dma_start3A] : memref<6400x128xf32, #tpu.memory_space<hbm>> -> memref<16x128xf32, #tpu.memory_space<hbm>>
        %dma_start3A_71 = arith.constant 0 : i32
        %dma_start3A_72 = tpu.memref_slice %arg5[%add3A, %dma_start3A_71] : memref<6400x128xf32, #tpu.memory_space<hbm>> -> memref<16x128xf32, #tpu.memory_space<hbm>>
        tpu.enqueue_dma source(%dma_start3A_72 : memref<16x128xf32, #tpu.memory_space<hbm>>) target(%arg12 : memref<16x128xf32, #tpu.memory_space<vmem>>) target_semaphore(%run_scoped3A : memref<!tpu.dma_semaphore, #tpu.memory_space<semaphore_mem>>)
        %dma_wait3A = arith.constant 0 : i32
        %dma_wait3A_73 = tpu.memref_slice %arg5[%add3A, %dma_wait3A] : memref<6400x128xf32, #tpu.memory_space<hbm>> -> memref<16x128xf32, #tpu.memory_space<hbm>>
        %dma_wait3A_74 = arith.constant 0 : i32
        %dma_wait3A_75 = tpu.memref_slice %arg5[%add3A, %dma_wait3A_74] : memref<6400x128xf32, #tpu.memory_space<hbm>> -> memref<16x128xf32, #tpu.memory_space<hbm>>
        tpu.wait_dma2 semaphore(%run_scoped3A : memref<!tpu.dma_semaphore, #tpu.memory_space<semaphore_mem>>) src(%dma_wait3A_75 : memref<16x128xf32, #tpu.memory_space<hbm>>) dst(%arg12 : memref<16x128xf32, #tpu.memory_space<vmem>>)
        tpu.yield
      }) : () -> ()
      %scan3A_65 = arith.constant 0 : i32
      %scan3A_66 = arith.constant 16 : i32
      %scan3A_67 = arith.addi %scan3A_65, %scan3A_66 : i32
      %scan3A_68 = arith.constant 1 : i32
      scf.for %scan3A_70 = %scan3A_65 to %scan3A_67 step %scan3A_68  : i32 {
        %dma_start3A = arith.constant 0 : i32
        %dma_start3A_71 = tpu.memref_slice %arg10[%scan3A_70, %dma_start3A] : memref<16x128xi32, #tpu.memory_space<vmem>> -> memref<1x128xi32, #tpu.memory_space<vmem>>
        %dma_start3A_72 = tpu.memref_squeeze %dma_start3A_71 : memref<1x128xi32, #tpu.memory_space<vmem>> -> memref<128xi32, #tpu.memory_space<vmem>>
        %dma_start3A_73 = arith.constant 0 : i32
        %dma_start3A_74 = arith.constant 0 : i32
        %dma_start3A_75 = tpu.memref_slice %arg8[%dma_start3A_73, %dma_start3A_74] : memref<102400x32xf32, #tpu.memory_space<hbm>> -> memref<102400x32xf32, #tpu.memory_space<hbm>>
        tpu.enqueue_indirect_dma source(%dma_start3A_75 : memref<102400x32xf32, #tpu.memory_space<hbm>>) target(%arg13 : memref<128x32xf32, #tpu.memory_space<vmem>>) offsets(%dma_start3A_72 : memref<128xi32, #tpu.memory_space<vmem>>) semaphore(%arg18 : memref<!tpu.dma_semaphore, #tpu.memory_space<semaphore_mem>>)
        %dma_wait3A = arith.constant 0 : i32
        %dma_wait3A_76 = tpu.memref_slice %arg10[%scan3A_70, %dma_wait3A] : memref<16x128xi32, #tpu.memory_space<vmem>> -> memref<1x128xi32, #tpu.memory_space<vmem>>
        %dma_wait3A_77 = tpu.memref_squeeze %dma_wait3A_76 : memref<1x128xi32, #tpu.memory_space<vmem>> -> memref<128xi32, #tpu.memory_space<vmem>>
        %dma_wait3A_78 = arith.constant 0 : i32
        %dma_wait3A_79 = arith.constant 0 : i32
        %dma_wait3A_80 = tpu.memref_slice %arg8[%dma_wait3A_78, %dma_wait3A_79] : memref<102400x32xf32, #tpu.memory_space<hbm>> -> memref<102400x32xf32, #tpu.memory_space<hbm>>
        tpu.wait_indirect_dma semaphore(%arg18 : memref<!tpu.dma_semaphore, #tpu.memory_space<semaphore_mem>>) src(%dma_wait3A_80 : memref<102400x32xf32, #tpu.memory_space<hbm>>) dst(%arg13 : memref<128x32xf32, #tpu.memory_space<vmem>>)
        %scan3A_81 = arith.constant 0 : i32
        %scan3A_82 = arith.constant 8 : i32
        %scan3A_83 = arith.addi %scan3A_81, %scan3A_82 : i32
        %scan3A_84 = arith.constant 1 : i32
        scf.for %scan3A_86 = %scan3A_81 to %scan3A_83 step %scan3A_84  : i32 {
          %mul3A_87 = arith.constant 16 : i32
          %mul3A_88 = arith.muli %scan3A_86, %mul3A_87 : i32
          %get3A = arith.index_cast %scan3A_70 : i32 to index
          %get3A_89 = arith.index_cast %mul3A_88 : i32 to index
          %get3A_90 = tpu.vector_load %arg12[%get3A, %get3A_89] {strides = array<i32>} : memref<16x128xf32, #tpu.memory_space<vmem>>, vector<1x16xf32>,
          %get3A_91 = vector.shape_cast %get3A_90 : vector<1x16xf32> to vector<16xf32>
          %mul3A_92 = arith.constant 16 : i32
          %mul3A_93 = arith.muli %scan3A_86, %mul3A_92 : i32
          %add3A_94 = arith.constant 0 : i32
          %add3A_95 = arith.addi %mul3A_93, %add3A_94 : i32
          %slice3A = vector.extract_strided_slice %get3A_91 {offsets = [0], sizes = [1], strides = [1]} : vector<16xf32> to vector<1xf32>
          %squeeze3A = vector.extract %slice3A[0] : f32 from vector<1xf32>
          %get3A_96 = arith.index_cast %add3A_95 : i32 to index
          %get3A_97 = arith.constant 0 : index
          %get3A_98 = tpu.vector_load %arg13[%get3A_96, %get3A_97] {strides = array<i32>} : memref<128x32xf32, #tpu.memory_space<vmem>>, vector<1x16xf32>,
          %get3A_99 = vector.shape_cast %get3A_98 : vector<1x16xf32> to vector<16xf32>
          %mul3A_100 = vector.broadcast %squeeze3A : f32 to vector<16xf32>
          %mul3A_101 = arith.mulf %get3A_99, %mul3A_100 : vector<16xf32>
          %swap3A = arith.index_cast %add3A_95 : i32 to index
          %swap3A_102 = arith.constant 0 : index
          %swap3A_103 = tpu.vector_load %arg13[%swap3A, %swap3A_102] {strides = array<i32>} : memref<128x32xf32, #tpu.memory_space<vmem>>, vector<1x16xf32>,
          %swap3A_104 = vector.shape_cast %swap3A_103 : vector<1x16xf32> to vector<16xf32>
          %swap3A_105 = vector.shape_cast %mul3A_101 : vector<16xf32> to vector<1x16xf32>
          tpu.vector_store %arg13[%swap3A, %swap3A_102], %swap3A_105 {strides = array<i32>} : memref<128x32xf32, #tpu.memory_space<vmem>>, vector<1x16xf32>,
          %get3A_106 = arith.index_cast %add3A_95 : i32 to index
          %get3A_107 = arith.constant 16 : index
          %get3A_108 = tpu.vector_load %arg13[%get3A_106, %get3A_107] {strides = array<i32>} : memref<128x32xf32, #tpu.memory_space<vmem>>, vector<1x16xf32>,
          %get3A_109 = vector.shape_cast %get3A_108 : vector<1x16xf32> to vector<16xf32>
          %mul3A_110 = vector.broadcast %squeeze3A : f32 to vector<16xf32>
          %mul3A_111 = arith.mulf %get3A_109, %mul3A_110 : vector<16xf32>
          %swap3A_112 = arith.index_cast %add3A_95 : i32 to index
          %swap3A_113 = arith.constant 16 : index
          %swap3A_114 = tpu.vector_load %arg13[%swap3A_112, %swap3A_113] {strides = array<i32>} : memref<128x32xf32, #tpu.memory_space<vmem>>, vector<1x16xf32>,
          %swap3A_115 = vector.shape_cast %swap3A_114 : vector<1x16xf32> to vector<16xf32>
          %swap3A_116 = vector.shape_cast %mul3A_111 : vector<16xf32> to vector<1x16xf32>
          tpu.vector_store %arg13[%swap3A_112, %swap3A_113], %swap3A_116 {strides = array<i32>} : memref<128x32xf32, #tpu.memory_space<vmem>>, vector<1x16xf32>,
          %mul3A_117 = arith.constant 16 : i32
          %mul3A_118 = arith.muli %scan3A_86, %mul3A_117 : i32
          %add3A_119 = arith.constant 1 : i32
          %add3A_120 = arith.addi %mul3A_118, %add3A_119 : i32
          %slice3A_121 = vector.extract_strided_slice %get3A_91 {offsets = [1], sizes = [1], strides = [1]} : vector<16xf32> to vector<1xf32>
          %squeeze3A_122 = vector.extract %slice3A_121[0] : f32 from vector<1xf32>
          %get3A_123 = arith.index_cast %add3A_120 : i32 to index
          %get3A_124 = arith.constant 0 : index
          %get3A_125 = tpu.vector_load %arg13[%get3A_123, %get3A_124] {strides = array<i32>} : memref<128x32xf32, #tpu.memory_space<vmem>>, vector<1x16xf32>,
          %get3A_126 = vector.shape_cast %get3A_125 : vector<1x16xf32> to vector<16xf32>
          %mul3A_127 = vector.broadcast %squeeze3A_122 : f32 to vector<16xf32>
          %mul3A_128 = arith.mulf %get3A_126, %mul3A_127 : vector<16xf32>
          %swap3A_129 = arith.index_cast %add3A_120 : i32 to index
          %swap3A_130 = arith.constant 0 : index
          %swap3A_131 = tpu.vector_load %arg13[%swap3A_129, %swap3A_130] {strides = array<i32>} : memref<128x32xf32, #tpu.memory_space<vmem>>, vector<1x16xf32>,
          %swap3A_132 = vector.shape_cast %swap3A_131 : vector<1x16xf32> to vector<16xf32>
          %swap3A_133 = vector.shape_cast %mul3A_128 : vector<16xf32> to vector<1x16xf32>
          tpu.vector_store %arg13[%swap3A_129, %swap3A_130], %swap3A_133 {strides = array<i32>} : memref<128x32xf32, #tpu.memory_space<vmem>>, vector<1x16xf32>,
          %get3A_134 = arith.index_cast %add3A_120 : i32 to index
          %get3A_135 = arith.constant 16 : index
          %get3A_136 = tpu.vector_load %arg13[%get3A_134, %get3A_135] {strides = array<i32>} : memref<128x32xf32, #tpu.memory_space<vmem>>, vector<1x16xf32>,
          %get3A_137 = vector.shape_cast %get3A_136 : vector<1x16xf32> to vector<16xf32>
          %mul3A_138 = vector.broadcast %squeeze3A_122 : f32 to vector<16xf32>
          %mul3A_139 = arith.mulf %get3A_137, %mul3A_138 : vector<16xf32>
          %swap3A_140 = arith.index_cast %add3A_120 : i32 to index
          %swap3A_141 = arith.constant 16 : index
          %swap3A_142 = tpu.vector_load %arg13[%swap3A_140, %swap3A_141] {strides = array<i32>} : memref<128x32xf32, #tpu.memory_space<vmem>>, vector<1x16xf32>,
          %swap3A_143 = vector.shape_cast %swap3A_142 : vector<1x16xf32> to vector<16xf32>
          %swap3A_144 = vector.shape_cast %mul3A_139 : vector<16xf32> to vector<1x16xf32>
          tpu.vector_store %arg13[%swap3A_140, %swap3A_141], %swap3A_144 {strides = array<i32>} : memref<128x32xf32, #tpu.memory_space<vmem>>, vector<1x16xf32>,
          %mul3A_145 = arith.constant 16 : i32
          %mul3A_146 = arith.muli %scan3A_86, %mul3A_145 : i32
          %add3A_147 = arith.constant 2 : i32
          %add3A_148 = arith.addi %mul3A_146, %add3A_147 : i32
          %slice3A_149 = vector.extract_strided_slice %get3A_91 {offsets = [2], sizes = [1], strides = [1]} : vector<16xf32> to vector<1xf32>
          %squeeze3A_150 = vector.extract %slice3A_149[0] : f32 from vector<1xf32>
          %get3A_151 = arith.index_cast %add3A_148 : i32 to index
          %get3A_152 = arith.constant 0 : index
          %get3A_153 = tpu.vector_load %arg13[%get3A_151, %get3A_152] {strides = array<i32>} : memref<128x32xf32, #tpu.memory_space<vmem>>, vector<1x16xf32>,
          %get3A_154 = vector.shape_cast %get3A_153 : vector<1x16xf32> to vector<16xf32>
          %mul3A_155 = vector.broadcast %squeeze3A_150 : f32 to vector<16xf32>
          %mul3A_156 = arith.mulf %get3A_154, %mul3A_155 : vector<16xf32>
          %swap3A_157 = arith.index_cast %add3A_148 : i32 to index
          %swap3A_158 = arith.constant 0 : index
          %swap3A_159 = tpu.vector_load %arg13[%swap3A_157, %swap3A_158] {strides = array<i32>} : memref<128x32xf32, #tpu.memory_space<vmem>>, vector<1x16xf32>,
          %swap3A_160 = vector.shape_cast %swap3A_159 : vector<1x16xf32> to vector<16xf32>
          %swap3A_161 = vector.shape_cast %mul3A_156 : vector<16xf32> to vector<1x16xf32>
          tpu.vector_store %arg13[%swap3A_157, %swap3A_158], %swap3A_161 {strides = array<i32>} : memref<128x32xf32, #tpu.memory_space<vmem>>, vector<1x16xf32>,
          %get3A_162 = arith.index_cast %add3A_148 : i32 to index
          %get3A_163 = arith.constant 16 : index
          %get3A_164 = tpu.vector_load %arg13[%get3A_162, %get3A_163] {strides = array<i32>} : memref<128x32xf32, #tpu.memory_space<vmem>>, vector<1x16xf32>,
          %get3A_165 = vector.shape_cast %get3A_164 : vector<1x16xf32> to vector<16xf32>
          %mul3A_166 = vector.broadcast %squeeze3A_150 : f32 to vector<16xf32>
          %mul3A_167 = arith.mulf %get3A_165, %mul3A_166 : vector<16xf32>
          %swap3A_168 = arith.index_cast %add3A_148 : i32 to index
          %swap3A_169 = arith.constant 16 : index
          %swap3A_170 = tpu.vector_load %arg13[%swap3A_168, %swap3A_169] {strides = array<i32>} : memref<128x32xf32, #tpu.memory_space<vmem>>, vector<1x16xf32>,
          %swap3A_171 = vector.shape_cast %swap3A_170 : vector<1x16xf32> to vector<16xf32>
          %swap3A_172 = vector.shape_cast %mul3A_167 : vector<16xf32> to vector<1x16xf32>
          tpu.vector_store %arg13[%swap3A_168, %swap3A_169], %swap3A_172 {strides = array<i32>} : memref<128x32xf32, #tpu.memory_space<vmem>>, vector<1x16xf32>,
          %mul3A_173 = arith.constant 16 : i32
          %mul3A_174 = arith.muli %scan3A_86, %mul3A_173 : i32
          %add3A_175 = arith.constant 3 : i32
          %add3A_176 = arith.addi %mul3A_174, %add3A_175 : i32
          %slice3A_177 = vector.extract_strided_slice %get3A_91 {offsets = [3], sizes = [1], strides = [1]} : vector<16xf32> to vector<1xf32>
          %squeeze3A_178 = vector.extract %slice3A_177[0] : f32 from vector<1xf32>
          %get3A_179 = arith.index_cast %add3A_176 : i32 to index
          %get3A_180 = arith.constant 0 : index
          %get3A_181 = tpu.vector_load %arg13[%get3A_179, %get3A_180] {strides = array<i32>} : memref<128x32xf32, #tpu.memory_space<vmem>>, vector<1x16xf32>,
          %get3A_182 = vector.shape_cast %get3A_181 : vector<1x16xf32> to vector<16xf32>
          %mul3A_183 = vector.broadcast %squeeze3A_178 : f32 to vector<16xf32>
          %mul3A_184 = arith.mulf %get3A_182, %mul3A_183 : vector<16xf32>
          %swap3A_185 = arith.index_cast %add3A_176 : i32 to index
          %swap3A_186 = arith.constant 0 : index
          %swap3A_187 = tpu.vector_load %arg13[%swap3A_185, %swap3A_186] {strides = array<i32>} : memref<128x32xf32, #tpu.memory_space<vmem>>, vector<1x16xf32>,
          %swap3A_188 = vector.shape_cast %swap3A_187 : vector<1x16xf32> to vector<16xf32>
          %swap3A_189 = vector.shape_cast %mul3A_184 : vector<16xf32> to vector<1x16xf32>
          tpu.vector_store %arg13[%swap3A_185, %swap3A_186], %swap3A_189 {strides = array<i32>} : memref<128x32xf32, #tpu.memory_space<vmem>>, vector<1x16xf32>,
          %get3A_190 = arith.index_cast %add3A_176 : i32 to index
          %get3A_191 = arith.constant 16 : index
          %get3A_192 = tpu.vector_load %arg13[%get3A_190, %get3A_191] {strides = array<i32>} : memref<128x32xf32, #tpu.memory_space<vmem>>, vector<1x16xf32>,
          %get3A_193 = vector.shape_cast %get3A_192 : vector<1x16xf32> to vector<16xf32>
          %mul3A_194 = vector.broadcast %squeeze3A_178 : f32 to vector<16xf32>
          %mul3A_195 = arith.mulf %get3A_193, %mul3A_194 : vector<16xf32>
          %swap3A_196 = arith.index_cast %add3A_176 : i32 to index
          %swap3A_197 = arith.constant 16 : index
          %swap3A_198 = tpu.vector_load %arg13[%swap3A_196, %swap3A_197] {strides = array<i32>} : memref<128x32xf32, #tpu.memory_space<vmem>>, vector<1x16xf32>,
          %swap3A_199 = vector.shape_cast %swap3A_198 : vector<1x16xf32> to vector<16xf32>
          %swap3A_200 = vector.shape_cast %mul3A_195 : vector<16xf32> to vector<1x16xf32>
          tpu.vector_store %arg13[%swap3A_196, %swap3A_197], %swap3A_200 {strides = array<i32>} : memref<128x32xf32, #tpu.memory_space<vmem>>, vector<1x16xf32>,
          %mul3A_201 = arith.constant 16 : i32
          %mul3A_202 = arith.muli %scan3A_86, %mul3A_201 : i32
          %add3A_203 = arith.constant 4 : i32
          %add3A_204 = arith.addi %mul3A_202, %add3A_203 : i32
          %slice3A_205 = vector.extract_strided_slice %get3A_91 {offsets = [4], sizes = [1], strides = [1]} : vector<16xf32> to vector<1xf32>
          %squeeze3A_206 = vector.extract %slice3A_205[0] : f32 from vector<1xf32>
          %get3A_207 = arith.index_cast %add3A_204 : i32 to index
          %get3A_208 = arith.constant 0 : index
          %get3A_209 = tpu.vector_load %arg13[%get3A_207, %get3A_208] {strides = array<i32>} : memref<128x32xf32, #tpu.memory_space<vmem>>, vector<1x16xf32>,
          %get3A_210 = vector.shape_cast %get3A_209 : vector<1x16xf32> to vector<16xf32>
          %mul3A_211 = vector.broadcast %squeeze3A_206 : f32 to vector<16xf32>
          %mul3A_212 = arith.mulf %get3A_210, %mul3A_211 : vector<16xf32>
          %swap3A_213 = arith.index_cast %add3A_204 : i32 to index
          %swap3A_214 = arith.constant 0 : index
          %swap3A_215 = tpu.vector_load %arg13[%swap3A_213, %swap3A_214] {strides = array<i32>} : memref<128x32xf32, #tpu.memory_space<vmem>>, vector<1x16xf32>,
          %swap3A_216 = vector.shape_cast %swap3A_215 : vector<1x16xf32> to vector<16xf32>
          %swap3A_217 = vector.shape_cast %mul3A_212 : vector<16xf32> to vector<1x16xf32>
          tpu.vector_store %arg13[%swap3A_213, %swap3A_214], %swap3A_217 {strides = array<i32>} : memref<128x32xf32, #tpu.memory_space<vmem>>, vector<1x16xf32>,
          %get3A_218 = arith.index_cast %add3A_204 : i32 to index
          %get3A_219 = arith.constant 16 : index
          %get3A_220 = tpu.vector_load %arg13[%get3A_218, %get3A_219] {strides = array<i32>} : memref<128x32xf32, #tpu.memory_space<vmem>>, vector<1x16xf32>,
          %get3A_221 = vector.shape_cast %get3A_220 : vector<1x16xf32> to vector<16xf32>
          %mul3A_222 = vector.broadcast %squeeze3A_206 : f32 to vector<16xf32>
          %mul3A_223 = arith.mulf %get3A_221, %mul3A_222 : vector<16xf32>
          %swap3A_224 = arith.index_cast %add3A_204 : i32 to index
          %swap3A_225 = arith.constant 16 : index
          %swap3A_226 = tpu.vector_load %arg13[%swap3A_224, %swap3A_225] {strides = array<i32>} : memref<128x32xf32, #tpu.memory_space<vmem>>, vector<1x16xf32>,
          %swap3A_227 = vector.shape_cast %swap3A_226 : vector<1x16xf32> to vector<16xf32>
          %swap3A_228 = vector.shape_cast %mul3A_223 : vector<16xf32> to vector<1x16xf32>
          tpu.vector_store %arg13[%swap3A_224, %swap3A_225], %swap3A_228 {strides = array<i32>} : memref<128x32xf32, #tpu.memory_space<vmem>>, vector<1x16xf32>,
          %mul3A_229 = arith.constant 16 : i32
          %mul3A_230 = arith.muli %scan3A_86, %mul3A_229 : i32
          %add3A_231 = arith.constant 5 : i32
          %add3A_232 = arith.addi %mul3A_230, %add3A_231 : i32
          %slice3A_233 = vector.extract_strided_slice %get3A_91 {offsets = [5], sizes = [1], strides = [1]} : vector<16xf32> to vector<1xf32>
          %squeeze3A_234 = vector.extract %slice3A_233[0] : f32 from vector<1xf32>
          %get3A_235 = arith.index_cast %add3A_232 : i32 to index
          %get3A_236 = arith.constant 0 : index
          %get3A_237 = tpu.vector_load %arg13[%get3A_235, %get3A_236] {strides = array<i32>} : memref<128x32xf32, #tpu.memory_space<vmem>>, vector<1x16xf32>,
          %get3A_238 = vector.shape_cast %get3A_237 : vector<1x16xf32> to vector<16xf32>
          %mul3A_239 = vector.broadcast %squeeze3A_234 : f32 to vector<16xf32>
          %mul3A_240 = arith.mulf %get3A_238, %mul3A_239 : vector<16xf32>
          %swap3A_241 = arith.index_cast %add3A_232 : i32 to index
          %swap3A_242 = arith.constant 0 : index
          %swap3A_243 = tpu.vector_load %arg13[%swap3A_241, %swap3A_242] {strides = array<i32>} : memref<128x32xf32, #tpu.memory_space<vmem>>, vector<1x16xf32>,
          %swap3A_244 = vector.shape_cast %swap3A_243 : vector<1x16xf32> to vector<16xf32>
          %swap3A_245 = vector.shape_cast %mul3A_240 : vector<16xf32> to vector<1x16xf32>
          tpu.vector_store %arg13[%swap3A_241, %swap3A_242], %swap3A_245 {strides = array<i32>} : memref<128x32xf32, #tpu.memory_space<vmem>>, vector<1x16xf32>,
          %get3A_246 = arith.index_cast %add3A_232 : i32 to index
          %get3A_247 = arith.constant 16 : index
          %get3A_248 = tpu.vector_load %arg13[%get3A_246, %get3A_247] {strides = array<i32>} : memref<128x32xf32, #tpu.memory_space<vmem>>, vector<1x16xf32>,
          %get3A_249 = vector.shape_cast %get3A_248 : vector<1x16xf32> to vector<16xf32>
          %mul3A_250 = vector.broadcast %squeeze3A_234 : f32 to vector<16xf32>
          %mul3A_251 = arith.mulf %get3A_249, %mul3A_250 : vector<16xf32>
          %swap3A_252 = arith.index_cast %add3A_232 : i32 to index
          %swap3A_253 = arith.constant 16 : index
          %swap3A_254 = tpu.vector_load %arg13[%swap3A_252, %swap3A_253] {strides = array<i32>} : memref<128x32xf32, #tpu.memory_space<vmem>>, vector<1x16xf32>,
          %swap3A_255 = vector.shape_cast %swap3A_254 : vector<1x16xf32> to vector<16xf32>
          %swap3A_256 = vector.shape_cast %mul3A_251 : vector<16xf32> to vector<1x16xf32>
          tpu.vector_store %arg13[%swap3A_252, %swap3A_253], %swap3A_256 {strides = array<i32>} : memref<128x32xf32, #tpu.memory_space<vmem>>, vector<1x16xf32>,
          %mul3A_257 = arith.constant 16 : i32
          %mul3A_258 = arith.muli %scan3A_86, %mul3A_257 : i32
          %add3A_259 = arith.constant 6 : i32
          %add3A_260 = arith.addi %mul3A_258, %add3A_259 : i32
          %slice3A_261 = vector.extract_strided_slice %get3A_91 {offsets = [6], sizes = [1], strides = [1]} : vector<16xf32> to vector<1xf32>
          %squeeze3A_262 = vector.extract %slice3A_261[0] : f32 from vector<1xf32>
          %get3A_263 = arith.index_cast %add3A_260 : i32 to index
          %get3A_264 = arith.constant 0 : index
          %get3A_265 = tpu.vector_load %arg13[%get3A_263, %get3A_264] {strides = array<i32>} : memref<128x32xf32, #tpu.memory_space<vmem>>, vector<1x16xf32>,
          %get3A_266 = vector.shape_cast %get3A_265 : vector<1x16xf32> to vector<16xf32>
          %mul3A_267 = vector.broadcast %squeeze3A_262 : f32 to vector<16xf32>
          %mul3A_268 = arith.mulf %get3A_266, %mul3A_267 : vector<16xf32>
          %swap3A_269 = arith.index_cast %add3A_260 : i32 to index
          %swap3A_270 = arith.constant 0 : index
          %swap3A_271 = tpu.vector_load %arg13[%swap3A_269, %swap3A_270] {strides = array<i32>} : memref<128x32xf32, #tpu.memory_space<vmem>>, vector<1x16xf32>,
          %swap3A_272 = vector.shape_cast %swap3A_271 : vector<1x16xf32> to vector<16xf32>
          %swap3A_273 = vector.shape_cast %mul3A_268 : vector<16xf32> to vector<1x16xf32>
          tpu.vector_store %arg13[%swap3A_269, %swap3A_270], %swap3A_273 {strides = array<i32>} : memref<128x32xf32, #tpu.memory_space<vmem>>, vector<1x16xf32>,
          %get3A_274 = arith.index_cast %add3A_260 : i32 to index
          %get3A_275 = arith.constant 16 : index
          %get3A_276 = tpu.vector_load %arg13[%get3A_274, %get3A_275] {strides = array<i32>} : memref<128x32xf32, #tpu.memory_space<vmem>>, vector<1x16xf32>,
          %get3A_277 = vector.shape_cast %get3A_276 : vector<1x16xf32> to vector<16xf32>
          %mul3A_278 = vector.broadcast %squeeze3A_262 : f32 to vector<16xf32>
          %mul3A_279 = arith.mulf %get3A_277, %mul3A_278 : vector<16xf32>
          %swap3A_280 = arith.index_cast %add3A_260 : i32 to index
          %swap3A_281 = arith.constant 16 : index
          %swap3A_282 = tpu.vector_load %arg13[%swap3A_280, %swap3A_281] {strides = array<i32>} : memref<128x32xf32, #tpu.memory_space<vmem>>, vector<1x16xf32>,
          %swap3A_283 = vector.shape_cast %swap3A_282 : vector<1x16xf32> to vector<16xf32>
          %swap3A_284 = vector.shape_cast %mul3A_279 : vector<16xf32> to vector<1x16xf32>
          tpu.vector_store %arg13[%swap3A_280, %swap3A_281], %swap3A_284 {strides = array<i32>} : memref<128x32xf32, #tpu.memory_space<vmem>>, vector<1x16xf32>,
          %mul3A_285 = arith.constant 16 : i32
          %mul3A_286 = arith.muli %scan3A_86, %mul3A_285 : i32
          %add3A_287 = arith.constant 7 : i32
          %add3A_288 = arith.addi %mul3A_286, %add3A_287 : i32
          %slice3A_289 = vector.extract_strided_slice %get3A_91 {offsets = [7], sizes = [1], strides = [1]} : vector<16xf32> to vector<1xf32>
          %squeeze3A_290 = vector.extract %slice3A_289[0] : f32 from vector<1xf32>
          %get3A_291 = arith.index_cast %add3A_288 : i32 to index
          %get3A_292 = arith.constant 0 : index
          %get3A_293 = tpu.vector_load %arg13[%get3A_291, %get3A_292] {strides = array<i32>} : memref<128x32xf32, #tpu.memory_space<vmem>>, vector<1x16xf32>,
          %get3A_294 = vector.shape_cast %get3A_293 : vector<1x16xf32> to vector<16xf32>
          %mul3A_295 = vector.broadcast %squeeze3A_290 : f32 to vector<16xf32>
          %mul3A_296 = arith.mulf %get3A_294, %mul3A_295 : vector<16xf32>
          %swap3A_297 = arith.index_cast %add3A_288 : i32 to index
          %swap3A_298 = arith.constant 0 : index
          %swap3A_299 = tpu.vector_load %arg13[%swap3A_297, %swap3A_298] {strides = array<i32>} : memref<128x32xf32, #tpu.memory_space<vmem>>, vector<1x16xf32>,
          %swap3A_300 = vector.shape_cast %swap3A_299 : vector<1x16xf32> to vector<16xf32>
          %swap3A_301 = vector.shape_cast %mul3A_296 : vector<16xf32> to vector<1x16xf32>
          tpu.vector_store %arg13[%swap3A_297, %swap3A_298], %swap3A_301 {strides = array<i32>} : memref<128x32xf32, #tpu.memory_space<vmem>>, vector<1x16xf32>,
          %get3A_302 = arith.index_cast %add3A_288 : i32 to index
          %get3A_303 = arith.constant 16 : index
          %get3A_304 = tpu.vector_load %arg13[%get3A_302, %get3A_303] {strides = array<i32>} : memref<128x32xf32, #tpu.memory_space<vmem>>, vector<1x16xf32>,
          %get3A_305 = vector.shape_cast %get3A_304 : vector<1x16xf32> to vector<16xf32>
          %mul3A_306 = vector.broadcast %squeeze3A_290 : f32 to vector<16xf32>
          %mul3A_307 = arith.mulf %get3A_305, %mul3A_306 : vector<16xf32>
          %swap3A_308 = arith.index_cast %add3A_288 : i32 to index
          %swap3A_309 = arith.constant 16 : index
          %swap3A_310 = tpu.vector_load %arg13[%swap3A_308, %swap3A_309] {strides = array<i32>} : memref<128x32xf32, #tpu.memory_space<vmem>>, vector<1x16xf32>,
          %swap3A_311 = vector.shape_cast %swap3A_310 : vector<1x16xf32> to vector<16xf32>
          %swap3A_312 = vector.shape_cast %mul3A_307 : vector<16xf32> to vector<1x16xf32>
          tpu.vector_store %arg13[%swap3A_308, %swap3A_309], %swap3A_312 {strides = array<i32>} : memref<128x32xf32, #tpu.memory_space<vmem>>, vector<1x16xf32>,
          %mul3A_313 = arith.constant 16 : i32
          %mul3A_314 = arith.muli %scan3A_86, %mul3A_313 : i32
          %add3A_315 = arith.constant 8 : i32
          %add3A_316 = arith.addi %mul3A_314, %add3A_315 : i32
          %slice3A_317 = vector.extract_strided_slice %get3A_91 {offsets = [8], sizes = [1], strides = [1]} : vector<16xf32> to vector<1xf32>
          %squeeze3A_318 = vector.extract %slice3A_317[0] : f32 from vector<1xf32>
          %get3A_319 = arith.index_cast %add3A_316 : i32 to index
          %get3A_320 = arith.constant 0 : index
          %get3A_321 = tpu.vector_load %arg13[%get3A_319, %get3A_320] {strides = array<i32>} : memref<128x32xf32, #tpu.memory_space<vmem>>, vector<1x16xf32>,
          %get3A_322 = vector.shape_cast %get3A_321 : vector<1x16xf32> to vector<16xf32>
          %mul3A_323 = vector.broadcast %squeeze3A_318 : f32 to vector<16xf32>
          %mul3A_324 = arith.mulf %get3A_322, %mul3A_323 : vector<16xf32>
          %swap3A_325 = arith.index_cast %add3A_316 : i32 to index
          %swap3A_326 = arith.constant 0 : index
          %swap3A_327 = tpu.vector_load %arg13[%swap3A_325, %swap3A_326] {strides = array<i32>} : memref<128x32xf32, #tpu.memory_space<vmem>>, vector<1x16xf32>,
          %swap3A_328 = vector.shape_cast %swap3A_327 : vector<1x16xf32> to vector<16xf32>
          %swap3A_329 = vector.shape_cast %mul3A_324 : vector<16xf32> to vector<1x16xf32>
          tpu.vector_store %arg13[%swap3A_325, %swap3A_326], %swap3A_329 {strides = array<i32>} : memref<128x32xf32, #tpu.memory_space<vmem>>, vector<1x16xf32>,
          %get3A_330 = arith.index_cast %add3A_316 : i32 to index
          %get3A_331 = arith.constant 16 : index
          %get3A_332 = tpu.vector_load %arg13[%get3A_330, %get3A_331] {strides = array<i32>} : memref<128x32xf32, #tpu.memory_space<vmem>>, vector<1x16xf32>,
          %get3A_333 = vector.shape_cast %get3A_332 : vector<1x16xf32> to vector<16xf32>
          %mul3A_334 = vector.broadcast %squeeze3A_318 : f32 to vector<16xf32>
          %mul3A_335 = arith.mulf %get3A_333, %mul3A_334 : vector<16xf32>
          %swap3A_336 = arith.index_cast %add3A_316 : i32 to index
          %swap3A_337 = arith.constant 16 : index
          %swap3A_338 = tpu.vector_load %arg13[%swap3A_336, %swap3A_337] {strides = array<i32>} : memref<128x32xf32, #tpu.memory_space<vmem>>, vector<1x16xf32>,
          %swap3A_339 = vector.shape_cast %swap3A_338 : vector<1x16xf32> to vector<16xf32>
          %swap3A_340 = vector.shape_cast %mul3A_335 : vector<16xf32> to vector<1x16xf32>
          tpu.vector_store %arg13[%swap3A_336, %swap3A_337], %swap3A_340 {strides = array<i32>} : memref<128x32xf32, #tpu.memory_space<vmem>>, vector<1x16xf32>,
          %mul3A_341 = arith.constant 16 : i32
          %mul3A_342 = arith.muli %scan3A_86, %mul3A_341 : i32
          %add3A_343 = arith.constant 9 : i32
          %add3A_344 = arith.addi %mul3A_342, %add3A_343 : i32
          %slice3A_345 = vector.extract_strided_slice %get3A_91 {offsets = [9], sizes = [1], strides = [1]} : vector<16xf32> to vector<1xf32>
          %squeeze3A_346 = vector.extract %slice3A_345[0] : f32 from vector<1xf32>
          %get3A_347 = arith.index_cast %add3A_344 : i32 to index
          %get3A_348 = arith.constant 0 : index
          %get3A_349 = tpu.vector_load %arg13[%get3A_347, %get3A_348] {strides = array<i32>} : memref<128x32xf32, #tpu.memory_space<vmem>>, vector<1x16xf32>,
          %get3A_350 = vector.shape_cast %get3A_349 : vector<1x16xf32> to vector<16xf32>
          %mul3A_351 = vector.broadcast %squeeze3A_346 : f32 to vector<16xf32>
          %mul3A_352 = arith.mulf %get3A_350, %mul3A_351 : vector<16xf32>
          %swap3A_353 = arith.index_cast %add3A_344 : i32 to index
          %swap3A_354 = arith.constant 0 : index
          %swap3A_355 = tpu.vector_load %arg13[%swap3A_353, %swap3A_354] {strides = array<i32>} : memref<128x32xf32, #tpu.memory_space<vmem>>, vector<1x16xf32>,
          %swap3A_356 = vector.shape_cast %swap3A_355 : vector<1x16xf32> to vector<16xf32>
          %swap3A_357 = vector.shape_cast %mul3A_352 : vector<16xf32> to vector<1x16xf32>
          tpu.vector_store %arg13[%swap3A_353, %swap3A_354], %swap3A_357 {strides = array<i32>} : memref<128x32xf32, #tpu.memory_space<vmem>>, vector<1x16xf32>,
          %get3A_358 = arith.index_cast %add3A_344 : i32 to index
          %get3A_359 = arith.constant 16 : index
          %get3A_360 = tpu.vector_load %arg13[%get3A_358, %get3A_359] {strides = array<i32>} : memref<128x32xf32, #tpu.memory_space<vmem>>, vector<1x16xf32>,
          %get3A_361 = vector.shape_cast %get3A_360 : vector<1x16xf32> to vector<16xf32>
          %mul3A_362 = vector.broadcast %squeeze3A_346 : f32 to vector<16xf32>
          %mul3A_363 = arith.mulf %get3A_361, %mul3A_362 : vector<16xf32>
          %swap3A_364 = arith.index_cast %add3A_344 : i32 to index
          %swap3A_365 = arith.constant 16 : index
          %swap3A_366 = tpu.vector_load %arg13[%swap3A_364, %swap3A_365] {strides = array<i32>} : memref<128x32xf32, #tpu.memory_space<vmem>>, vector<1x16xf32>,
          %swap3A_367 = vector.shape_cast %swap3A_366 : vector<1x16xf32> to vector<16xf32>
          %swap3A_368 = vector.shape_cast %mul3A_363 : vector<16xf32> to vector<1x16xf32>
          tpu.vector_store %arg13[%swap3A_364, %swap3A_365], %swap3A_368 {strides = array<i32>} : memref<128x32xf32, #tpu.memory_space<vmem>>, vector<1x16xf32>,
          %mul3A_369 = arith.constant 16 : i32
          %mul3A_370 = arith.muli %scan3A_86, %mul3A_369 : i32
          %add3A_371 = arith.constant 10 : i32
          %add3A_372 = arith.addi %mul3A_370, %add3A_371 : i32
          %slice3A_373 = vector.extract_strided_slice %get3A_91 {offsets = [10], sizes = [1], strides = [1]} : vector<16xf32> to vector<1xf32>
          %squeeze3A_374 = vector.extract %slice3A_373[0] : f32 from vector<1xf32>
          %get3A_375 = arith.index_cast %add3A_372 : i32 to index
          %get3A_376 = arith.constant 0 : index
          %get3A_377 = tpu.vector_load %arg13[%get3A_375, %get3A_376] {strides = array<i32>} : memref<128x32xf32, #tpu.memory_space<vmem>>, vector<1x16xf32>,
          %get3A_378 = vector.shape_cast %get3A_377 : vector<1x16xf32> to vector<16xf32>
          %mul3A_379 = vector.broadcast %squeeze3A_374 : f32 to vector<16xf32>
          %mul3A_380 = arith.mulf %get3A_378, %mul3A_379 : vector<16xf32>
          %swap3A_381 = arith.index_cast %add3A_372 : i32 to index
          %swap3A_382 = arith.constant 0 : index
          %swap3A_383 = tpu.vector_load %arg13[%swap3A_381, %swap3A_382] {strides = array<i32>} : memref<128x32xf32, #tpu.memory_space<vmem>>, vector<1x16xf32>,
          %swap3A_384 = vector.shape_cast %swap3A_383 : vector<1x16xf32> to vector<16xf32>
          %swap3A_385 = vector.shape_cast %mul3A_380 : vector<16xf32> to vector<1x16xf32>
          tpu.vector_store %arg13[%swap3A_381, %swap3A_382], %swap3A_385 {strides = array<i32>} : memref<128x32xf32, #tpu.memory_space<vmem>>, vector<1x16xf32>,
          %get3A_386 = arith.index_cast %add3A_372 : i32 to index
          %get3A_387 = arith.constant 16 : index
          %get3A_388 = tpu.vector_load %arg13[%get3A_386, %get3A_387] {strides = array<i32>} : memref<128x32xf32, #tpu.memory_space<vmem>>, vector<1x16xf32>,
          %get3A_389 = vector.shape_cast %get3A_388 : vector<1x16xf32> to vector<16xf32>
          %mul3A_390 = vector.broadcast %squeeze3A_374 : f32 to vector<16xf32>
          %mul3A_391 = arith.mulf %get3A_389, %mul3A_390 : vector<16xf32>
          %swap3A_392 = arith.index_cast %add3A_372 : i32 to index
          %swap3A_393 = arith.constant 16 : index
          %swap3A_394 = tpu.vector_load %arg13[%swap3A_392, %swap3A_393] {strides = array<i32>} : memref<128x32xf32, #tpu.memory_space<vmem>>, vector<1x16xf32>,
          %swap3A_395 = vector.shape_cast %swap3A_394 : vector<1x16xf32> to vector<16xf32>
          %swap3A_396 = vector.shape_cast %mul3A_391 : vector<16xf32> to vector<1x16xf32>
          tpu.vector_store %arg13[%swap3A_392, %swap3A_393], %swap3A_396 {strides = array<i32>} : memref<128x32xf32, #tpu.memory_space<vmem>>, vector<1x16xf32>,
          %mul3A_397 = arith.constant 16 : i32
          %mul3A_398 = arith.muli %scan3A_86, %mul3A_397 : i32
          %add3A_399 = arith.constant 11 : i32
          %add3A_400 = arith.addi %mul3A_398, %add3A_399 : i32
          %slice3A_401 = vector.extract_strided_slice %get3A_91 {offsets = [11], sizes = [1], strides = [1]} : vector<16xf32> to vector<1xf32>
          %squeeze3A_402 = vector.extract %slice3A_401[0] : f32 from vector<1xf32>
          %get3A_403 = arith.index_cast %add3A_400 : i32 to index
          %get3A_404 = arith.constant 0 : index
          %get3A_405 = tpu.vector_load %arg13[%get3A_403, %get3A_404] {strides = array<i32>} : memref<128x32xf32, #tpu.memory_space<vmem>>, vector<1x16xf32>,
          %get3A_406 = vector.shape_cast %get3A_405 : vector<1x16xf32> to vector<16xf32>
          %mul3A_407 = vector.broadcast %squeeze3A_402 : f32 to vector<16xf32>
          %mul3A_408 = arith.mulf %get3A_406, %mul3A_407 : vector<16xf32>
          %swap3A_409 = arith.index_cast %add3A_400 : i32 to index
          %swap3A_410 = arith.constant 0 : index
          %swap3A_411 = tpu.vector_load %arg13[%swap3A_409, %swap3A_410] {strides = array<i32>} : memref<128x32xf32, #tpu.memory_space<vmem>>, vector<1x16xf32>,
          %swap3A_412 = vector.shape_cast %swap3A_411 : vector<1x16xf32> to vector<16xf32>
          %swap3A_413 = vector.shape_cast %mul3A_408 : vector<16xf32> to vector<1x16xf32>
          tpu.vector_store %arg13[%swap3A_409, %swap3A_410], %swap3A_413 {strides = array<i32>} : memref<128x32xf32, #tpu.memory_space<vmem>>, vector<1x16xf32>,
          %get3A_414 = arith.index_cast %add3A_400 : i32 to index
          %get3A_415 = arith.constant 16 : index
          %get3A_416 = tpu.vector_load %arg13[%get3A_414, %get3A_415] {strides = array<i32>} : memref<128x32xf32, #tpu.memory_space<vmem>>, vector<1x16xf32>,
          %get3A_417 = vector.shape_cast %get3A_416 : vector<1x16xf32> to vector<16xf32>
          %mul3A_418 = vector.broadcast %squeeze3A_402 : f32 to vector<16xf32>
          %mul3A_419 = arith.mulf %get3A_417, %mul3A_418 : vector<16xf32>
          %swap3A_420 = arith.index_cast %add3A_400 : i32 to index
          %swap3A_421 = arith.constant 16 : index
          %swap3A_422 = tpu.vector_load %arg13[%swap3A_420, %swap3A_421] {strides = array<i32>} : memref<128x32xf32, #tpu.memory_space<vmem>>, vector<1x16xf32>,
          %swap3A_423 = vector.shape_cast %swap3A_422 : vector<1x16xf32> to vector<16xf32>
          %swap3A_424 = vector.shape_cast %mul3A_419 : vector<16xf32> to vector<1x16xf32>
          tpu.vector_store %arg13[%swap3A_420, %swap3A_421], %swap3A_424 {strides = array<i32>} : memref<128x32xf32, #tpu.memory_space<vmem>>, vector<1x16xf32>,
          %mul3A_425 = arith.constant 16 : i32
          %mul3A_426 = arith.muli %scan3A_86, %mul3A_425 : i32
          %add3A_427 = arith.constant 12 : i32
          %add3A_428 = arith.addi %mul3A_426, %add3A_427 : i32
          %slice3A_429 = vector.extract_strided_slice %get3A_91 {offsets = [12], sizes = [1], strides = [1]} : vector<16xf32> to vector<1xf32>
          %squeeze3A_430 = vector.extract %slice3A_429[0] : f32 from vector<1xf32>
          %get3A_431 = arith.index_cast %add3A_428 : i32 to index
          %get3A_432 = arith.constant 0 : index
          %get3A_433 = tpu.vector_load %arg13[%get3A_431, %get3A_432] {strides = array<i32>} : memref<128x32xf32, #tpu.memory_space<vmem>>, vector<1x16xf32>,
          %get3A_434 = vector.shape_cast %get3A_433 : vector<1x16xf32> to vector<16xf32>
          %mul3A_435 = vector.broadcast %squeeze3A_430 : f32 to vector<16xf32>
          %mul3A_436 = arith.mulf %get3A_434, %mul3A_435 : vector<16xf32>
          %swap3A_437 = arith.index_cast %add3A_428 : i32 to index
          %swap3A_438 = arith.constant 0 : index
          %swap3A_439 = tpu.vector_load %arg13[%swap3A_437, %swap3A_438] {strides = array<i32>} : memref<128x32xf32, #tpu.memory_space<vmem>>, vector<1x16xf32>,
          %swap3A_440 = vector.shape_cast %swap3A_439 : vector<1x16xf32> to vector<16xf32>
          %swap3A_441 = vector.shape_cast %mul3A_436 : vector<16xf32> to vector<1x16xf32>
          tpu.vector_store %arg13[%swap3A_437, %swap3A_438], %swap3A_441 {strides = array<i32>} : memref<128x32xf32, #tpu.memory_space<vmem>>, vector<1x16xf32>,
          %get3A_442 = arith.index_cast %add3A_428 : i32 to index
          %get3A_443 = arith.constant 16 : index
          %get3A_444 = tpu.vector_load %arg13[%get3A_442, %get3A_443] {strides = array<i32>} : memref<128x32xf32, #tpu.memory_space<vmem>>, vector<1x16xf32>,
          %get3A_445 = vector.shape_cast %get3A_444 : vector<1x16xf32> to vector<16xf32>
          %mul3A_446 = vector.broadcast %squeeze3A_430 : f32 to vector<16xf32>
          %mul3A_447 = arith.mulf %get3A_445, %mul3A_446 : vector<16xf32>
          %swap3A_448 = arith.index_cast %add3A_428 : i32 to index
          %swap3A_449 = arith.constant 16 : index
          %swap3A_450 = tpu.vector_load %arg13[%swap3A_448, %swap3A_449] {strides = array<i32>} : memref<128x32xf32, #tpu.memory_space<vmem>>, vector<1x16xf32>,
          %swap3A_451 = vector.shape_cast %swap3A_450 : vector<1x16xf32> to vector<16xf32>
          %swap3A_452 = vector.shape_cast %mul3A_447 : vector<16xf32> to vector<1x16xf32>
          tpu.vector_store %arg13[%swap3A_448, %swap3A_449], %swap3A_452 {strides = array<i32>} : memref<128x32xf32, #tpu.memory_space<vmem>>, vector<1x16xf32>,
          %mul3A_453 = arith.constant 16 : i32
          %mul3A_454 = arith.muli %scan3A_86, %mul3A_453 : i32
          %add3A_455 = arith.constant 13 : i32
          %add3A_456 = arith.addi %mul3A_454, %add3A_455 : i32
          %slice3A_457 = vector.extract_strided_slice %get3A_91 {offsets = [13], sizes = [1], strides = [1]} : vector<16xf32> to vector<1xf32>
          %squeeze3A_458 = vector.extract %slice3A_457[0] : f32 from vector<1xf32>
          %get3A_459 = arith.index_cast %add3A_456 : i32 to index
          %get3A_460 = arith.constant 0 : index
          %get3A_461 = tpu.vector_load %arg13[%get3A_459, %get3A_460] {strides = array<i32>} : memref<128x32xf32, #tpu.memory_space<vmem>>, vector<1x16xf32>,
          %get3A_462 = vector.shape_cast %get3A_461 : vector<1x16xf32> to vector<16xf32>
          %mul3A_463 = vector.broadcast %squeeze3A_458 : f32 to vector<16xf32>
          %mul3A_464 = arith.mulf %get3A_462, %mul3A_463 : vector<16xf32>
          %swap3A_465 = arith.index_cast %add3A_456 : i32 to index
          %swap3A_466 = arith.constant 0 : index
          %swap3A_467 = tpu.vector_load %arg13[%swap3A_465, %swap3A_466] {strides = array<i32>} : memref<128x32xf32, #tpu.memory_space<vmem>>, vector<1x16xf32>,
          %swap3A_468 = vector.shape_cast %swap3A_467 : vector<1x16xf32> to vector<16xf32>
          %swap3A_469 = vector.shape_cast %mul3A_464 : vector<16xf32> to vector<1x16xf32>
          tpu.vector_store %arg13[%swap3A_465, %swap3A_466], %swap3A_469 {strides = array<i32>} : memref<128x32xf32, #tpu.memory_space<vmem>>, vector<1x16xf32>,
          %get3A_470 = arith.index_cast %add3A_456 : i32 to index
          %get3A_471 = arith.constant 16 : index
          %get3A_472 = tpu.vector_load %arg13[%get3A_470, %get3A_471] {strides = array<i32>} : memref<128x32xf32, #tpu.memory_space<vmem>>, vector<1x16xf32>,
          %get3A_473 = vector.shape_cast %get3A_472 : vector<1x16xf32> to vector<16xf32>
          %mul3A_474 = vector.broadcast %squeeze3A_458 : f32 to vector<16xf32>
          %mul3A_475 = arith.mulf %get3A_473, %mul3A_474 : vector<16xf32>
          %swap3A_476 = arith.index_cast %add3A_456 : i32 to index
          %swap3A_477 = arith.constant 16 : index
          %swap3A_478 = tpu.vector_load %arg13[%swap3A_476, %swap3A_477] {strides = array<i32>} : memref<128x32xf32, #tpu.memory_space<vmem>>, vector<1x16xf32>,
          %swap3A_479 = vector.shape_cast %swap3A_478 : vector<1x16xf32> to vector<16xf32>
          %swap3A_480 = vector.shape_cast %mul3A_475 : vector<16xf32> to vector<1x16xf32>
          tpu.vector_store %arg13[%swap3A_476, %swap3A_477], %swap3A_480 {strides = array<i32>} : memref<128x32xf32, #tpu.memory_space<vmem>>, vector<1x16xf32>,
          %mul3A_481 = arith.constant 16 : i32
          %mul3A_482 = arith.muli %scan3A_86, %mul3A_481 : i32
          %add3A_483 = arith.constant 14 : i32
          %add3A_484 = arith.addi %mul3A_482, %add3A_483 : i32
          %slice3A_485 = vector.extract_strided_slice %get3A_91 {offsets = [14], sizes = [1], strides = [1]} : vector<16xf32> to vector<1xf32>
          %squeeze3A_486 = vector.extract %slice3A_485[0] : f32 from vector<1xf32>
          %get3A_487 = arith.index_cast %add3A_484 : i32 to index
          %get3A_488 = arith.constant 0 : index
          %get3A_489 = tpu.vector_load %arg13[%get3A_487, %get3A_488] {strides = array<i32>} : memref<128x32xf32, #tpu.memory_space<vmem>>, vector<1x16xf32>,
          %get3A_490 = vector.shape_cast %get3A_489 : vector<1x16xf32> to vector<16xf32>
          %mul3A_491 = vector.broadcast %squeeze3A_486 : f32 to vector<16xf32>
          %mul3A_492 = arith.mulf %get3A_490, %mul3A_491 : vector<16xf32>
          %swap3A_493 = arith.index_cast %add3A_484 : i32 to index
          %swap3A_494 = arith.constant 0 : index
          %swap3A_495 = tpu.vector_load %arg13[%swap3A_493, %swap3A_494] {strides = array<i32>} : memref<128x32xf32, #tpu.memory_space<vmem>>, vector<1x16xf32>,
          %swap3A_496 = vector.shape_cast %swap3A_495 : vector<1x16xf32> to vector<16xf32>
          %swap3A_497 = vector.shape_cast %mul3A_492 : vector<16xf32> to vector<1x16xf32>
          tpu.vector_store %arg13[%swap3A_493, %swap3A_494], %swap3A_497 {strides = array<i32>} : memref<128x32xf32, #tpu.memory_space<vmem>>, vector<1x16xf32>,
          %get3A_498 = arith.index_cast %add3A_484 : i32 to index
          %get3A_499 = arith.constant 16 : index
          %get3A_500 = tpu.vector_load %arg13[%get3A_498, %get3A_499] {strides = array<i32>} : memref<128x32xf32, #tpu.memory_space<vmem>>, vector<1x16xf32>,
          %get3A_501 = vector.shape_cast %get3A_500 : vector<1x16xf32> to vector<16xf32>
          %mul3A_502 = vector.broadcast %squeeze3A_486 : f32 to vector<16xf32>
          %mul3A_503 = arith.mulf %get3A_501, %mul3A_502 : vector<16xf32>
          %swap3A_504 = arith.index_cast %add3A_484 : i32 to index
          %swap3A_505 = arith.constant 16 : index
          %swap3A_506 = tpu.vector_load %arg13[%swap3A_504, %swap3A_505] {strides = array<i32>} : memref<128x32xf32, #tpu.memory_space<vmem>>, vector<1x16xf32>,
          %swap3A_507 = vector.shape_cast %swap3A_506 : vector<1x16xf32> to vector<16xf32>
          %swap3A_508 = vector.shape_cast %mul3A_503 : vector<16xf32> to vector<1x16xf32>
          tpu.vector_store %arg13[%swap3A_504, %swap3A_505], %swap3A_508 {strides = array<i32>} : memref<128x32xf32, #tpu.memory_space<vmem>>, vector<1x16xf32>,
          %mul3A_509 = arith.constant 16 : i32
          %mul3A_510 = arith.muli %scan3A_86, %mul3A_509 : i32
          %add3A_511 = arith.constant 15 : i32
          %add3A_512 = arith.addi %mul3A_510, %add3A_511 : i32
          %slice3A_513 = vector.extract_strided_slice %get3A_91 {offsets = [15], sizes = [1], strides = [1]} : vector<16xf32> to vector<1xf32>
          %squeeze3A_514 = vector.extract %slice3A_513[0] : f32 from vector<1xf32>
          %get3A_515 = arith.index_cast %add3A_512 : i32 to index
          %get3A_516 = arith.constant 0 : index
          %get3A_517 = tpu.vector_load %arg13[%get3A_515, %get3A_516] {strides = array<i32>} : memref<128x32xf32, #tpu.memory_space<vmem>>, vector<1x16xf32>,
          %get3A_518 = vector.shape_cast %get3A_517 : vector<1x16xf32> to vector<16xf32>
          %mul3A_519 = vector.broadcast %squeeze3A_514 : f32 to vector<16xf32>
          %mul3A_520 = arith.mulf %get3A_518, %mul3A_519 : vector<16xf32>
          %swap3A_521 = arith.index_cast %add3A_512 : i32 to index
          %swap3A_522 = arith.constant 0 : index
          %swap3A_523 = tpu.vector_load %arg13[%swap3A_521, %swap3A_522] {strides = array<i32>} : memref<128x32xf32, #tpu.memory_space<vmem>>, vector<1x16xf32>,
          %swap3A_524 = vector.shape_cast %swap3A_523 : vector<1x16xf32> to vector<16xf32>
          %swap3A_525 = vector.shape_cast %mul3A_520 : vector<16xf32> to vector<1x16xf32>
          tpu.vector_store %arg13[%swap3A_521, %swap3A_522], %swap3A_525 {strides = array<i32>} : memref<128x32xf32, #tpu.memory_space<vmem>>, vector<1x16xf32>,
          %get3A_526 = arith.index_cast %add3A_512 : i32 to index
          %get3A_527 = arith.constant 16 : index
          %get3A_528 = tpu.vector_load %arg13[%get3A_526, %get3A_527] {strides = array<i32>} : memref<128x32xf32, #tpu.memory_space<vmem>>, vector<1x16xf32>,
          %get3A_529 = vector.shape_cast %get3A_528 : vector<1x16xf32> to vector<16xf32>
          %mul3A_530 = vector.broadcast %squeeze3A_514 : f32 to vector<16xf32>
          %mul3A_531 = arith.mulf %get3A_529, %mul3A_530 : vector<16xf32>
          %swap3A_532 = arith.index_cast %add3A_512 : i32 to index
          %swap3A_533 = arith.constant 16 : index
          %swap3A_534 = tpu.vector_load %arg13[%swap3A_532, %swap3A_533] {strides = array<i32>} : memref<128x32xf32, #tpu.memory_space<vmem>>, vector<1x16xf32>,
          %swap3A_535 = vector.shape_cast %swap3A_534 : vector<1x16xf32> to vector<16xf32>
          %swap3A_536 = vector.shape_cast %mul3A_531 : vector<16xf32> to vector<1x16xf32>
          tpu.vector_store %arg13[%swap3A_532, %swap3A_533], %swap3A_536 {strides = array<i32>} : memref<128x32xf32, #tpu.memory_space<vmem>>, vector<1x16xf32>,
        }
        %scan3A_85 = arith.constant 8 : i32
        "tpu.region"() ({
          %run_scoped3A = tpu.sem_alloc : memref<!tpu.dma_semaphore, #tpu.memory_space<semaphore_mem>>
          %dma_start3A_86 = arith.constant 0 : i32
          %dma_start3A_87 = tpu.memref_slice %arg11[%scan3A_70, %dma_start3A_86] : memref<16x128xi32, #tpu.memory_space<vmem>> -> memref<1x128xi32, #tpu.memory_space<vmem>>
          %dma_start3A_88 = tpu.memref_squeeze %dma_start3A_87 : memref<1x128xi32, #tpu.memory_space<vmem>> -> memref<128xi32, #tpu.memory_space<vmem>>
          %dma_start3A_89 = arith.constant 0 : i32
          %dma_start3A_90 = arith.constant 0 : i32
          %dma_start3A_91 = tpu.memref_slice %arg7[%dma_start3A_89, %dma_start3A_90] : memref<51200x32xf32, #tpu.memory_space<vmem_shared>> -> memref<51200x32xf32, #tpu.memory_space<vmem_shared>>
          tpu.enqueue_indirect_dma source(%arg13 : memref<128x32xf32, #tpu.memory_space<vmem>>) target(%dma_start3A_91 : memref<51200x32xf32, #tpu.memory_space<vmem_shared>>) offsets(%dma_start3A_88 : memref<128xi32, #tpu.memory_space<vmem>>) semaphore(%run_scoped3A : memref<!tpu.dma_semaphore, #tpu.memory_space<semaphore_mem>>) {add = true}
          %dma_wait3A_92 = arith.constant 0 : i32
          %dma_wait3A_93 = tpu.memref_slice %arg11[%scan3A_70, %dma_wait3A_92] : memref<16x128xi32, #tpu.memory_space<vmem>> -> memref<1x128xi32, #tpu.memory_space<vmem>>
          %dma_wait3A_94 = tpu.memref_squeeze %dma_wait3A_93 : memref<1x128xi32, #tpu.memory_space<vmem>> -> memref<128xi32, #tpu.memory_space<vmem>>
          %dma_wait3A_95 = arith.constant 0 : i32
          %dma_wait3A_96 = arith.constant 0 : i32
          %dma_wait3A_97 = tpu.memref_slice %arg7[%dma_wait3A_95, %dma_wait3A_96] : memref<51200x32xf32, #tpu.memory_space<vmem_shared>> -> memref<51200x32xf32, #tpu.memory_space<vmem_shared>>
          tpu.wait_indirect_dma semaphore(%run_scoped3A : memref<!tpu.dma_semaphore, #tpu.memory_space<semaphore_mem>>) src(%arg13 : memref<128x32xf32, #tpu.memory_space<vmem>>) dst(%dma_wait3A_97 : memref<51200x32xf32, #tpu.memory_space<vmem_shared>>)
          tpu.yield
        }) : () -> ()
      }
      %scan3A_69 = arith.constant 16 : i32
    }
    %scan3A_37 = arith.constant 25 : i32
    %barrier3A_38 = arith.constant 0 : index
    tpu.barrier barrier_id(%barrier3A_38)
    %scan3A_39 = arith.constant 0 : i32
    %scan3A_40 = arith.constant 50 : i32
    %scan3A_41 = arith.addi %scan3A_39, %scan3A_40 : i32
    %scan3A_42 = arith.constant 1 : i32
    scf.for %scan3A_62 = %scan3A_39 to %scan3A_41 step %scan3A_42  : i32 {
      %mul3A_63 = arith.constant 64 : i32
      %mul3A_64 = arith.muli %scan3A_62, %mul3A_63 : i32
      %add3A = arith.addi %mul3A_0, %mul3A_64 : i32
      "tpu.region"() ({
        %run_scoped3A = tpu.sem_alloc : memref<!tpu.dma_semaphore, #tpu.memory_space<semaphore_mem>>
        %dma_start3A = arith.constant 0 : i32
        %dma_start3A_66 = tpu.memref_slice %arg7[%add3A, %dma_start3A] : memref<51200x32xf32, #tpu.memory_space<vmem_shared>> -> memref<64x32xf32, #tpu.memory_space<vmem_shared>>
        %dma_start3A_67 = arith.constant 0 : i32
        %dma_start3A_68 = tpu.memref_slice %arg7[%add3A, %dma_start3A_67] : memref<51200x32xf32, #tpu.memory_space<vmem_shared>> -> memref<64x32xf32, #tpu.memory_space<vmem_shared>>
        tpu.enqueue_dma source(%dma_start3A_68 : memref<64x32xf32, #tpu.memory_space<vmem_shared>>) target(%arg15 : memref<64x32xf32, #tpu.memory_space<vmem>>) target_semaphore(%run_scoped3A : memref<!tpu.dma_semaphore, #tpu.memory_space<semaphore_mem>>)
        %dma_wait3A = arith.constant 0 : i32
        %dma_wait3A_69 = tpu.memref_slice %arg7[%add3A, %dma_wait3A] : memref<51200x32xf32, #tpu.memory_space<vmem_shared>> -> memref<64x32xf32, #tpu.memory_space<vmem_shared>>
        %dma_wait3A_70 = arith.constant 0 : i32
        %dma_wait3A_71 = tpu.memref_slice %arg7[%add3A, %dma_wait3A_70] : memref<51200x32xf32, #tpu.memory_space<vmem_shared>> -> memref<64x32xf32, #tpu.memory_space<vmem_shared>>
        tpu.wait_dma2 semaphore(%run_scoped3A : memref<!tpu.dma_semaphore, #tpu.memory_space<semaphore_mem>>) src(%dma_wait3A_71 : memref<64x32xf32, #tpu.memory_space<vmem_shared>>) dst(%arg15 : memref<64x32xf32, #tpu.memory_space<vmem>>)
        tpu.yield
      }) : () -> ()
      %add3A_65 = arith.addi %mul3A_2, %add3A : i32
      "tpu.region"() ({
        %run_scoped3A = tpu.sem_alloc : memref<!tpu.dma_semaphore, #tpu.memory_space<semaphore_mem>>
        %dma_start3A = arith.constant 0 : i32
        %dma_start3A_66 = tpu.memref_slice %arg9[%add3A_65, %dma_start3A] : memref<102400x32xf32, #tpu.memory_space<hbm>> -> memref<64x32xf32, #tpu.memory_space<hbm>>
        %dma_start3A_67 = arith.constant 0 : i32
        %dma_start3A_68 = tpu.memref_slice %arg9[%add3A_65, %dma_start3A_67] : memref<102400x32xf32, #tpu.memory_space<hbm>> -> memref<64x32xf32, #tpu.memory_space<hbm>>
        tpu.enqueue_dma source(%arg15 : memref<64x32xf32, #tpu.memory_space<vmem>>) target(%dma_start3A_68 : memref<64x32xf32, #tpu.memory_space<hbm>>) target_semaphore(%run_scoped3A : memref<!tpu.dma_semaphore, #tpu.memory_space<semaphore_mem>>)
        %dma_wait3A = arith.constant 0 : i32
        %dma_wait3A_69 = tpu.memref_slice %arg9[%add3A_65, %dma_wait3A] : memref<102400x32xf32, #tpu.memory_space<hbm>> -> memref<64x32xf32, #tpu.memory_space<hbm>>
        %dma_wait3A_70 = arith.constant 0 : i32
        %dma_wait3A_71 = tpu.memref_slice %arg9[%add3A_65, %dma_wait3A_70] : memref<102400x32xf32, #tpu.memory_space<hbm>> -> memref<64x32xf32, #tpu.memory_space<hbm>>
        tpu.wait_dma2 semaphore(%run_scoped3A : memref<!tpu.dma_semaphore, #tpu.memory_space<semaphore_mem>>) src(%arg15 : memref<64x32xf32, #tpu.memory_space<vmem>>) dst(%dma_wait3A_71 : memref<64x32xf32, #tpu.memory_space<hbm>>)
        tpu.yield
      }) : () -> ()
    }
    %scan3A_43 = arith.constant 50 : i32
    %barrier3A_44 = arith.constant 0 : index
    tpu.barrier barrier_id(%barrier3A_44)
    %scan3A_45 = arith.constant 0 : i32
    %scan3A_46 = arith.constant 50 : i32
    %scan3A_47 = arith.addi %scan3A_45, %scan3A_46 : i32
    %scan3A_48 = arith.constant 1 : i32
    scf.for %scan3A_62 = %scan3A_45 to %scan3A_47 step %scan3A_48  : i32 {
      %mul3A_63 = arith.constant 64 : i32
      %mul3A_64 = arith.muli %scan3A_62, %mul3A_63 : i32
      %add3A = arith.addi %mul3A_0, %mul3A_64 : i32
      "tpu.region"() ({
        %run_scoped3A = tpu.sem_alloc : memref<!tpu.dma_semaphore, #tpu.memory_space<semaphore_mem>>
        %dma_start3A = arith.constant 0 : i32
        %dma_start3A_65 = tpu.memref_slice %arg7[%add3A, %dma_start3A] : memref<51200x32xf32, #tpu.memory_space<vmem_shared>> -> memref<64x32xf32, #tpu.memory_space<vmem_shared>>
        %dma_start3A_66 = arith.constant 0 : i32
        %dma_start3A_67 = tpu.memref_slice %arg7[%add3A, %dma_start3A_66] : memref<51200x32xf32, #tpu.memory_space<vmem_shared>> -> memref<64x32xf32, #tpu.memory_space<vmem_shared>>
        tpu.enqueue_dma source(%arg14 : memref<64x32xf32, #tpu.memory_space<vmem>>) target(%dma_start3A_67 : memref<64x32xf32, #tpu.memory_space<vmem_shared>>) target_semaphore(%run_scoped3A : memref<!tpu.dma_semaphore, #tpu.memory_space<semaphore_mem>>)
        %dma_wait3A = arith.constant 0 : i32
        %dma_wait3A_68 = tpu.memref_slice %arg7[%add3A, %dma_wait3A] : memref<51200x32xf32, #tpu.memory_space<vmem_shared>> -> memref<64x32xf32, #tpu.memory_space<vmem_shared>>
        %dma_wait3A_69 = arith.constant 0 : i32
        %dma_wait3A_70 = tpu.memref_slice %arg7[%add3A, %dma_wait3A_69] : memref<51200x32xf32, #tpu.memory_space<vmem_shared>> -> memref<64x32xf32, #tpu.memory_space<vmem_shared>>
        tpu.wait_dma2 semaphore(%run_scoped3A : memref<!tpu.dma_semaphore, #tpu.memory_space<semaphore_mem>>) src(%arg14 : memref<64x32xf32, #tpu.memory_space<vmem>>) dst(%dma_wait3A_70 : memref<64x32xf32, #tpu.memory_space<vmem_shared>>)
        tpu.yield
      }) : () -> ()
    }
    %scan3A_49 = arith.constant 50 : i32
    %barrier3A_50 = arith.constant 0 : index
    tpu.barrier barrier_id(%barrier3A_50)
    %scan3A_51 = arith.constant 0 : i32
    %scan3A_52 = arith.constant 25 : i32
    %scan3A_53 = arith.addi %scan3A_51, %scan3A_52 : i32
    %scan3A_54 = arith.constant 1 : i32
    scf.for %scan3A_62 = %scan3A_51 to %scan3A_53 step %scan3A_54  : i32 {
      %mul3A_63 = arith.constant 16 : i32
      %mul3A_64 = arith.muli %scan3A_62, %mul3A_63 : i32
      %add3A = arith.addi %mul3A_4, %mul3A_64 : i32
      "tpu.region"() ({
        %run_scoped3A = tpu.sem_alloc : memref<!tpu.dma_semaphore, #tpu.memory_space<semaphore_mem>>
        %dma_start3A = arith.constant 0 : i32
        %dma_start3A_70 = tpu.memref_slice %arg3[%arg0, %add3A, %dma_start3A] : memref<2x6400x128xi32, #tpu.memory_space<hbm>> -> memref<1x16x128xi32, #tpu.memory_space<hbm>>
        %dma_start3A_71 = tpu.memref_squeeze %dma_start3A_70 : memref<1x16x128xi32, #tpu.memory_space<hbm>> -> memref<16x128xi32, #tpu.memory_space<hbm>>
        %dma_start3A_72 = arith.constant 0 : i32
        %dma_start3A_73 = tpu.memref_slice %arg3[%arg0, %add3A, %dma_start3A_72] : memref<2x6400x128xi32, #tpu.memory_space<hbm>> -> memref<1x16x128xi32, #tpu.memory_space<hbm>>
        %dma_start3A_74 = tpu.memref_squeeze %dma_start3A_73 : memref<1x16x128xi32, #tpu.memory_space<hbm>> -> memref<16x128xi32, #tpu.memory_space<hbm>>
        tpu.enqueue_dma source(%dma_start3A_74 : memref<16x128xi32, #tpu.memory_space<hbm>>) target(%arg10 : memref<16x128xi32, #tpu.memory_space<vmem>>) target_semaphore(%run_scoped3A : memref<!tpu.dma_semaphore, #tpu.memory_space<semaphore_mem>>)
        %dma_wait3A = arith.constant 0 : i32
        %dma_wait3A_75 = tpu.memref_slice %arg3[%arg0, %add3A, %dma_wait3A] : memref<2x6400x128xi32, #tpu.memory_space<hbm>> -> memref<1x16x128xi32, #tpu.memory_space<hbm>>
        %dma_wait3A_76 = tpu.memref_squeeze %dma_wait3A_75 : memref<1x16x128xi32, #tpu.memory_space<hbm>> -> memref<16x128xi32, #tpu.memory_space<hbm>>
        %dma_wait3A_77 = arith.constant 0 : i32
        %dma_wait3A_78 = tpu.memref_slice %arg3[%arg0, %add3A, %dma_wait3A_77] : memref<2x6400x128xi32, #tpu.memory_space<hbm>> -> memref<1x16x128xi32, #tpu.memory_space<hbm>>
        %dma_wait3A_79 = tpu.memref_squeeze %dma_wait3A_78 : memref<1x16x128xi32, #tpu.memory_space<hbm>> -> memref<16x128xi32, #tpu.memory_space<hbm>>
        tpu.wait_dma2 semaphore(%run_scoped3A : memref<!tpu.dma_semaphore, #tpu.memory_space<semaphore_mem>>) src(%dma_wait3A_79 : memref<16x128xi32, #tpu.memory_space<hbm>>) dst(%arg10 : memref<16x128xi32, #tpu.memory_space<vmem>>)
        tpu.yield
      }) : () -> ()
      "tpu.region"() ({
        %run_scoped3A = tpu.sem_alloc : memref<!tpu.dma_semaphore, #tpu.memory_space<semaphore_mem>>
        %dma_start3A = arith.constant 0 : i32
        %dma_start3A_70 = tpu.memref_slice %arg4[%add3A, %dma_start3A] : memref<6400x128xi32, #tpu.memory_space<hbm>> -> memref<16x128xi32, #tpu.memory_space<hbm>>
        %dma_start3A_71 = arith.constant 0 : i32
        %dma_start3A_72 = tpu.memref_slice %arg4[%add3A, %dma_start3A_71] : memref<6400x128xi32, #tpu.memory_space<hbm>> -> memref<16x128xi32, #tpu.memory_space<hbm>>
        tpu.enqueue_dma source(%dma_start3A_72 : memref<16x128xi32, #tpu.memory_space<hbm>>) target(%arg11 : memref<16x128xi32, #tpu.memory_space<vmem>>) target_semaphore(%run_scoped3A : memref<!tpu.dma_semaphore, #tpu.memory_space<semaphore_mem>>)
        %dma_wait3A = arith.constant 0 : i32
        %dma_wait3A_73 = tpu.memref_slice %arg4[%add3A, %dma_wait3A] : memref<6400x128xi32, #tpu.memory_space<hbm>> -> memref<16x128xi32, #tpu.memory_space<hbm>>
        %dma_wait3A_74 = arith.constant 0 : i32
        %dma_wait3A_75 = tpu.memref_slice %arg4[%add3A, %dma_wait3A_74] : memref<6400x128xi32, #tpu.memory_space<hbm>> -> memref<16x128xi32, #tpu.memory_space<hbm>>
        tpu.wait_dma2 semaphore(%run_scoped3A : memref<!tpu.dma_semaphore, #tpu.memory_space<semaphore_mem>>) src(%dma_wait3A_75 : memref<16x128xi32, #tpu.memory_space<hbm>>) dst(%arg11 : memref<16x128xi32, #tpu.memory_space<vmem>>)
        tpu.yield
      }) : () -> ()
      "tpu.region"() ({
        %run_scoped3A = tpu.sem_alloc : memref<!tpu.dma_semaphore, #tpu.memory_space<semaphore_mem>>
        %dma_start3A = arith.constant 0 : i32
        %dma_start3A_70 = tpu.memref_slice %arg5[%add3A, %dma_start3A] : memref<6400x128xf32, #tpu.memory_space<hbm>> -> memref<16x128xf32, #tpu.memory_space<hbm>>
        %dma_start3A_71 = arith.constant 0 : i32
        %dma_start3A_72 = tpu.memref_slice %arg5[%add3A, %dma_start3A_71] : memref<6400x128xf32, #tpu.memory_space<hbm>> -> memref<16x128xf32, #tpu.memory_space<hbm>>
        tpu.enqueue_dma source(%dma_start3A_72 : memref<16x128xf32, #tpu.memory_space<hbm>>) target(%arg12 : memref<16x128xf32, #tpu.memory_space<vmem>>) target_semaphore(%run_scoped3A : memref<!tpu.dma_semaphore, #tpu.memory_space<semaphore_mem>>)
        %dma_wait3A = arith.constant 0 : i32
        %dma_wait3A_73 = tpu.memref_slice %arg5[%add3A, %dma_wait3A] : memref<6400x128xf32, #tpu.memory_space<hbm>> -> memref<16x128xf32, #tpu.memory_space<hbm>>
        %dma_wait3A_74 = arith.constant 0 : i32
        %dma_wait3A_75 = tpu.memref_slice %arg5[%add3A, %dma_wait3A_74] : memref<6400x128xf32, #tpu.memory_space<hbm>> -> memref<16x128xf32, #tpu.memory_space<hbm>>
        tpu.wait_dma2 semaphore(%run_scoped3A : memref<!tpu.dma_semaphore, #tpu.memory_space<semaphore_mem>>) src(%dma_wait3A_75 : memref<16x128xf32, #tpu.memory_space<hbm>>) dst(%arg12 : memref<16x128xf32, #tpu.memory_space<vmem>>)
        tpu.yield
      }) : () -> ()
      %scan3A_65 = arith.constant 0 : i32
      %scan3A_66 = arith.constant 16 : i32
      %scan3A_67 = arith.addi %scan3A_65, %scan3A_66 : i32
      %scan3A_68 = arith.constant 1 : i32
      scf.for %scan3A_70 = %scan3A_65 to %scan3A_67 step %scan3A_68  : i32 {
        %dma_start3A = arith.constant 0 : i32
        %dma_start3A_71 = tpu.memref_slice %arg10[%scan3A_70, %dma_start3A] : memref<16x128xi32, #tpu.memory_space<vmem>> -> memref<1x128xi32, #tpu.memory_space<vmem>>
        %dma_start3A_72 = tpu.memref_squeeze %dma_start3A_71 : memref<1x128xi32, #tpu.memory_space<vmem>> -> memref<128xi32, #tpu.memory_space<vmem>>
        %dma_start3A_73 = arith.constant 0 : i32
        %dma_start3A_74 = arith.constant 0 : i32
        %dma_start3A_75 = tpu.memref_slice %arg9[%dma_start3A_73, %dma_start3A_74] : memref<102400x32xf32, #tpu.memory_space<hbm>> -> memref<102400x32xf32, #tpu.memory_space<hbm>>
        tpu.enqueue_indirect_dma source(%dma_start3A_75 : memref<102400x32xf32, #tpu.memory_space<hbm>>) target(%arg13 : memref<128x32xf32, #tpu.memory_space<vmem>>) offsets(%dma_start3A_72 : memref<128xi32, #tpu.memory_space<vmem>>) semaphore(%arg18 : memref<!tpu.dma_semaphore, #tpu.memory_space<semaphore_mem>>)
        %dma_wait3A = arith.constant 0 : i32
        %dma_wait3A_76 = tpu.memref_slice %arg10[%scan3A_70, %dma_wait3A] : memref<16x128xi32, #tpu.memory_space<vmem>> -> memref<1x128xi32, #tpu.memory_space<vmem>>
        %dma_wait3A_77 = tpu.memref_squeeze %dma_wait3A_76 : memref<1x128xi32, #tpu.memory_space<vmem>> -> memref<128xi32, #tpu.memory_space<vmem>>
        %dma_wait3A_78 = arith.constant 0 : i32
        %dma_wait3A_79 = arith.constant 0 : i32
        %dma_wait3A_80 = tpu.memref_slice %arg9[%dma_wait3A_78, %dma_wait3A_79] : memref<102400x32xf32, #tpu.memory_space<hbm>> -> memref<102400x32xf32, #tpu.memory_space<hbm>>
        tpu.wait_indirect_dma semaphore(%arg18 : memref<!tpu.dma_semaphore, #tpu.memory_space<semaphore_mem>>) src(%dma_wait3A_80 : memref<102400x32xf32, #tpu.memory_space<hbm>>) dst(%arg13 : memref<128x32xf32, #tpu.memory_space<vmem>>)
        %scan3A_81 = arith.constant 0 : i32
        %scan3A_82 = arith.constant 8 : i32
        %scan3A_83 = arith.addi %scan3A_81, %scan3A_82 : i32
        %scan3A_84 = arith.constant 1 : i32
        scf.for %scan3A_86 = %scan3A_81 to %scan3A_83 step %scan3A_84  : i32 {
          %mul3A_87 = arith.constant 16 : i32
          %mul3A_88 = arith.muli %scan3A_86, %mul3A_87 : i32
          %get3A = arith.index_cast %scan3A_70 : i32 to index
          %get3A_89 = arith.index_cast %mul3A_88 : i32 to index
          %get3A_90 = tpu.vector_load %arg12[%get3A, %get3A_89] {strides = array<i32>} : memref<16x128xf32, #tpu.memory_space<vmem>>, vector<1x16xf32>,
          %get3A_91 = vector.shape_cast %get3A_90 : vector<1x16xf32> to vector<16xf32>
          %mul3A_92 = arith.constant 16 : i32
          %mul3A_93 = arith.muli %scan3A_86, %mul3A_92 : i32
          %add3A_94 = arith.constant 0 : i32
          %add3A_95 = arith.addi %mul3A_93, %add3A_94 : i32
          %slice3A = vector.extract_strided_slice %get3A_91 {offsets = [0], sizes = [1], strides = [1]} : vector<16xf32> to vector<1xf32>
          %squeeze3A = vector.extract %slice3A[0] : f32 from vector<1xf32>
          %get3A_96 = arith.index_cast %add3A_95 : i32 to index
          %get3A_97 = arith.constant 0 : index
          %get3A_98 = tpu.vector_load %arg13[%get3A_96, %get3A_97] {strides = array<i32>} : memref<128x32xf32, #tpu.memory_space<vmem>>, vector<1x16xf32>,
          %get3A_99 = vector.shape_cast %get3A_98 : vector<1x16xf32> to vector<16xf32>
          %mul3A_100 = vector.broadcast %squeeze3A : f32 to vector<16xf32>
          %mul3A_101 = arith.mulf %get3A_99, %mul3A_100 : vector<16xf32>
          %swap3A = arith.index_cast %add3A_95 : i32 to index
          %swap3A_102 = arith.constant 0 : index
          %swap3A_103 = tpu.vector_load %arg13[%swap3A, %swap3A_102] {strides = array<i32>} : memref<128x32xf32, #tpu.memory_space<vmem>>, vector<1x16xf32>,
          %swap3A_104 = vector.shape_cast %swap3A_103 : vector<1x16xf32> to vector<16xf32>
          %swap3A_105 = vector.shape_cast %mul3A_101 : vector<16xf32> to vector<1x16xf32>
          tpu.vector_store %arg13[%swap3A, %swap3A_102], %swap3A_105 {strides = array<i32>} : memref<128x32xf32, #tpu.memory_space<vmem>>, vector<1x16xf32>,
          %get3A_106 = arith.index_cast %add3A_95 : i32 to index
          %get3A_107 = arith.constant 16 : index
          %get3A_108 = tpu.vector_load %arg13[%get3A_106, %get3A_107] {strides = array<i32>} : memref<128x32xf32, #tpu.memory_space<vmem>>, vector<1x16xf32>,
          %get3A_109 = vector.shape_cast %get3A_108 : vector<1x16xf32> to vector<16xf32>
          %mul3A_110 = vector.broadcast %squeeze3A : f32 to vector<16xf32>
          %mul3A_111 = arith.mulf %get3A_109, %mul3A_110 : vector<16xf32>
          %swap3A_112 = arith.index_cast %add3A_95 : i32 to index
          %swap3A_113 = arith.constant 16 : index
          %swap3A_114 = tpu.vector_load %arg13[%swap3A_112, %swap3A_113] {strides = array<i32>} : memref<128x32xf32, #tpu.memory_space<vmem>>, vector<1x16xf32>,
          %swap3A_115 = vector.shape_cast %swap3A_114 : vector<1x16xf32> to vector<16xf32>
          %swap3A_116 = vector.shape_cast %mul3A_111 : vector<16xf32> to vector<1x16xf32>
          tpu.vector_store %arg13[%swap3A_112, %swap3A_113], %swap3A_116 {strides = array<i32>} : memref<128x32xf32, #tpu.memory_space<vmem>>, vector<1x16xf32>,
          %mul3A_117 = arith.constant 16 : i32
          %mul3A_118 = arith.muli %scan3A_86, %mul3A_117 : i32
          %add3A_119 = arith.constant 1 : i32
          %add3A_120 = arith.addi %mul3A_118, %add3A_119 : i32
          %slice3A_121 = vector.extract_strided_slice %get3A_91 {offsets = [1], sizes = [1], strides = [1]} : vector<16xf32> to vector<1xf32>
          %squeeze3A_122 = vector.extract %slice3A_121[0] : f32 from vector<1xf32>
          %get3A_123 = arith.index_cast %add3A_120 : i32 to index
          %get3A_124 = arith.constant 0 : index
          %get3A_125 = tpu.vector_load %arg13[%get3A_123, %get3A_124] {strides = array<i32>} : memref<128x32xf32, #tpu.memory_space<vmem>>, vector<1x16xf32>,
          %get3A_126 = vector.shape_cast %get3A_125 : vector<1x16xf32> to vector<16xf32>
          %mul3A_127 = vector.broadcast %squeeze3A_122 : f32 to vector<16xf32>
          %mul3A_128 = arith.mulf %get3A_126, %mul3A_127 : vector<16xf32>
          %swap3A_129 = arith.index_cast %add3A_120 : i32 to index
          %swap3A_130 = arith.constant 0 : index
          %swap3A_131 = tpu.vector_load %arg13[%swap3A_129, %swap3A_130] {strides = array<i32>} : memref<128x32xf32, #tpu.memory_space<vmem>>, vector<1x16xf32>,
          %swap3A_132 = vector.shape_cast %swap3A_131 : vector<1x16xf32> to vector<16xf32>
          %swap3A_133 = vector.shape_cast %mul3A_128 : vector<16xf32> to vector<1x16xf32>
          tpu.vector_store %arg13[%swap3A_129, %swap3A_130], %swap3A_133 {strides = array<i32>} : memref<128x32xf32, #tpu.memory_space<vmem>>, vector<1x16xf32>,
          %get3A_134 = arith.index_cast %add3A_120 : i32 to index
          %get3A_135 = arith.constant 16 : index
          %get3A_136 = tpu.vector_load %arg13[%get3A_134, %get3A_135] {strides = array<i32>} : memref<128x32xf32, #tpu.memory_space<vmem>>, vector<1x16xf32>,
          %get3A_137 = vector.shape_cast %get3A_136 : vector<1x16xf32> to vector<16xf32>
          %mul3A_138 = vector.broadcast %squeeze3A_122 : f32 to vector<16xf32>
          %mul3A_139 = arith.mulf %get3A_137, %mul3A_138 : vector<16xf32>
          %swap3A_140 = arith.index_cast %add3A_120 : i32 to index
          %swap3A_141 = arith.constant 16 : index
          %swap3A_142 = tpu.vector_load %arg13[%swap3A_140, %swap3A_141] {strides = array<i32>} : memref<128x32xf32, #tpu.memory_space<vmem>>, vector<1x16xf32>,
          %swap3A_143 = vector.shape_cast %swap3A_142 : vector<1x16xf32> to vector<16xf32>
          %swap3A_144 = vector.shape_cast %mul3A_139 : vector<16xf32> to vector<1x16xf32>
          tpu.vector_store %arg13[%swap3A_140, %swap3A_141], %swap3A_144 {strides = array<i32>} : memref<128x32xf32, #tpu.memory_space<vmem>>, vector<1x16xf32>,
          %mul3A_145 = arith.constant 16 : i32
          %mul3A_146 = arith.muli %scan3A_86, %mul3A_145 : i32
          %add3A_147 = arith.constant 2 : i32
          %add3A_148 = arith.addi %mul3A_146, %add3A_147 : i32
          %slice3A_149 = vector.extract_strided_slice %get3A_91 {offsets = [2], sizes = [1], strides = [1]} : vector<16xf32> to vector<1xf32>
          %squeeze3A_150 = vector.extract %slice3A_149[0] : f32 from vector<1xf32>
          %get3A_151 = arith.index_cast %add3A_148 : i32 to index
          %get3A_152 = arith.constant 0 : index
          %get3A_153 = tpu.vector_load %arg13[%get3A_151, %get3A_152] {strides = array<i32>} : memref<128x32xf32, #tpu.memory_space<vmem>>, vector<1x16xf32>,
          %get3A_154 = vector.shape_cast %get3A_153 : vector<1x16xf32> to vector<16xf32>
          %mul3A_155 = vector.broadcast %squeeze3A_150 : f32 to vector<16xf32>
          %mul3A_156 = arith.mulf %get3A_154, %mul3A_155 : vector<16xf32>
          %swap3A_157 = arith.index_cast %add3A_148 : i32 to index
          %swap3A_158 = arith.constant 0 : index
          %swap3A_159 = tpu.vector_load %arg13[%swap3A_157, %swap3A_158] {strides = array<i32>} : memref<128x32xf32, #tpu.memory_space<vmem>>, vector<1x16xf32>,
          %swap3A_160 = vector.shape_cast %swap3A_159 : vector<1x16xf32> to vector<16xf32>
          %swap3A_161 = vector.shape_cast %mul3A_156 : vector<16xf32> to vector<1x16xf32>
          tpu.vector_store %arg13[%swap3A_157, %swap3A_158], %swap3A_161 {strides = array<i32>} : memref<128x32xf32, #tpu.memory_space<vmem>>, vector<1x16xf32>,
          %get3A_162 = arith.index_cast %add3A_148 : i32 to index
          %get3A_163 = arith.constant 16 : index
          %get3A_164 = tpu.vector_load %arg13[%get3A_162, %get3A_163] {strides = array<i32>} : memref<128x32xf32, #tpu.memory_space<vmem>>, vector<1x16xf32>,
          %get3A_165 = vector.shape_cast %get3A_164 : vector<1x16xf32> to vector<16xf32>
          %mul3A_166 = vector.broadcast %squeeze3A_150 : f32 to vector<16xf32>
          %mul3A_167 = arith.mulf %get3A_165, %mul3A_166 : vector<16xf32>
          %swap3A_168 = arith.index_cast %add3A_148 : i32 to index
          %swap3A_169 = arith.constant 16 : index
          %swap3A_170 = tpu.vector_load %arg13[%swap3A_168, %swap3A_169] {strides = array<i32>} : memref<128x32xf32, #tpu.memory_space<vmem>>, vector<1x16xf32>,
          %swap3A_171 = vector.shape_cast %swap3A_170 : vector<1x16xf32> to vector<16xf32>
          %swap3A_172 = vector.shape_cast %mul3A_167 : vector<16xf32> to vector<1x16xf32>
          tpu.vector_store %arg13[%swap3A_168, %swap3A_169], %swap3A_172 {strides = array<i32>} : memref<128x32xf32, #tpu.memory_space<vmem>>, vector<1x16xf32>,
          %mul3A_173 = arith.constant 16 : i32
          %mul3A_174 = arith.muli %scan3A_86, %mul3A_173 : i32
          %add3A_175 = arith.constant 3 : i32
          %add3A_176 = arith.addi %mul3A_174, %add3A_175 : i32
          %slice3A_177 = vector.extract_strided_slice %get3A_91 {offsets = [3], sizes = [1], strides = [1]} : vector<16xf32> to vector<1xf32>
          %squeeze3A_178 = vector.extract %slice3A_177[0] : f32 from vector<1xf32>
          %get3A_179 = arith.index_cast %add3A_176 : i32 to index
          %get3A_180 = arith.constant 0 : index
          %get3A_181 = tpu.vector_load %arg13[%get3A_179, %get3A_180] {strides = array<i32>} : memref<128x32xf32, #tpu.memory_space<vmem>>, vector<1x16xf32>,
          %get3A_182 = vector.shape_cast %get3A_181 : vector<1x16xf32> to vector<16xf32>
          %mul3A_183 = vector.broadcast %squeeze3A_178 : f32 to vector<16xf32>
          %mul3A_184 = arith.mulf %get3A_182, %mul3A_183 : vector<16xf32>
          %swap3A_185 = arith.index_cast %add3A_176 : i32 to index
          %swap3A_186 = arith.constant 0 : index
          %swap3A_187 = tpu.vector_load %arg13[%swap3A_185, %swap3A_186] {strides = array<i32>} : memref<128x32xf32, #tpu.memory_space<vmem>>, vector<1x16xf32>,
          %swap3A_188 = vector.shape_cast %swap3A_187 : vector<1x16xf32> to vector<16xf32>
          %swap3A_189 = vector.shape_cast %mul3A_184 : vector<16xf32> to vector<1x16xf32>
          tpu.vector_store %arg13[%swap3A_185, %swap3A_186], %swap3A_189 {strides = array<i32>} : memref<128x32xf32, #tpu.memory_space<vmem>>, vector<1x16xf32>,
          %get3A_190 = arith.index_cast %add3A_176 : i32 to index
          %get3A_191 = arith.constant 16 : index
          %get3A_192 = tpu.vector_load %arg13[%get3A_190, %get3A_191] {strides = array<i32>} : memref<128x32xf32, #tpu.memory_space<vmem>>, vector<1x16xf32>,
          %get3A_193 = vector.shape_cast %get3A_192 : vector<1x16xf32> to vector<16xf32>
          %mul3A_194 = vector.broadcast %squeeze3A_178 : f32 to vector<16xf32>
          %mul3A_195 = arith.mulf %get3A_193, %mul3A_194 : vector<16xf32>
          %swap3A_196 = arith.index_cast %add3A_176 : i32 to index
          %swap3A_197 = arith.constant 16 : index
          %swap3A_198 = tpu.vector_load %arg13[%swap3A_196, %swap3A_197] {strides = array<i32>} : memref<128x32xf32, #tpu.memory_space<vmem>>, vector<1x16xf32>,
          %swap3A_199 = vector.shape_cast %swap3A_198 : vector<1x16xf32> to vector<16xf32>
          %swap3A_200 = vector.shape_cast %mul3A_195 : vector<16xf32> to vector<1x16xf32>
          tpu.vector_store %arg13[%swap3A_196, %swap3A_197], %swap3A_200 {strides = array<i32>} : memref<128x32xf32, #tpu.memory_space<vmem>>, vector<1x16xf32>,
          %mul3A_201 = arith.constant 16 : i32
          %mul3A_202 = arith.muli %scan3A_86, %mul3A_201 : i32
          %add3A_203 = arith.constant 4 : i32
          %add3A_204 = arith.addi %mul3A_202, %add3A_203 : i32
          %slice3A_205 = vector.extract_strided_slice %get3A_91 {offsets = [4], sizes = [1], strides = [1]} : vector<16xf32> to vector<1xf32>
          %squeeze3A_206 = vector.extract %slice3A_205[0] : f32 from vector<1xf32>
          %get3A_207 = arith.index_cast %add3A_204 : i32 to index
          %get3A_208 = arith.constant 0 : index
          %get3A_209 = tpu.vector_load %arg13[%get3A_207, %get3A_208] {strides = array<i32>} : memref<128x32xf32, #tpu.memory_space<vmem>>, vector<1x16xf32>,
          %get3A_210 = vector.shape_cast %get3A_209 : vector<1x16xf32> to vector<16xf32>
          %mul3A_211 = vector.broadcast %squeeze3A_206 : f32 to vector<16xf32>
          %mul3A_212 = arith.mulf %get3A_210, %mul3A_211 : vector<16xf32>
          %swap3A_213 = arith.index_cast %add3A_204 : i32 to index
          %swap3A_214 = arith.constant 0 : index
          %swap3A_215 = tpu.vector_load %arg13[%swap3A_213, %swap3A_214] {strides = array<i32>} : memref<128x32xf32, #tpu.memory_space<vmem>>, vector<1x16xf32>,
          %swap3A_216 = vector.shape_cast %swap3A_215 : vector<1x16xf32> to vector<16xf32>
          %swap3A_217 = vector.shape_cast %mul3A_212 : vector<16xf32> to vector<1x16xf32>
          tpu.vector_store %arg13[%swap3A_213, %swap3A_214], %swap3A_217 {strides = array<i32>} : memref<128x32xf32, #tpu.memory_space<vmem>>, vector<1x16xf32>,
          %get3A_218 = arith.index_cast %add3A_204 : i32 to index
          %get3A_219 = arith.constant 16 : index
          %get3A_220 = tpu.vector_load %arg13[%get3A_218, %get3A_219] {strides = array<i32>} : memref<128x32xf32, #tpu.memory_space<vmem>>, vector<1x16xf32>,
          %get3A_221 = vector.shape_cast %get3A_220 : vector<1x16xf32> to vector<16xf32>
          %mul3A_222 = vector.broadcast %squeeze3A_206 : f32 to vector<16xf32>
          %mul3A_223 = arith.mulf %get3A_221, %mul3A_222 : vector<16xf32>
          %swap3A_224 = arith.index_cast %add3A_204 : i32 to index
          %swap3A_225 = arith.constant 16 : index
          %swap3A_226 = tpu.vector_load %arg13[%swap3A_224, %swap3A_225] {strides = array<i32>} : memref<128x32xf32, #tpu.memory_space<vmem>>, vector<1x16xf32>,
          %swap3A_227 = vector.shape_cast %swap3A_226 : vector<1x16xf32> to vector<16xf32>
          %swap3A_228 = vector.shape_cast %mul3A_223 : vector<16xf32> to vector<1x16xf32>
          tpu.vector_store %arg13[%swap3A_224, %swap3A_225], %swap3A_228 {strides = array<i32>} : memref<128x32xf32, #tpu.memory_space<vmem>>, vector<1x16xf32>,
          %mul3A_229 = arith.constant 16 : i32
          %mul3A_230 = arith.muli %scan3A_86, %mul3A_229 : i32
          %add3A_231 = arith.constant 5 : i32
          %add3A_232 = arith.addi %mul3A_230, %add3A_231 : i32
          %slice3A_233 = vector.extract_strided_slice %get3A_91 {offsets = [5], sizes = [1], strides = [1]} : vector<16xf32> to vector<1xf32>
          %squeeze3A_234 = vector.extract %slice3A_233[0] : f32 from vector<1xf32>
          %get3A_235 = arith.index_cast %add3A_232 : i32 to index
          %get3A_236 = arith.constant 0 : index
          %get3A_237 = tpu.vector_load %arg13[%get3A_235, %get3A_236] {strides = array<i32>} : memref<128x32xf32, #tpu.memory_space<vmem>>, vector<1x16xf32>,
          %get3A_238 = vector.shape_cast %get3A_237 : vector<1x16xf32> to vector<16xf32>
          %mul3A_239 = vector.broadcast %squeeze3A_234 : f32 to vector<16xf32>
          %mul3A_240 = arith.mulf %get3A_238, %mul3A_239 : vector<16xf32>
          %swap3A_241 = arith.index_cast %add3A_232 : i32 to index
          %swap3A_242 = arith.constant 0 : index
          %swap3A_243 = tpu.vector_load %arg13[%swap3A_241, %swap3A_242] {strides = array<i32>} : memref<128x32xf32, #tpu.memory_space<vmem>>, vector<1x16xf32>,
          %swap3A_244 = vector.shape_cast %swap3A_243 : vector<1x16xf32> to vector<16xf32>
          %swap3A_245 = vector.shape_cast %mul3A_240 : vector<16xf32> to vector<1x16xf32>
          tpu.vector_store %arg13[%swap3A_241, %swap3A_242], %swap3A_245 {strides = array<i32>} : memref<128x32xf32, #tpu.memory_space<vmem>>, vector<1x16xf32>,
          %get3A_246 = arith.index_cast %add3A_232 : i32 to index
          %get3A_247 = arith.constant 16 : index
          %get3A_248 = tpu.vector_load %arg13[%get3A_246, %get3A_247] {strides = array<i32>} : memref<128x32xf32, #tpu.memory_space<vmem>>, vector<1x16xf32>,
          %get3A_249 = vector.shape_cast %get3A_248 : vector<1x16xf32> to vector<16xf32>
          %mul3A_250 = vector.broadcast %squeeze3A_234 : f32 to vector<16xf32>
          %mul3A_251 = arith.mulf %get3A_249, %mul3A_250 : vector<16xf32>
          %swap3A_252 = arith.index_cast %add3A_232 : i32 to index
          %swap3A_253 = arith.constant 16 : index
          %swap3A_254 = tpu.vector_load %arg13[%swap3A_252, %swap3A_253] {strides = array<i32>} : memref<128x32xf32, #tpu.memory_space<vmem>>, vector<1x16xf32>,
          %swap3A_255 = vector.shape_cast %swap3A_254 : vector<1x16xf32> to vector<16xf32>
          %swap3A_256 = vector.shape_cast %mul3A_251 : vector<16xf32> to vector<1x16xf32>
          tpu.vector_store %arg13[%swap3A_252, %swap3A_253], %swap3A_256 {strides = array<i32>} : memref<128x32xf32, #tpu.memory_space<vmem>>, vector<1x16xf32>,
          %mul3A_257 = arith.constant 16 : i32
          %mul3A_258 = arith.muli %scan3A_86, %mul3A_257 : i32
          %add3A_259 = arith.constant 6 : i32
          %add3A_260 = arith.addi %mul3A_258, %add3A_259 : i32
          %slice3A_261 = vector.extract_strided_slice %get3A_91 {offsets = [6], sizes = [1], strides = [1]} : vector<16xf32> to vector<1xf32>
          %squeeze3A_262 = vector.extract %slice3A_261[0] : f32 from vector<1xf32>
          %get3A_263 = arith.index_cast %add3A_260 : i32 to index
          %get3A_264 = arith.constant 0 : index
          %get3A_265 = tpu.vector_load %arg13[%get3A_263, %get3A_264] {strides = array<i32>} : memref<128x32xf32, #tpu.memory_space<vmem>>, vector<1x16xf32>,
          %get3A_266 = vector.shape_cast %get3A_265 : vector<1x16xf32> to vector<16xf32>
          %mul3A_267 = vector.broadcast %squeeze3A_262 : f32 to vector<16xf32>
          %mul3A_268 = arith.mulf %get3A_266, %mul3A_267 : vector<16xf32>
          %swap3A_269 = arith.index_cast %add3A_260 : i32 to index
          %swap3A_270 = arith.constant 0 : index
          %swap3A_271 = tpu.vector_load %arg13[%swap3A_269, %swap3A_270] {strides = array<i32>} : memref<128x32xf32, #tpu.memory_space<vmem>>, vector<1x16xf32>,
          %swap3A_272 = vector.shape_cast %swap3A_271 : vector<1x16xf32> to vector<16xf32>
          %swap3A_273 = vector.shape_cast %mul3A_268 : vector<16xf32> to vector<1x16xf32>
          tpu.vector_store %arg13[%swap3A_269, %swap3A_270], %swap3A_273 {strides = array<i32>} : memref<128x32xf32, #tpu.memory_space<vmem>>, vector<1x16xf32>,
          %get3A_274 = arith.index_cast %add3A_260 : i32 to index
          %get3A_275 = arith.constant 16 : index
          %get3A_276 = tpu.vector_load %arg13[%get3A_274, %get3A_275] {strides = array<i32>} : memref<128x32xf32, #tpu.memory_space<vmem>>, vector<1x16xf32>,
          %get3A_277 = vector.shape_cast %get3A_276 : vector<1x16xf32> to vector<16xf32>
          %mul3A_278 = vector.broadcast %squeeze3A_262 : f32 to vector<16xf32>
          %mul3A_279 = arith.mulf %get3A_277, %mul3A_278 : vector<16xf32>
          %swap3A_280 = arith.index_cast %add3A_260 : i32 to index
          %swap3A_281 = arith.constant 16 : index
          %swap3A_282 = tpu.vector_load %arg13[%swap3A_280, %swap3A_281] {strides = array<i32>} : memref<128x32xf32, #tpu.memory_space<vmem>>, vector<1x16xf32>,
          %swap3A_283 = vector.shape_cast %swap3A_282 : vector<1x16xf32> to vector<16xf32>
          %swap3A_284 = vector.shape_cast %mul3A_279 : vector<16xf32> to vector<1x16xf32>
          tpu.vector_store %arg13[%swap3A_280, %swap3A_281], %swap3A_284 {strides = array<i32>} : memref<128x32xf32, #tpu.memory_space<vmem>>, vector<1x16xf32>,
          %mul3A_285 = arith.constant 16 : i32
          %mul3A_286 = arith.muli %scan3A_86, %mul3A_285 : i32
          %add3A_287 = arith.constant 7 : i32
          %add3A_288 = arith.addi %mul3A_286, %add3A_287 : i32
          %slice3A_289 = vector.extract_strided_slice %get3A_91 {offsets = [7], sizes = [1], strides = [1]} : vector<16xf32> to vector<1xf32>
          %squeeze3A_290 = vector.extract %slice3A_289[0] : f32 from vector<1xf32>
          %get3A_291 = arith.index_cast %add3A_288 : i32 to index
          %get3A_292 = arith.constant 0 : index
          %get3A_293 = tpu.vector_load %arg13[%get3A_291, %get3A_292] {strides = array<i32>} : memref<128x32xf32, #tpu.memory_space<vmem>>, vector<1x16xf32>,
          %get3A_294 = vector.shape_cast %get3A_293 : vector<1x16xf32> to vector<16xf32>
          %mul3A_295 = vector.broadcast %squeeze3A_290 : f32 to vector<16xf32>
          %mul3A_296 = arith.mulf %get3A_294, %mul3A_295 : vector<16xf32>
          %swap3A_297 = arith.index_cast %add3A_288 : i32 to index
          %swap3A_298 = arith.constant 0 : index
          %swap3A_299 = tpu.vector_load %arg13[%swap3A_297, %swap3A_298] {strides = array<i32>} : memref<128x32xf32, #tpu.memory_space<vmem>>, vector<1x16xf32>,
          %swap3A_300 = vector.shape_cast %swap3A_299 : vector<1x16xf32> to vector<16xf32>
          %swap3A_301 = vector.shape_cast %mul3A_296 : vector<16xf32> to vector<1x16xf32>
          tpu.vector_store %arg13[%swap3A_297, %swap3A_298], %swap3A_301 {strides = array<i32>} : memref<128x32xf32, #tpu.memory_space<vmem>>, vector<1x16xf32>,
          %get3A_302 = arith.index_cast %add3A_288 : i32 to index
          %get3A_303 = arith.constant 16 : index
          %get3A_304 = tpu.vector_load %arg13[%get3A_302, %get3A_303] {strides = array<i32>} : memref<128x32xf32, #tpu.memory_space<vmem>>, vector<1x16xf32>,
          %get3A_305 = vector.shape_cast %get3A_304 : vector<1x16xf32> to vector<16xf32>
          %mul3A_306 = vector.broadcast %squeeze3A_290 : f32 to vector<16xf32>
          %mul3A_307 = arith.mulf %get3A_305, %mul3A_306 : vector<16xf32>
          %swap3A_308 = arith.index_cast %add3A_288 : i32 to index
          %swap3A_309 = arith.constant 16 : index
          %swap3A_310 = tpu.vector_load %arg13[%swap3A_308, %swap3A_309] {strides = array<i32>} : memref<128x32xf32, #tpu.memory_space<vmem>>, vector<1x16xf32>,
          %swap3A_311 = vector.shape_cast %swap3A_310 : vector<1x16xf32> to vector<16xf32>
          %swap3A_312 = vector.shape_cast %mul3A_307 : vector<16xf32> to vector<1x16xf32>
          tpu.vector_store %arg13[%swap3A_308, %swap3A_309], %swap3A_312 {strides = array<i32>} : memref<128x32xf32, #tpu.memory_space<vmem>>, vector<1x16xf32>,
          %mul3A_313 = arith.constant 16 : i32
          %mul3A_314 = arith.muli %scan3A_86, %mul3A_313 : i32
          %add3A_315 = arith.constant 8 : i32
          %add3A_316 = arith.addi %mul3A_314, %add3A_315 : i32
          %slice3A_317 = vector.extract_strided_slice %get3A_91 {offsets = [8], sizes = [1], strides = [1]} : vector<16xf32> to vector<1xf32>
          %squeeze3A_318 = vector.extract %slice3A_317[0] : f32 from vector<1xf32>
          %get3A_319 = arith.index_cast %add3A_316 : i32 to index
          %get3A_320 = arith.constant 0 : index
          %get3A_321 = tpu.vector_load %arg13[%get3A_319, %get3A_320] {strides = array<i32>} : memref<128x32xf32, #tpu.memory_space<vmem>>, vector<1x16xf32>,
          %get3A_322 = vector.shape_cast %get3A_321 : vector<1x16xf32> to vector<16xf32>
          %mul3A_323 = vector.broadcast %squeeze3A_318 : f32 to vector<16xf32>
          %mul3A_324 = arith.mulf %get3A_322, %mul3A_323 : vector<16xf32>
          %swap3A_325 = arith.index_cast %add3A_316 : i32 to index
          %swap3A_326 = arith.constant 0 : index
          %swap3A_327 = tpu.vector_load %arg13[%swap3A_325, %swap3A_326] {strides = array<i32>} : memref<128x32xf32, #tpu.memory_space<vmem>>, vector<1x16xf32>,
          %swap3A_328 = vector.shape_cast %swap3A_327 : vector<1x16xf32> to vector<16xf32>
          %swap3A_329 = vector.shape_cast %mul3A_324 : vector<16xf32> to vector<1x16xf32>
          tpu.vector_store %arg13[%swap3A_325, %swap3A_326], %swap3A_329 {strides = array<i32>} : memref<128x32xf32, #tpu.memory_space<vmem>>, vector<1x16xf32>,
          %get3A_330 = arith.index_cast %add3A_316 : i32 to index
          %get3A_331 = arith.constant 16 : index
          %get3A_332 = tpu.vector_load %arg13[%get3A_330, %get3A_331] {strides = array<i32>} : memref<128x32xf32, #tpu.memory_space<vmem>>, vector<1x16xf32>,
          %get3A_333 = vector.shape_cast %get3A_332 : vector<1x16xf32> to vector<16xf32>
          %mul3A_334 = vector.broadcast %squeeze3A_318 : f32 to vector<16xf32>
          %mul3A_335 = arith.mulf %get3A_333, %mul3A_334 : vector<16xf32>
          %swap3A_336 = arith.index_cast %add3A_316 : i32 to index
          %swap3A_337 = arith.constant 16 : index
          %swap3A_338 = tpu.vector_load %arg13[%swap3A_336, %swap3A_337] {strides = array<i32>} : memref<128x32xf32, #tpu.memory_space<vmem>>, vector<1x16xf32>,
          %swap3A_339 = vector.shape_cast %swap3A_338 : vector<1x16xf32> to vector<16xf32>
          %swap3A_340 = vector.shape_cast %mul3A_335 : vector<16xf32> to vector<1x16xf32>
          tpu.vector_store %arg13[%swap3A_336, %swap3A_337], %swap3A_340 {strides = array<i32>} : memref<128x32xf32, #tpu.memory_space<vmem>>, vector<1x16xf32>,
          %mul3A_341 = arith.constant 16 : i32
          %mul3A_342 = arith.muli %scan3A_86, %mul3A_341 : i32
          %add3A_343 = arith.constant 9 : i32
          %add3A_344 = arith.addi %mul3A_342, %add3A_343 : i32
          %slice3A_345 = vector.extract_strided_slice %get3A_91 {offsets = [9], sizes = [1], strides = [1]} : vector<16xf32> to vector<1xf32>
          %squeeze3A_346 = vector.extract %slice3A_345[0] : f32 from vector<1xf32>
          %get3A_347 = arith.index_cast %add3A_344 : i32 to index
          %get3A_348 = arith.constant 0 : index
          %get3A_349 = tpu.vector_load %arg13[%get3A_347, %get3A_348] {strides = array<i32>} : memref<128x32xf32, #tpu.memory_space<vmem>>, vector<1x16xf32>,
          %get3A_350 = vector.shape_cast %get3A_349 : vector<1x16xf32> to vector<16xf32>
          %mul3A_351 = vector.broadcast %squeeze3A_346 : f32 to vector<16xf32>
          %mul3A_352 = arith.mulf %get3A_350, %mul3A_351 : vector<16xf32>
          %swap3A_353 = arith.index_cast %add3A_344 : i32 to index
          %swap3A_354 = arith.constant 0 : index
          %swap3A_355 = tpu.vector_load %arg13[%swap3A_353, %swap3A_354] {strides = array<i32>} : memref<128x32xf32, #tpu.memory_space<vmem>>, vector<1x16xf32>,
          %swap3A_356 = vector.shape_cast %swap3A_355 : vector<1x16xf32> to vector<16xf32>
          %swap3A_357 = vector.shape_cast %mul3A_352 : vector<16xf32> to vector<1x16xf32>
          tpu.vector_store %arg13[%swap3A_353, %swap3A_354], %swap3A_357 {strides = array<i32>} : memref<128x32xf32, #tpu.memory_space<vmem>>, vector<1x16xf32>,
          %get3A_358 = arith.index_cast %add3A_344 : i32 to index
          %get3A_359 = arith.constant 16 : index
          %get3A_360 = tpu.vector_load %arg13[%get3A_358, %get3A_359] {strides = array<i32>} : memref<128x32xf32, #tpu.memory_space<vmem>>, vector<1x16xf32>,
          %get3A_361 = vector.shape_cast %get3A_360 : vector<1x16xf32> to vector<16xf32>
          %mul3A_362 = vector.broadcast %squeeze3A_346 : f32 to vector<16xf32>
          %mul3A_363 = arith.mulf %get3A_361, %mul3A_362 : vector<16xf32>
          %swap3A_364 = arith.index_cast %add3A_344 : i32 to index
          %swap3A_365 = arith.constant 16 : index
          %swap3A_366 = tpu.vector_load %arg13[%swap3A_364, %swap3A_365] {strides = array<i32>} : memref<128x32xf32, #tpu.memory_space<vmem>>, vector<1x16xf32>,
          %swap3A_367 = vector.shape_cast %swap3A_366 : vector<1x16xf32> to vector<16xf32>
          %swap3A_368 = vector.shape_cast %mul3A_363 : vector<16xf32> to vector<1x16xf32>
          tpu.vector_store %arg13[%swap3A_364, %swap3A_365], %swap3A_368 {strides = array<i32>} : memref<128x32xf32, #tpu.memory_space<vmem>>, vector<1x16xf32>,
          %mul3A_369 = arith.constant 16 : i32
          %mul3A_370 = arith.muli %scan3A_86, %mul3A_369 : i32
          %add3A_371 = arith.constant 10 : i32
          %add3A_372 = arith.addi %mul3A_370, %add3A_371 : i32
          %slice3A_373 = vector.extract_strided_slice %get3A_91 {offsets = [10], sizes = [1], strides = [1]} : vector<16xf32> to vector<1xf32>
          %squeeze3A_374 = vector.extract %slice3A_373[0] : f32 from vector<1xf32>
          %get3A_375 = arith.index_cast %add3A_372 : i32 to index
          %get3A_376 = arith.constant 0 : index
          %get3A_377 = tpu.vector_load %arg13[%get3A_375, %get3A_376] {strides = array<i32>} : memref<128x32xf32, #tpu.memory_space<vmem>>, vector<1x16xf32>,
          %get3A_378 = vector.shape_cast %get3A_377 : vector<1x16xf32> to vector<16xf32>
          %mul3A_379 = vector.broadcast %squeeze3A_374 : f32 to vector<16xf32>
          %mul3A_380 = arith.mulf %get3A_378, %mul3A_379 : vector<16xf32>
          %swap3A_381 = arith.index_cast %add3A_372 : i32 to index
          %swap3A_382 = arith.constant 0 : index
          %swap3A_383 = tpu.vector_load %arg13[%swap3A_381, %swap3A_382] {strides = array<i32>} : memref<128x32xf32, #tpu.memory_space<vmem>>, vector<1x16xf32>,
          %swap3A_384 = vector.shape_cast %swap3A_383 : vector<1x16xf32> to vector<16xf32>
          %swap3A_385 = vector.shape_cast %mul3A_380 : vector<16xf32> to vector<1x16xf32>
          tpu.vector_store %arg13[%swap3A_381, %swap3A_382], %swap3A_385 {strides = array<i32>} : memref<128x32xf32, #tpu.memory_space<vmem>>, vector<1x16xf32>,
          %get3A_386 = arith.index_cast %add3A_372 : i32 to index
          %get3A_387 = arith.constant 16 : index
          %get3A_388 = tpu.vector_load %arg13[%get3A_386, %get3A_387] {strides = array<i32>} : memref<128x32xf32, #tpu.memory_space<vmem>>, vector<1x16xf32>,
          %get3A_389 = vector.shape_cast %get3A_388 : vector<1x16xf32> to vector<16xf32>
          %mul3A_390 = vector.broadcast %squeeze3A_374 : f32 to vector<16xf32>
          %mul3A_391 = arith.mulf %get3A_389, %mul3A_390 : vector<16xf32>
          %swap3A_392 = arith.index_cast %add3A_372 : i32 to index
          %swap3A_393 = arith.constant 16 : index
          %swap3A_394 = tpu.vector_load %arg13[%swap3A_392, %swap3A_393] {strides = array<i32>} : memref<128x32xf32, #tpu.memory_space<vmem>>, vector<1x16xf32>,
          %swap3A_395 = vector.shape_cast %swap3A_394 : vector<1x16xf32> to vector<16xf32>
          %swap3A_396 = vector.shape_cast %mul3A_391 : vector<16xf32> to vector<1x16xf32>
          tpu.vector_store %arg13[%swap3A_392, %swap3A_393], %swap3A_396 {strides = array<i32>} : memref<128x32xf32, #tpu.memory_space<vmem>>, vector<1x16xf32>,
          %mul3A_397 = arith.constant 16 : i32
          %mul3A_398 = arith.muli %scan3A_86, %mul3A_397 : i32
          %add3A_399 = arith.constant 11 : i32
          %add3A_400 = arith.addi %mul3A_398, %add3A_399 : i32
          %slice3A_401 = vector.extract_strided_slice %get3A_91 {offsets = [11], sizes = [1], strides = [1]} : vector<16xf32> to vector<1xf32>
          %squeeze3A_402 = vector.extract %slice3A_401[0] : f32 from vector<1xf32>
          %get3A_403 = arith.index_cast %add3A_400 : i32 to index
          %get3A_404 = arith.constant 0 : index
          %get3A_405 = tpu.vector_load %arg13[%get3A_403, %get3A_404] {strides = array<i32>} : memref<128x32xf32, #tpu.memory_space<vmem>>, vector<1x16xf32>,
          %get3A_406 = vector.shape_cast %get3A_405 : vector<1x16xf32> to vector<16xf32>
          %mul3A_407 = vector.broadcast %squeeze3A_402 : f32 to vector<16xf32>
          %mul3A_408 = arith.mulf %get3A_406, %mul3A_407 : vector<16xf32>
          %swap3A_409 = arith.index_cast %add3A_400 : i32 to index
          %swap3A_410 = arith.constant 0 : index
          %swap3A_411 = tpu.vector_load %arg13[%swap3A_409, %swap3A_410] {strides = array<i32>} : memref<128x32xf32, #tpu.memory_space<vmem>>, vector<1x16xf32>,
          %swap3A_412 = vector.shape_cast %swap3A_411 : vector<1x16xf32> to vector<16xf32>
          %swap3A_413 = vector.shape_cast %mul3A_408 : vector<16xf32> to vector<1x16xf32>
          tpu.vector_store %arg13[%swap3A_409, %swap3A_410], %swap3A_413 {strides = array<i32>} : memref<128x32xf32, #tpu.memory_space<vmem>>, vector<1x16xf32>,
          %get3A_414 = arith.index_cast %add3A_400 : i32 to index
          %get3A_415 = arith.constant 16 : index
          %get3A_416 = tpu.vector_load %arg13[%get3A_414, %get3A_415] {strides = array<i32>} : memref<128x32xf32, #tpu.memory_space<vmem>>, vector<1x16xf32>,
          %get3A_417 = vector.shape_cast %get3A_416 : vector<1x16xf32> to vector<16xf32>
          %mul3A_418 = vector.broadcast %squeeze3A_402 : f32 to vector<16xf32>
          %mul3A_419 = arith.mulf %get3A_417, %mul3A_418 : vector<16xf32>
          %swap3A_420 = arith.index_cast %add3A_400 : i32 to index
          %swap3A_421 = arith.constant 16 : index
          %swap3A_422 = tpu.vector_load %arg13[%swap3A_420, %swap3A_421] {strides = array<i32>} : memref<128x32xf32, #tpu.memory_space<vmem>>, vector<1x16xf32>,
          %swap3A_423 = vector.shape_cast %swap3A_422 : vector<1x16xf32> to vector<16xf32>
          %swap3A_424 = vector.shape_cast %mul3A_419 : vector<16xf32> to vector<1x16xf32>
          tpu.vector_store %arg13[%swap3A_420, %swap3A_421], %swap3A_424 {strides = array<i32>} : memref<128x32xf32, #tpu.memory_space<vmem>>, vector<1x16xf32>,
          %mul3A_425 = arith.constant 16 : i32
          %mul3A_426 = arith.muli %scan3A_86, %mul3A_425 : i32
          %add3A_427 = arith.constant 12 : i32
          %add3A_428 = arith.addi %mul3A_426, %add3A_427 : i32
          %slice3A_429 = vector.extract_strided_slice %get3A_91 {offsets = [12], sizes = [1], strides = [1]} : vector<16xf32> to vector<1xf32>
          %squeeze3A_430 = vector.extract %slice3A_429[0] : f32 from vector<1xf32>
          %get3A_431 = arith.index_cast %add3A_428 : i32 to index
          %get3A_432 = arith.constant 0 : index
          %get3A_433 = tpu.vector_load %arg13[%get3A_431, %get3A_432] {strides = array<i32>} : memref<128x32xf32, #tpu.memory_space<vmem>>, vector<1x16xf32>,
          %get3A_434 = vector.shape_cast %get3A_433 : vector<1x16xf32> to vector<16xf32>
          %mul3A_435 = vector.broadcast %squeeze3A_430 : f32 to vector<16xf32>
          %mul3A_436 = arith.mulf %get3A_434, %mul3A_435 : vector<16xf32>
          %swap3A_437 = arith.index_cast %add3A_428 : i32 to index
          %swap3A_438 = arith.constant 0 : index
          %swap3A_439 = tpu.vector_load %arg13[%swap3A_437, %swap3A_438] {strides = array<i32>} : memref<128x32xf32, #tpu.memory_space<vmem>>, vector<1x16xf32>,
          %swap3A_440 = vector.shape_cast %swap3A_439 : vector<1x16xf32> to vector<16xf32>
          %swap3A_441 = vector.shape_cast %mul3A_436 : vector<16xf32> to vector<1x16xf32>
          tpu.vector_store %arg13[%swap3A_437, %swap3A_438], %swap3A_441 {strides = array<i32>} : memref<128x32xf32, #tpu.memory_space<vmem>>, vector<1x16xf32>,
          %get3A_442 = arith.index_cast %add3A_428 : i32 to index
          %get3A_443 = arith.constant 16 : index
          %get3A_444 = tpu.vector_load %arg13[%get3A_442, %get3A_443] {strides = array<i32>} : memref<128x32xf32, #tpu.memory_space<vmem>>, vector<1x16xf32>,
          %get3A_445 = vector.shape_cast %get3A_444 : vector<1x16xf32> to vector<16xf32>
          %mul3A_446 = vector.broadcast %squeeze3A_430 : f32 to vector<16xf32>
          %mul3A_447 = arith.mulf %get3A_445, %mul3A_446 : vector<16xf32>
          %swap3A_448 = arith.index_cast %add3A_428 : i32 to index
          %swap3A_449 = arith.constant 16 : index
          %swap3A_450 = tpu.vector_load %arg13[%swap3A_448, %swap3A_449] {strides = array<i32>} : memref<128x32xf32, #tpu.memory_space<vmem>>, vector<1x16xf32>,
          %swap3A_451 = vector.shape_cast %swap3A_450 : vector<1x16xf32> to vector<16xf32>
          %swap3A_452 = vector.shape_cast %mul3A_447 : vector<16xf32> to vector<1x16xf32>
          tpu.vector_store %arg13[%swap3A_448, %swap3A_449], %swap3A_452 {strides = array<i32>} : memref<128x32xf32, #tpu.memory_space<vmem>>, vector<1x16xf32>,
          %mul3A_453 = arith.constant 16 : i32
          %mul3A_454 = arith.muli %scan3A_86, %mul3A_453 : i32
          %add3A_455 = arith.constant 13 : i32
          %add3A_456 = arith.addi %mul3A_454, %add3A_455 : i32
          %slice3A_457 = vector.extract_strided_slice %get3A_91 {offsets = [13], sizes = [1], strides = [1]} : vector<16xf32> to vector<1xf32>
          %squeeze3A_458 = vector.extract %slice3A_457[0] : f32 from vector<1xf32>
          %get3A_459 = arith.index_cast %add3A_456 : i32 to index
          %get3A_460 = arith.constant 0 : index
          %get3A_461 = tpu.vector_load %arg13[%get3A_459, %get3A_460] {strides = array<i32>} : memref<128x32xf32, #tpu.memory_space<vmem>>, vector<1x16xf32>,
          %get3A_462 = vector.shape_cast %get3A_461 : vector<1x16xf32> to vector<16xf32>
          %mul3A_463 = vector.broadcast %squeeze3A_458 : f32 to vector<16xf32>
          %mul3A_464 = arith.mulf %get3A_462, %mul3A_463 : vector<16xf32>
          %swap3A_465 = arith.index_cast %add3A_456 : i32 to index
          %swap3A_466 = arith.constant 0 : index
          %swap3A_467 = tpu.vector_load %arg13[%swap3A_465, %swap3A_466] {strides = array<i32>} : memref<128x32xf32, #tpu.memory_space<vmem>>, vector<1x16xf32>,
          %swap3A_468 = vector.shape_cast %swap3A_467 : vector<1x16xf32> to vector<16xf32>
          %swap3A_469 = vector.shape_cast %mul3A_464 : vector<16xf32> to vector<1x16xf32>
          tpu.vector_store %arg13[%swap3A_465, %swap3A_466], %swap3A_469 {strides = array<i32>} : memref<128x32xf32, #tpu.memory_space<vmem>>, vector<1x16xf32>,
          %get3A_470 = arith.index_cast %add3A_456 : i32 to index
          %get3A_471 = arith.constant 16 : index
          %get3A_472 = tpu.vector_load %arg13[%get3A_470, %get3A_471] {strides = array<i32>} : memref<128x32xf32, #tpu.memory_space<vmem>>, vector<1x16xf32>,
          %get3A_473 = vector.shape_cast %get3A_472 : vector<1x16xf32> to vector<16xf32>
          %mul3A_474 = vector.broadcast %squeeze3A_458 : f32 to vector<16xf32>
          %mul3A_475 = arith.mulf %get3A_473, %mul3A_474 : vector<16xf32>
          %swap3A_476 = arith.index_cast %add3A_456 : i32 to index
          %swap3A_477 = arith.constant 16 : index
          %swap3A_478 = tpu.vector_load %arg13[%swap3A_476, %swap3A_477] {strides = array<i32>} : memref<128x32xf32, #tpu.memory_space<vmem>>, vector<1x16xf32>,
          %swap3A_479 = vector.shape_cast %swap3A_478 : vector<1x16xf32> to vector<16xf32>
          %swap3A_480 = vector.shape_cast %mul3A_475 : vector<16xf32> to vector<1x16xf32>
          tpu.vector_store %arg13[%swap3A_476, %swap3A_477], %swap3A_480 {strides = array<i32>} : memref<128x32xf32, #tpu.memory_space<vmem>>, vector<1x16xf32>,
          %mul3A_481 = arith.constant 16 : i32
          %mul3A_482 = arith.muli %scan3A_86, %mul3A_481 : i32
          %add3A_483 = arith.constant 14 : i32
          %add3A_484 = arith.addi %mul3A_482, %add3A_483 : i32
          %slice3A_485 = vector.extract_strided_slice %get3A_91 {offsets = [14], sizes = [1], strides = [1]} : vector<16xf32> to vector<1xf32>
          %squeeze3A_486 = vector.extract %slice3A_485[0] : f32 from vector<1xf32>
          %get3A_487 = arith.index_cast %add3A_484 : i32 to index
          %get3A_488 = arith.constant 0 : index
          %get3A_489 = tpu.vector_load %arg13[%get3A_487, %get3A_488] {strides = array<i32>} : memref<128x32xf32, #tpu.memory_space<vmem>>, vector<1x16xf32>,
          %get3A_490 = vector.shape_cast %get3A_489 : vector<1x16xf32> to vector<16xf32>
          %mul3A_491 = vector.broadcast %squeeze3A_486 : f32 to vector<16xf32>
          %mul3A_492 = arith.mulf %get3A_490, %mul3A_491 : vector<16xf32>
          %swap3A_493 = arith.index_cast %add3A_484 : i32 to index
          %swap3A_494 = arith.constant 0 : index
          %swap3A_495 = tpu.vector_load %arg13[%swap3A_493, %swap3A_494] {strides = array<i32>} : memref<128x32xf32, #tpu.memory_space<vmem>>, vector<1x16xf32>,
          %swap3A_496 = vector.shape_cast %swap3A_495 : vector<1x16xf32> to vector<16xf32>
          %swap3A_497 = vector.shape_cast %mul3A_492 : vector<16xf32> to vector<1x16xf32>
          tpu.vector_store %arg13[%swap3A_493, %swap3A_494], %swap3A_497 {strides = array<i32>} : memref<128x32xf32, #tpu.memory_space<vmem>>, vector<1x16xf32>,
          %get3A_498 = arith.index_cast %add3A_484 : i32 to index
          %get3A_499 = arith.constant 16 : index
          %get3A_500 = tpu.vector_load %arg13[%get3A_498, %get3A_499] {strides = array<i32>} : memref<128x32xf32, #tpu.memory_space<vmem>>, vector<1x16xf32>,
          %get3A_501 = vector.shape_cast %get3A_500 : vector<1x16xf32> to vector<16xf32>
          %mul3A_502 = vector.broadcast %squeeze3A_486 : f32 to vector<16xf32>
          %mul3A_503 = arith.mulf %get3A_501, %mul3A_502 : vector<16xf32>
          %swap3A_504 = arith.index_cast %add3A_484 : i32 to index
          %swap3A_505 = arith.constant 16 : index
          %swap3A_506 = tpu.vector_load %arg13[%swap3A_504, %swap3A_505] {strides = array<i32>} : memref<128x32xf32, #tpu.memory_space<vmem>>, vector<1x16xf32>,
          %swap3A_507 = vector.shape_cast %swap3A_506 : vector<1x16xf32> to vector<16xf32>
          %swap3A_508 = vector.shape_cast %mul3A_503 : vector<16xf32> to vector<1x16xf32>
          tpu.vector_store %arg13[%swap3A_504, %swap3A_505], %swap3A_508 {strides = array<i32>} : memref<128x32xf32, #tpu.memory_space<vmem>>, vector<1x16xf32>,
          %mul3A_509 = arith.constant 16 : i32
          %mul3A_510 = arith.muli %scan3A_86, %mul3A_509 : i32
          %add3A_511 = arith.constant 15 : i32
          %add3A_512 = arith.addi %mul3A_510, %add3A_511 : i32
          %slice3A_513 = vector.extract_strided_slice %get3A_91 {offsets = [15], sizes = [1], strides = [1]} : vector<16xf32> to vector<1xf32>
          %squeeze3A_514 = vector.extract %slice3A_513[0] : f32 from vector<1xf32>
          %get3A_515 = arith.index_cast %add3A_512 : i32 to index
          %get3A_516 = arith.constant 0 : index
          %get3A_517 = tpu.vector_load %arg13[%get3A_515, %get3A_516] {strides = array<i32>} : memref<128x32xf32, #tpu.memory_space<vmem>>, vector<1x16xf32>,
          %get3A_518 = vector.shape_cast %get3A_517 : vector<1x16xf32> to vector<16xf32>
          %mul3A_519 = vector.broadcast %squeeze3A_514 : f32 to vector<16xf32>
          %mul3A_520 = arith.mulf %get3A_518, %mul3A_519 : vector<16xf32>
          %swap3A_521 = arith.index_cast %add3A_512 : i32 to index
          %swap3A_522 = arith.constant 0 : index
          %swap3A_523 = tpu.vector_load %arg13[%swap3A_521, %swap3A_522] {strides = array<i32>} : memref<128x32xf32, #tpu.memory_space<vmem>>, vector<1x16xf32>,
          %swap3A_524 = vector.shape_cast %swap3A_523 : vector<1x16xf32> to vector<16xf32>
          %swap3A_525 = vector.shape_cast %mul3A_520 : vector<16xf32> to vector<1x16xf32>
          tpu.vector_store %arg13[%swap3A_521, %swap3A_522], %swap3A_525 {strides = array<i32>} : memref<128x32xf32, #tpu.memory_space<vmem>>, vector<1x16xf32>,
          %get3A_526 = arith.index_cast %add3A_512 : i32 to index
          %get3A_527 = arith.constant 16 : index
          %get3A_528 = tpu.vector_load %arg13[%get3A_526, %get3A_527] {strides = array<i32>} : memref<128x32xf32, #tpu.memory_space<vmem>>, vector<1x16xf32>,
          %get3A_529 = vector.shape_cast %get3A_528 : vector<1x16xf32> to vector<16xf32>
          %mul3A_530 = vector.broadcast %squeeze3A_514 : f32 to vector<16xf32>
          %mul3A_531 = arith.mulf %get3A_529, %mul3A_530 : vector<16xf32>
          %swap3A_532 = arith.index_cast %add3A_512 : i32 to index
          %swap3A_533 = arith.constant 16 : index
          %swap3A_534 = tpu.vector_load %arg13[%swap3A_532, %swap3A_533] {strides = array<i32>} : memref<128x32xf32, #tpu.memory_space<vmem>>, vector<1x16xf32>,
          %swap3A_535 = vector.shape_cast %swap3A_534 : vector<1x16xf32> to vector<16xf32>
          %swap3A_536 = vector.shape_cast %mul3A_531 : vector<16xf32> to vector<1x16xf32>
          tpu.vector_store %arg13[%swap3A_532, %swap3A_533], %swap3A_536 {strides = array<i32>} : memref<128x32xf32, #tpu.memory_space<vmem>>, vector<1x16xf32>,
        }
        %scan3A_85 = arith.constant 8 : i32
        "tpu.region"() ({
          %run_scoped3A = tpu.sem_alloc : memref<!tpu.dma_semaphore, #tpu.memory_space<semaphore_mem>>
          %dma_start3A_86 = arith.constant 0 : i32
          %dma_start3A_87 = tpu.memref_slice %arg11[%scan3A_70, %dma_start3A_86] : memref<16x128xi32, #tpu.memory_space<vmem>> -> memref<1x128xi32, #tpu.memory_space<vmem>>
          %dma_start3A_88 = tpu.memref_squeeze %dma_start3A_87 : memref<1x128xi32, #tpu.memory_space<vmem>> -> memref<128xi32, #tpu.memory_space<vmem>>
          %dma_start3A_89 = arith.constant 0 : i32
          %dma_start3A_90 = arith.constant 0 : i32
          %dma_start3A_91 = tpu.memref_slice %arg7[%dma_start3A_89, %dma_start3A_90] : memref<51200x32xf32, #tpu.memory_space<vmem_shared>> -> memref<51200x32xf32, #tpu.memory_space<vmem_shared>>
          tpu.enqueue_indirect_dma source(%arg13 : memref<128x32xf32, #tpu.memory_space<vmem>>) target(%dma_start3A_91 : memref<51200x32xf32, #tpu.memory_space<vmem_shared>>) offsets(%dma_start3A_88 : memref<128xi32, #tpu.memory_space<vmem>>) semaphore(%run_scoped3A : memref<!tpu.dma_semaphore, #tpu.memory_space<semaphore_mem>>) {add = true}
          %dma_wait3A_92 = arith.constant 0 : i32
          %dma_wait3A_93 = tpu.memref_slice %arg11[%scan3A_70, %dma_wait3A_92] : memref<16x128xi32, #tpu.memory_space<vmem>> -> memref<1x128xi32, #tpu.memory_space<vmem>>
          %dma_wait3A_94 = tpu.memref_squeeze %dma_wait3A_93 : memref<1x128xi32, #tpu.memory_space<vmem>> -> memref<128xi32, #tpu.memory_space<vmem>>
          %dma_wait3A_95 = arith.constant 0 : i32
          %dma_wait3A_96 = arith.constant 0 : i32
          %dma_wait3A_97 = tpu.memref_slice %arg7[%dma_wait3A_95, %dma_wait3A_96] : memref<51200x32xf32, #tpu.memory_space<vmem_shared>> -> memref<51200x32xf32, #tpu.memory_space<vmem_shared>>
          tpu.wait_indirect_dma semaphore(%run_scoped3A : memref<!tpu.dma_semaphore, #tpu.memory_space<semaphore_mem>>) src(%arg13 : memref<128x32xf32, #tpu.memory_space<vmem>>) dst(%dma_wait3A_97 : memref<51200x32xf32, #tpu.memory_space<vmem_shared>>)
          tpu.yield
        }) : () -> ()
      }
      %scan3A_69 = arith.constant 16 : i32
    }
    %scan3A_55 = arith.constant 25 : i32
    %barrier3A_56 = arith.constant 0 : index
    tpu.barrier barrier_id(%barrier3A_56)
    %scan3A_57 = arith.constant 0 : i32
    %scan3A_58 = arith.constant 50 : i32
    %scan3A_59 = arith.addi %scan3A_57, %scan3A_58 : i32
    %scan3A_60 = arith.constant 1 : i32
    scf.for %scan3A_62 = %scan3A_57 to %scan3A_59 step %scan3A_60  : i32 {
      %mul3A_63 = arith.constant 64 : i32
      %mul3A_64 = arith.muli %scan3A_62, %mul3A_63 : i32
      %add3A = arith.addi %mul3A_0, %mul3A_64 : i32
      %add3A_65 = arith.addi %mul3A_2, %add3A : i32
      "tpu.region"() ({
        %run_scoped3A = tpu.sem_alloc : memref<!tpu.dma_semaphore, #tpu.memory_space<semaphore_mem>>
        %dma_start3A = arith.constant 0 : i32
        %dma_start3A_74 = tpu.memref_slice %arg2[%add3A_65, %dma_start3A] : memref<102400x32xf32, #tpu.memory_space<hbm>> -> memref<64x32xf32, #tpu.memory_space<hbm>>
        %dma_start3A_75 = arith.constant 0 : i32
        %dma_start3A_76 = tpu.memref_slice %arg2[%add3A_65, %dma_start3A_75] : memref<102400x32xf32, #tpu.memory_space<hbm>> -> memref<64x32xf32, #tpu.memory_space<hbm>>
        tpu.enqueue_dma source(%dma_start3A_76 : memref<64x32xf32, #tpu.memory_space<hbm>>) target(%arg14 : memref<64x32xf32, #tpu.memory_space<vmem>>) target_semaphore(%run_scoped3A : memref<!tpu.dma_semaphore, #tpu.memory_space<semaphore_mem>>)
        %dma_wait3A = arith.constant 0 : i32
        %dma_wait3A_77 = tpu.memref_slice %arg2[%add3A_65, %dma_wait3A] : memref<102400x32xf32, #tpu.memory_space<hbm>> -> memref<64x32xf32, #tpu.memory_space<hbm>>
        %dma_wait3A_78 = arith.constant 0 : i32
        %dma_wait3A_79 = tpu.memref_slice %arg2[%add3A_65, %dma_wait3A_78] : memref<102400x32xf32, #tpu.memory_space<hbm>> -> memref<64x32xf32, #tpu.memory_space<hbm>>
        tpu.wait_dma2 semaphore(%run_scoped3A : memref<!tpu.dma_semaphore, #tpu.memory_space<semaphore_mem>>) src(%dma_wait3A_79 : memref<64x32xf32, #tpu.memory_space<hbm>>) dst(%arg14 : memref<64x32xf32, #tpu.memory_space<vmem>>)
        tpu.yield
      }) : () -> ()
      %add3A_66 = arith.addi %mul3A_2, %add3A : i32
      "tpu.region"() ({
        %run_scoped3A = tpu.sem_alloc : memref<!tpu.dma_semaphore, #tpu.memory_space<semaphore_mem>>
        %dma_start3A = arith.constant 0 : i32
        %dma_start3A_74 = tpu.memref_slice %arg8[%add3A_66, %dma_start3A] : memref<102400x32xf32, #tpu.memory_space<hbm>> -> memref<64x32xf32, #tpu.memory_space<hbm>>
        %dma_start3A_75 = arith.constant 0 : i32
        %dma_start3A_76 = tpu.memref_slice %arg8[%add3A_66, %dma_start3A_75] : memref<102400x32xf32, #tpu.memory_space<hbm>> -> memref<64x32xf32, #tpu.memory_space<hbm>>
        tpu.enqueue_dma source(%dma_start3A_76 : memref<64x32xf32, #tpu.memory_space<hbm>>) target(%arg15 : memref<64x32xf32, #tpu.memory_space<vmem>>) target_semaphore(%run_scoped3A : memref<!tpu.dma_semaphore, #tpu.memory_space<semaphore_mem>>)
        %dma_wait3A = arith.constant 0 : i32
        %dma_wait3A_77 = tpu.memref_slice %arg8[%add3A_66, %dma_wait3A] : memref<102400x32xf32, #tpu.memory_space<hbm>> -> memref<64x32xf32, #tpu.memory_space<hbm>>
        %dma_wait3A_78 = arith.constant 0 : i32
        %dma_wait3A_79 = tpu.memref_slice %arg8[%add3A_66, %dma_wait3A_78] : memref<102400x32xf32, #tpu.memory_space<hbm>> -> memref<64x32xf32, #tpu.memory_space<hbm>>
        tpu.wait_dma2 semaphore(%run_scoped3A : memref<!tpu.dma_semaphore, #tpu.memory_space<semaphore_mem>>) src(%dma_wait3A_79 : memref<64x32xf32, #tpu.memory_space<hbm>>) dst(%arg15 : memref<64x32xf32, #tpu.memory_space<vmem>>)
        tpu.yield
      }) : () -> ()
      %add3A_67 = arith.addi %mul3A_2, %add3A : i32
      "tpu.region"() ({
        %run_scoped3A = tpu.sem_alloc : memref<!tpu.dma_semaphore, #tpu.memory_space<semaphore_mem>>
        %dma_start3A = arith.constant 0 : i32
        %dma_start3A_74 = tpu.memref_slice %arg9[%add3A_67, %dma_start3A] : memref<102400x32xf32, #tpu.memory_space<hbm>> -> memref<64x32xf32, #tpu.memory_space<hbm>>
        %dma_start3A_75 = arith.constant 0 : i32
        %dma_start3A_76 = tpu.memref_slice %arg9[%add3A_67, %dma_start3A_75] : memref<102400x32xf32, #tpu.memory_space<hbm>> -> memref<64x32xf32, #tpu.memory_space<hbm>>
        tpu.enqueue_dma source(%dma_start3A_76 : memref<64x32xf32, #tpu.memory_space<hbm>>) target(%arg16 : memref<64x32xf32, #tpu.memory_space<vmem>>) target_semaphore(%run_scoped3A : memref<!tpu.dma_semaphore, #tpu.memory_space<semaphore_mem>>)
        %dma_wait3A = arith.constant 0 : i32
        %dma_wait3A_77 = tpu.memref_slice %arg9[%add3A_67, %dma_wait3A] : memref<102400x32xf32, #tpu.memory_space<hbm>> -> memref<64x32xf32, #tpu.memory_space<hbm>>
        %dma_wait3A_78 = arith.constant 0 : i32
        %dma_wait3A_79 = tpu.memref_slice %arg9[%add3A_67, %dma_wait3A_78] : memref<102400x32xf32, #tpu.memory_space<hbm>> -> memref<64x32xf32, #tpu.memory_space<hbm>>
        tpu.wait_dma2 semaphore(%run_scoped3A : memref<!tpu.dma_semaphore, #tpu.memory_space<semaphore_mem>>) src(%dma_wait3A_79 : memref<64x32xf32, #tpu.memory_space<hbm>>) dst(%arg16 : memref<64x32xf32, #tpu.memory_space<vmem>>)
        tpu.yield
      }) : () -> ()
      "tpu.region"() ({
        %run_scoped3A = tpu.sem_alloc : memref<!tpu.dma_semaphore, #tpu.memory_space<semaphore_mem>>
        %dma_start3A = arith.constant 0 : i32
        %dma_start3A_74 = tpu.memref_slice %arg7[%add3A, %dma_start3A] : memref<51200x32xf32, #tpu.memory_space<vmem_shared>> -> memref<64x32xf32, #tpu.memory_space<vmem_shared>>
        %dma_start3A_75 = arith.constant 0 : i32
        %dma_start3A_76 = tpu.memref_slice %arg7[%add3A, %dma_start3A_75] : memref<51200x32xf32, #tpu.memory_space<vmem_shared>> -> memref<64x32xf32, #tpu.memory_space<vmem_shared>>
        tpu.enqueue_dma source(%dma_start3A_76 : memref<64x32xf32, #tpu.memory_space<vmem_shared>>) target(%arg17 : memref<64x32xf32, #tpu.memory_space<vmem>>) target_semaphore(%run_scoped3A : memref<!tpu.dma_semaphore, #tpu.memory_space<semaphore_mem>>)
        %dma_wait3A = arith.constant 0 : i32
        %dma_wait3A_77 = tpu.memref_slice %arg7[%add3A, %dma_wait3A] : memref<51200x32xf32, #tpu.memory_space<vmem_shared>> -> memref<64x32xf32, #tpu.memory_space<vmem_shared>>
        %dma_wait3A_78 = arith.constant 0 : i32
        %dma_wait3A_79 = tpu.memref_slice %arg7[%add3A, %dma_wait3A_78] : memref<51200x32xf32, #tpu.memory_space<vmem_shared>> -> memref<64x32xf32, #tpu.memory_space<vmem_shared>>
        tpu.wait_dma2 semaphore(%run_scoped3A : memref<!tpu.dma_semaphore, #tpu.memory_space<semaphore_mem>>) src(%dma_wait3A_79 : memref<64x32xf32, #tpu.memory_space<vmem_shared>>) dst(%arg17 : memref<64x32xf32, #tpu.memory_space<vmem>>)
        tpu.yield
      }) : () -> ()
      %scan3A_68 = arith.constant 0 : i32
      %scan3A_69 = arith.constant 64 : i32
      %scan3A_70 = arith.addi %scan3A_68, %scan3A_69 : i32
      %scan3A_71 = arith.constant 1 : i32
      scf.for %scan3A_74 = %scan3A_68 to %scan3A_70 step %scan3A_71  : i32 {
        %get3A = arith.index_cast %scan3A_74 : i32 to index
        %get3A_75 = arith.constant 0 : index
        %get3A_76 = tpu.vector_load %arg14[%get3A, %get3A_75] {strides = array<i32>} : memref<64x32xf32, #tpu.memory_space<vmem>>, vector<1x16xf32>,
        %get3A_77 = vector.shape_cast %get3A_76 : vector<1x16xf32> to vector<16xf32>
        %get3A_78 = arith.index_cast %scan3A_74 : i32 to index
        %get3A_79 = arith.constant 0 : index
        %get3A_80 = tpu.vector_load %arg15[%get3A_78, %get3A_79] {strides = array<i32>} : memref<64x32xf32, #tpu.memory_space<vmem>>, vector<1x16xf32>,
        %get3A_81 = vector.shape_cast %get3A_80 : vector<1x16xf32> to vector<16xf32>
        %add3A_82 = arith.addf %get3A_77, %get3A_81 : vector<16xf32>
        %get3A_83 = arith.index_cast %scan3A_74 : i32 to index
        %get3A_84 = arith.constant 0 : index
        %get3A_85 = tpu.vector_load %arg16[%get3A_83, %get3A_84] {strides = array<i32>} : memref<64x32xf32, #tpu.memory_space<vmem>>, vector<1x16xf32>,
        %get3A_86 = vector.shape_cast %get3A_85 : vector<1x16xf32> to vector<16xf32>
        %add3A_87 = arith.addf %add3A_82, %get3A_86 : vector<16xf32>
        %get3A_88 = arith.index_cast %scan3A_74 : i32 to index
        %get3A_89 = arith.constant 0 : index
        %get3A_90 = tpu.vector_load %arg17[%get3A_88, %get3A_89] {strides = array<i32>} : memref<64x32xf32, #tpu.memory_space<vmem>>, vector<1x16xf32>,
        %get3A_91 = vector.shape_cast %get3A_90 : vector<1x16xf32> to vector<16xf32>
        %add3A_92 = arith.addf %add3A_87, %get3A_91 : vector<16xf32>
        %mul3A_93 = arith.constant 2.500000e-01 : f32
        %mul3A_94 = vector.broadcast %mul3A_93 : f32 to vector<16xf32>
        %mul3A_95 = arith.mulf %add3A_92, %mul3A_94 : vector<16xf32>
        %swap3A = arith.index_cast %scan3A_74 : i32 to index
        %swap3A_96 = arith.constant 0 : index
        %swap3A_97 = tpu.vector_load %arg14[%swap3A, %swap3A_96] {strides = array<i32>} : memref<64x32xf32, #tpu.memory_space<vmem>>, vector<1x16xf32>,
        %swap3A_98 = vector.shape_cast %swap3A_97 : vector<1x16xf32> to vector<16xf32>
        %swap3A_99 = vector.shape_cast %mul3A_95 : vector<16xf32> to vector<1x16xf32>
        tpu.vector_store %arg14[%swap3A, %swap3A_96], %swap3A_99 {strides = array<i32>} : memref<64x32xf32, #tpu.memory_space<vmem>>, vector<1x16xf32>,
        %get3A_100 = arith.index_cast %scan3A_74 : i32 to index
        %get3A_101 = arith.constant 16 : index
        %get3A_102 = tpu.vector_load %arg14[%get3A_100, %get3A_101] {strides = array<i32>} : memref<64x32xf32, #tpu.memory_space<vmem>>, vector<1x16xf32>,
        %get3A_103 = vector.shape_cast %get3A_102 : vector<1x16xf32> to vector<16xf32>
        %get3A_104 = arith.index_cast %scan3A_74 : i32 to index
        %get3A_105 = arith.constant 16 : index
        %get3A_106 = tpu.vector_load %arg15[%get3A_104, %get3A_105] {strides = array<i32>} : memref<64x32xf32, #tpu.memory_space<vmem>>, vector<1x16xf32>,
        %get3A_107 = vector.shape_cast %get3A_106 : vector<1x16xf32> to vector<16xf32>
        %add3A_108 = arith.addf %get3A_103, %get3A_107 : vector<16xf32>
        %get3A_109 = arith.index_cast %scan3A_74 : i32 to index
        %get3A_110 = arith.constant 16 : index
        %get3A_111 = tpu.vector_load %arg16[%get3A_109, %get3A_110] {strides = array<i32>} : memref<64x32xf32, #tpu.memory_space<vmem>>, vector<1x16xf32>,
        %get3A_112 = vector.shape_cast %get3A_111 : vector<1x16xf32> to vector<16xf32>
        %add3A_113 = arith.addf %add3A_108, %get3A_112 : vector<16xf32>
        %get3A_114 = arith.index_cast %scan3A_74 : i32 to index
        %get3A_115 = arith.constant 16 : index
        %get3A_116 = tpu.vector_load %arg17[%get3A_114, %get3A_115] {strides = array<i32>} : memref<64x32xf32, #tpu.memory_space<vmem>>, vector<1x16xf32>,
        %get3A_117 = vector.shape_cast %get3A_116 : vector<1x16xf32> to vector<16xf32>
        %add3A_118 = arith.addf %add3A_113, %get3A_117 : vector<16xf32>
        %mul3A_119 = arith.constant 2.500000e-01 : f32
        %mul3A_120 = vector.broadcast %mul3A_119 : f32 to vector<16xf32>
        %mul3A_121 = arith.mulf %add3A_118, %mul3A_120 : vector<16xf32>
        %swap3A_122 = arith.index_cast %scan3A_74 : i32 to index
        %swap3A_123 = arith.constant 16 : index
        %swap3A_124 = tpu.vector_load %arg14[%swap3A_122, %swap3A_123] {strides = array<i32>} : memref<64x32xf32, #tpu.memory_space<vmem>>, vector<1x16xf32>,
        %swap3A_125 = vector.shape_cast %swap3A_124 : vector<1x16xf32> to vector<16xf32>
        %swap3A_126 = vector.shape_cast %mul3A_121 : vector<16xf32> to vector<1x16xf32>
        tpu.vector_store %arg14[%swap3A_122, %swap3A_123], %swap3A_126 {strides = array<i32>} : memref<64x32xf32, #tpu.memory_space<vmem>>, vector<1x16xf32>,
      }
      %scan3A_72 = arith.constant 64 : i32
      %add3A_73 = arith.addi %mul3A_2, %add3A : i32
      "tpu.region"() ({
        %run_scoped3A = tpu.sem_alloc : memref<!tpu.dma_semaphore, #tpu.memory_space<semaphore_mem>>
        %dma_start3A = arith.constant 0 : i32
        %dma_start3A_74 = tpu.memref_slice %arg6[%add3A_73, %dma_start3A] : memref<102400x32xf32, #tpu.memory_space<hbm>> -> memref<64x32xf32, #tpu.memory_space<hbm>>
        %dma_start3A_75 = arith.constant 0 : i32
        %dma_start3A_76 = tpu.memref_slice %arg6[%add3A_73, %dma_start3A_75] : memref<102400x32xf32, #tpu.memory_space<hbm>> -> memref<64x32xf32, #tpu.memory_space<hbm>>
        tpu.enqueue_dma source(%arg14 : memref<64x32xf32, #tpu.memory_space<vmem>>) target(%dma_start3A_76 : memref<64x32xf32, #tpu.memory_space<hbm>>) target_semaphore(%run_scoped3A : memref<!tpu.dma_semaphore, #tpu.memory_space<semaphore_mem>>)
        %dma_wait3A = arith.constant 0 : i32
        %dma_wait3A_77 = tpu.memref_slice %arg6[%add3A_73, %dma_wait3A] : memref<102400x32xf32, #tpu.memory_space<hbm>> -> memref<64x32xf32, #tpu.memory_space<hbm>>
        %dma_wait3A_78 = arith.constant 0 : i32
        %dma_wait3A_79 = tpu.memref_slice %arg6[%add3A_73, %dma_wait3A_78] : memref<102400x32xf32, #tpu.memory_space<hbm>> -> memref<64x32xf32, #tpu.memory_space<hbm>>
        tpu.wait_dma2 semaphore(%run_scoped3A : memref<!tpu.dma_semaphore, #tpu.memory_space<semaphore_mem>>) src(%arg14 : memref<64x32xf32, #tpu.memory_space<vmem>>) dst(%dma_wait3A_79 : memref<64x32xf32, #tpu.memory_space<hbm>>)
        tpu.yield
      }) : () -> ()
    }
    %scan3A_61 = arith.constant 50 : i32
    return
  }
}

</mosaic_0001>

<sc_bundles>
// kernel: _lightgcn_sc.3.cloned.1.call-start
scs
__scs_entry_jumppad:
0x0: {  	(pc) =	sbr.rel $0x88, $3  }
0x1: {  	(tag) =	ssettag $0x0;
	lr =	simm.s32 $0x1  }
0x2: {  	[smem:$0x3F9D] =	sst lr;
	_ =	strace $0xD0000000  }
0x3: {  	_ = 	snop  }
0x4: {  	_ = 	snop  }
0x5: {  	_ = 	snop  }
0x6: {  	_ = 	snop  }
0x7: {  	_ = 	snop  }
__scs_overlays_trampoline_lowered:
0x8: {  	[smem:$0x3FAC] =	sst s0  }
0x9: {  	[smem:$0x3FAD] =	sst s1  }
0xa: {  	[smem:$0x3FAE] =	sst s2  }
0xb: {  	[smem:$0x3FAF] =	sst s3  }
0xc: {  	[smem:$0x3FB0] =	sst s4  }
0xd: {  	[smem:$0x3FB1] =	sst s5  }
0xe: {  	[smem:$0x3FB2] =	sst s6  }
0xf: {  	[smem:$0x3FB3] =	sst s7  }
0x10: {  	[smem:$0x3FB4] =	sst s8  }
0x11: {  	[smem:$0x3FB5] =	sst s9;
	s0 =	simm.s32 @!p0 $0x0  }
0x12: {  	s1 =	sld [smem:$0x3F9B];
	s0 =	simm.s32 @p0 $0x1  }
0x13: {  	[smem:$0x3FB6] =	sst s0;
	s0 =	simm.s32 @!p1 $0x0  }
0x14: {  	s2 =	sld [smem:$0x3F9A];
	s0 =	simm.s32 @p1 $0x1  }
0x15: {  	[smem:$0x3FB7] =	sst s0;
	s0 =	simm.s32 @!p2 $0x0  }
0x16: {  	s3 =	sld [smem:$0x3FDB];
	s0 =	simm.s32 @p2 $0x1  }
0x17: {  	s4 =	simm.s32 $0x1BF5;
	[smem:$0x3FB9] =	sst s0  }
0x18: {  	s0 =	sld [smem:$0x3F9C];
	_ =	swait.ge [sflag:s4], $0x0  }
0x19: {  	s7 =	sld [smem:$0x3F9D]  }
0x1a: {  	s8 =	sadd.s32 $0xFFFFE003, lr  }
0x1b: {  	s9 =	sadd.s32 $0xFFFFFEF7, lr;
	s5 =	simm.s32 $0xFFFFFFFF;
	p2 =	slt.u32 s8, $0xFFFFF086  }
0x1c: {  	p1 =	slt.u32 s9, $0xF7A;
	s5 =	simm.s32 @!p2 $0x0  }
0x1d: {  	s5 =	simm.s32 @p1 $0x1;
	p0 =	seq.s32 s7, s2  }
0x1e: {  	s7 =	smul.u32 @!p0 $0xF7A, s2;
	p2 =	seq.s32 @!p0 s5, $0x0  }
0x1f: {  	s9 =	smul.u32 $0xF7A, s1;
	s8 =	simm.s32 @!p0 $0x1BF5;
	p2 =	por !p2, p0  }
0x20: {  	[sflag:s8] =	ssyncset.s32 @!p0 $0xFFFFF086;
	s6 =	sadd.s32 @!p0 s3, s7;
	s7 =	simm.s32 @!p0 $0x108  }
0x21: {  	s3 =	sadd.s32 s3, s9;
	s6 =	sadd.s32 @!p0 $0x88, s6;
	s7 =	simm.s32 @p2 $0x1082  }
0x22: {  	[simem:s7], [sflag:s8] =	dma.local @!p0 [hbm:s6], $0xF7A  }
0x23: {  	s9 =	sor.u32 $0xD0000000, s2;
	s6 =	simm.s32 $0x108;
	_ =	swait.ge @!p0 [sflag:s8], $0x0  }
0x24: {  	s3 =	sadd.s32 $0x88, s3;
	s6 =	simm.s32 @!p1 $0x1082;
	[sflag:s4] =	ssyncset.s32 $0xFFFFF086  }
0x25: {  	[simem:s6], [sflag:s4] =	dma.local [hbm:s3], $0xF7A  }
0x26: {  	[smem:$0x3F9D] =	sst s1;
	(tag) =	ssettag s2;
	_ =	strace s9  }
0x27: {  	s1 =	sld [smem:$0x3FAD]  }
0x28: {  	s2 =	sld [smem:$0x3FAE]  }
0x29: {  	s4 =	sld [smem:$0x3FB0]  }
0x2a: {  	p0 =	seq.s32 s5, $0x0;
	s5 =	sld [smem:$0x3FB1]  }
0x2b: {  	s6 =	sld [smem:$0x3FB2]  }
0x2c: {  	s7 =	sld [smem:$0x3FB3]  }
0x2d: {  	s3 =	simm.s32 $0x108;
	s8 =	sld [smem:$0x3FB4]  }
0x2e: {  	s3 =	simm.s32 @!p0 $0x1082;
	s9 =	sld [smem:$0x3FB5]  }
0x2f: {  	lr =	sadd.s32 s0, s3;
	s0 =	sld [smem:$0x3FAC]  }
0x30: {  	s3 =	sld [smem:$0x3FAF]  }
0x31: {  	[smem:$0x3FB8] =	sst s10  }
0x32: {  	s10 =	sld [smem:$0x3FB6];
	_ =	sdelay $0x3  }
0x33: {  	p0 =	seq.s32 s10, $0x1;
	s10 =	sld [smem:$0x3FB8];
	_ =	sdelay $0x3  }
0x34: {  	[smem:$0x3FB8] =	sst s10  }
0x35: {  	s10 =	sld [smem:$0x3FB7];
	_ =	sdelay $0x3  }
0x36: {  	p1 =	seq.s32 s10, $0x1;
	s10 =	sld [smem:$0x3FB8];
	_ =	sdelay $0x3  }
0x37: {  	[smem:$0x3FB8] =	sst s10  }
0x38: {  	s10 =	sld [smem:$0x3FB9]  }
0x39: {  	_ = 	snop;
	(pc) =	sbr.ind lr, $3  }
0x3a: {  	_ = 	snop  }
0x3b: {  	_ = 	snop  }
0x3c: {  	p2 =	seq.s32 s10, $0x1;
	s10 =	sld [smem:$0x3FB8]  }
0x3d: {  	_ =	shalt  }
0x3e: {  	_ =	shalt  }
0x3f: {  	_ =	shalt  }
0x40: {  	_ =	shalt  }
0x41: {  	_ =	shalt  }
0x42: {  	_ =	shalt  }
0x43: {  	_ =	shalt  }
0x44: {  	_ =	shalt  }
0x45: {  	_ =	shalt  }
0x46: {  	_ =	shalt  }
0x47: {  	_ =	shalt  }
0x48: {  	_ =	shalt  }
0x49: {  	_ =	shalt  }
0x4a: {  	_ =	shalt  }
0x4b: {  	_ =	shalt  }
0x4c: {  	_ =	shalt  }
0x4d: {  	_ =	shalt  }
0x4e: {  	_ =	shalt  }
0x4f: {  	_ =	shalt  }
0x50: {  	_ =	shalt  }
0x51: {  	_ =	shalt  }
0x52: {  	_ =	shalt  }
0x53: {  	_ =	shalt  }
0x54: {  	_ =	shalt  }
0x55: {  	_ =	shalt  }
0x56: {  	_ =	shalt  }
0x57: {  	_ =	shalt  }
0x58: {  	_ =	shalt  }
0x59: {  	_ =	shalt  }
0x5a: {  	_ =	shalt  }
0x5b: {  	_ =	shalt  }
0x5c: {  	_ =	shalt  }
0x5d: {  	_ =	shalt  }
0x5e: {  	_ =	shalt  }
0x5f: {  	_ =	shalt  }
0x60: {  	_ =	shalt  }
0x61: {  	_ =	shalt  }
0x62: {  	_ =	shalt  }
0x63: {  	_ =	shalt  }
0x64: {  	_ =	shalt  }
0x65: {  	_ =	shalt  }
0x66: {  	_ =	shalt  }
0x67: {  	_ =	shalt  }
0x68: {  	_ =	shalt  }
0x69: {  	_ =	shalt  }
0x6a: {  	_ =	shalt  }
0x6b: {  	_ =	shalt  }
0x6c: {  	_ =	shalt  }
0x6d: {  	_ =	shalt  }
0x6e: {  	_ =	shalt  }
0x6f: {  	_ =	shalt  }
0x70: {  	_ =	shalt  }
0x71: {  	_ =	shalt  }
0x72: {  	_ =	shalt  }
0x73: {  	_ =	shalt  }
0x74: {  	_ =	shalt  }
0x75: {  	_ =	shalt  }
0x76: {  	_ =	shalt  }
0x77: {  	_ =	shalt  }
0x78: {  	_ =	shalt  }
0x79: {  	_ =	shalt  }
0x7a: {  	_ =	shalt  }
0x7b: {  	_ =	shalt  }
0x7c: {  	_ =	shalt  }
0x7d: {  	_ =	shalt  }
0x7e: {  	_ =	shalt  }
0x7f: {  	_ =	shalt  }
0x80: {  	_ =	shalt  }
0x81: {  	_ =	shalt  }
0x82: {  	_ =	shalt  }
0x83: {  	_ =	shalt  }
0x84: {  	_ =	shalt  }
0x85: {  	_ =	shalt  }
0x86: {  	_ =	shalt  }
0x87: {  	_ =	shalt  }
.Lfunc_end0:
.L_simem_size_0:
called_computation_lowered:
.L_overlay_start_0:
0x88: {  	s2 =	sld [smem:$0x3FD9]  }
0x89: {  	s3 =	sld [smem:$0x3FFE];
	_ =	sdelay $0x1  }
0x8a: {  	s1 =	srdreg.scid  }
0x8b: {  	s0 =	sand.u32 $0x1, s1  }
0x8c: {  	s17 =	sshll.u32 s0, $0xA;
	s2 =	sadd.s32 s3, s2  }
0x8d: {  	s3 =	sadd.s32 s2, s17  }
0x8e: {  	[smem:$0x3FC4] =	sst s3  }
0x8f: {  	_ = 	snop  }
0x90: {  	s3 =	sld [smem:$0x3FC8]  }
0x91: {  	s4 =	sld [smem:$0x3FC7]  }
0x92: {  	s5 =	sld [smem:$0x3FC6]  }
0x93: {  	s6 =	sld [smem:$0x3FD0];
	(tm) =	ssettm $0x1  }
0x94: {  	s7 =	sld [smem:$0x3FFB];
	_ =	sdelay $0x3  }
0x95: {  	_ =	strace s7  }
0x96: {  	s7 =	sld [smem:$0x3FFC];
	_ =	sdelay $0x3  }
0x97: {  	_ =	strace s7  }
0x98: {  	s7 =	sld [smem:$0x3FFD];
	_ =	sdelay $0x3  }
0x99: {  	_ =	strace s7  }
0x9a: {  	_ =	strace $0x8FFFFFFF  }
0x9b: {  	s18 =	sld [smem:$0x3FDB];
	_ =	sdelay $0x1  }
0x9c: {  	s8 =	simm.s32 $_scs_section_size  }
0x9d: {  	s9 =	simm.s32 $_size__tile_overlayer_lowered;
	s10 =	simm.s32 $_tile_overlayer_lowered  }
0x9e: {  	s21 =	simm.s32 $0x1BFF;
	s20 =	sshll.u32 s10, $0x1;
	s7 =	sadd.s32 s8, s18  }
0x9f: {  	s11 =	simm.s32 $0x0;
	s19 =	sshll.u32 s9, $0x1;
	s9 =	sadd.s32 s20, s7  }
0xa0: {  	[timem:s11], [sflag:s21] =	dma.local [hbm:s9], s19  }
0xa1: {  	_ =	swait.ge [sflag:s21], s19  }
0xa2: {  	s8 =	ssub.s32 $0x0, s19;
	[sflag:s21] =	ssyncset.done $0x0  }
0xa3: {  	[sflag:s21] =	ssyncadd.s32 s8;
	_ =	sdelay $0x1  }
0xa4: {  	s22 =	simm.s32 $0x1B8B  }
0xa5: {  	_ =	swait.ge [sflag:s22], $0x1  }
0xa6: {  	[sflag:s22] =	ssyncset.done $0x0  }
0xa7: {  	s24 =	simm.s32 $0x1B8E;
	s23 =	sld [smem:$0x3FFE];
	[sflag:s22] =	ssyncadd.s32 $0xFFFFFFFF  }
0xa8: {  	s25 =	simm.s32 $execute0_lowered;
	[smem:$0x3FD2] =	sst s24  }
0xa9: {  	s9 =	sshll.u32 s25, $0x1;
	_ =	strace $0x80000046;
	[dreg:$0x1] =	wrdreg $0xFFFFFFFF  }
0xaa: {  	s26 =	simm.s32 $_size_execute0_lowered;
	s7 =	sadd.s32 s7, s9;
	[dreg:$0x0] =	wrdreg $0x0  }
0xab: {  	s9 =	sshll.u32 s26, $0x1;
	[dreg:$0x2] =	wrdreg s7  }
0xac: {  	[dreg:$0x3] =	wrdreg s9  }
0xad: {  	[dreg:$0x4] =	wrdreg $0xC0  }
0xae: {  	_ =	task [dreg:s11], $0x5FFFF  }
0xaf: {  	[dreg:$0x1] =	wrdreg $0xFFFFFFFF  }
0xb0: {  	[dreg:$0x0] =	wrdreg $0x60  }
0xb1: {  	[dreg:$0x2] =	wrdreg s6  }
0xb2: {  	[dreg:$0x3] =	wrdreg s3  }
0xb3: {  	[dreg:$0x4] =	wrdreg s4  }
0xb4: {  	[dreg:$0x5] =	wrdreg s5  }
0xb5: {  	[dreg:$0x6] =	wrdreg s23  }
0xb6: {  	s28 =	sadd.s32 $0x800, s2;
	[dreg:$0x7] =	wrdreg $0x0  }
0xb7: {  	s2 =	sadd.s32 $0x64800, s2;
	[dreg:$0x8] =	wrdreg s28  }
0xb8: {  	[dreg:$0x9] =	wrdreg s2  }
0xb9: {  	[dreg:$0xa] =	wrdreg $0x9  }
0xba: {  	_ =	task.clear_ibuf [dreg:s11], $0xBFFFF;
	_ =	strace $0x90000046  }
0xbb: {  	s29 =	simm.s32 $0x9;
	_ =	strace $0x80000048  }
0xbc: {  	_ =	swait.ge [sflag:s29], $0x1  }
0xbd: {  	[sflag:s29] =	ssyncadd.s32 $0xFFFFFFFF  }
0xbe: {  	_ =	strace $0x90000048  }
0xbf: {  	_ =	sfence  }
0xc0: {  	s30 =	sld [smem:$0x0];
	_ =	sdelay $0x2  }
0xc1: {  	s31 =	sshll.u32 s1, $0xD;
	s1 =	sshrl.u32 s1, $0x2  }
0xc2: {  	s3 =	sand.u32 $0x4000, s31;
	s1 =	sadd.s32 s1, s30  }
0xc3: {  	s0 =	sor.u32 s3, s0;
	s1 =	sshll.u32 s1, $0x11  }
0xc4: {  	s0 =	sor.u32 s1, s0  }
0xc5: {  	s0 =	sadd.s32 $0x8F2B, s0  }
0xc6: {  	[sflag:s0] =	ssyncadd.remote.s32 $0x1  }
0xc7: {  	_ =	sfence.sel $0xFFFF  }
0xc8: {  	[dreg:$0x0] =	wrdreg $0xFFFFFFFF;
	(pc) =	sbr.abs _section_cstart, $3  }
0xc9: {  	[dreg:$0x1] =	wrdreg $0xFFFFFFFF  }
0xca: {  	_ =	task.clear_ibuf [dreg:s11], $0x2FFFF;
	_ =	strace $0x9FFFFFFF  }
0xcb: {  	(tm) =	ssettm $0x7FFFFFFF  }
tec
execute0_lowered:
.L_overlay_start_1:
0x0: {  	(tag) =	ssettag $0x1  }
0x1: {  	s0 =	rddreg [dreg:$0x0]  }
0x2: {  	s1 =	rddreg [dreg:$0x1]  }
0x3: {  	s2 =	rddreg [dreg:$0x2]  }
0x4: {  	s3 =	rddreg [dreg:$0x3]  }
0x5: {  	s4 =	rddreg [dreg:$0x4]  }
0x6: {  	s5 =	rddreg [dreg:$0x5]  }
0x7: {  	s7 =	rddreg [dreg:$0x6];
	s6 =	srdreg.scid  }
0x8: {  	s17 =	stileid.u32;
	s8 =	rddreg [dreg:$0x7]  }
0x9: {  	s10 =	simm.s32 $0x0;
	s18 =	simm.s32 $0x1B800;
	s19 =	simm.s32 $0x2  }
0xa: {  	s20 =	simm.s32 $0x19000;
	s21 =	simm.s32 $0x19800;
	s9 =	smul.u32 $0xC80, s17  }
0xb: {  	s22 =	simm.s32 $0x80;
	s23 =	simm.s32 $0x1A800;
	s14 =	smul.u32 $0x64000, s17  }
0xc: {  	s24 =	simm.s32 $0x1;
	s25 =	simm.s32 $0x1C000;
	s12 =	smul.u32 $0xC800, s17  }
0xd: {  	s6 =	sand.u32 $0x1, s6;
	[smem:$0x7FF] =	sst s10;
	s17 =	smul.u32 $0x3200, s17  }
0xe: {  	s13 =	sadd.s32 $0x400, s4;
	s15 =	ssub.s32 $0x2, s6;
	s16 =	smul.u32 $0x32000, s6  }
0xf: {  	s11 =	smul.u32 $0xC800, s6;
	_ =	strace $0x80000047;
	s30 =	sshrl.u32 s15, $0x1  }
0x10: {  	s14 =	sshrl.u32 s14, $0x2;
	s4 =	ssub.s32 s15, s30;
	s31 =	sadd.s32 s17, s16  }
0x11: {  	s14 =	sadd.s32 s14, s5;
	s4 =	smax.u32 s4, $0x1;
	[dreg:$0xa] =	wrdreg s31  }
0x12: {  	v0 =	vimm.f32 $0.0e+00;
	s15 =	smul.u32 $0xC8000, s6;
	s6 =	simm.s32 $0x0;
	[dreg:$0x9] =	wrdreg s4  }
.LBB2_1:
0x13: {  	[dreg:$0xb] =	wrdreg s6;
	s4 =	simm.s32 $0x0  }
.LBB2_2:
0x14: {  	p0 =	sne.s32 s4, $0x1F80  }
.Ltmp0:
0x15: {  	_ = 	snop;
	(pc) =	sbr.rel @p0 .LBB2_2-.Ltmp0, $4  }
0x16: {  	_ = 	snop  }
0x17: {  	s6 =	sshra.s32 s4, $0x2  }
0x18: {  	[tilespmem:s6+$0x1B800] =	vst v0  }
0x19: {  	s4 =	sadd.s32 $0x80, s4;
	[tilespmem:s6+$0x1B810] =	vst v0  }
0x1a: {  	s4 =	sadd.s32 $0x0, s14  }
0x1b: {  	[spmem:s4] =	stream.linear.scatter [tilespmem:s18], [sflag:$0x2], $0x800, $0x38;
	[tilespmem:$0x1D800] =	vst v63  }
0x1c: {  	s4 =	simm.s32 $0x2000;
	_ =	swait.ge [sflag:s19], $0x800  }
.LBB2_4:
0x1d: {  	s6 =	sshra.s32 s4, $0x2;
	[sflag:s19] =	ssyncset.done $0x0;
	p0 =	sne.s32 s4, $0x62000  }
.Ltmp1:
0x1e: {  	s6 =	sadd.s32 s6, s14;
	[sflag:s19] =	ssyncadd.s32 $0xFFFFF800;
	(pc) =	sbr.rel @p0 .LBB2_4-.Ltmp1, $3  }
0x1f: {  	[spmem:s6] =	stream.linear.scatter [tilespmem:s18], [sflag:$0x2], $0x800, $0x38;
	[tilespmem:$0x1D800] =	vst v63  }
0x20: {  	s4 =	sadd.s32 $0x2000, s4;
	_ =	sdelay $0x1  }
0x21: {  	_ =	swait.ge [sflag:s19], $0x800  }
0x22: {  	[sflag:s19] =	ssyncset.done $0x0  }
0x23: {  	[sflag:s19] =	ssyncadd.s32 $0xFFFFF800  }
0x24: {  	s30 =	simm.s32 $0x0;
	s31 =	simm.s32 $0x0;
	[bflag:$0x0] =	sbarrier.arrive $0xFFFF  }
.LBB2_6:
0x25: {  	s4 =	sshll.u32 s31, $0xB  }
0x26: {  	s4 =	sadd.s32 s12, s4  }
0x27: {  	s6 =	sadd.s32 s15, s4  }
0x28: {  	s6 =	sshrl.u32 s6, $0x3  }
0x29: {  	s6 =	sadd.s32 s1, s6  }
0x2a: {  	[tilespmem:s20], [sflag:$0x2] =	stream.linear.gather [hbm4b:s6+s30], $0x800, $0x38;
	[tilespmem:$0x1D800] =	vst v63  }
0x2b: {  	_ =	swait.ge [sflag:s19], $0x800  }
0x2c: {  	s4 =	sshrl.u32 s4, $0x3;
	[sflag:s19] =	ssyncset.done $0x0  }
0x2d: {  	s29 =	sadd.s32 s2, s4;
	[sflag:s19] =	ssyncadd.s32 $0xFFFFF800  }
0x2e: {  	[tilespmem:s21], [sflag:$0x2] =	stream.linear.gather [hbm4b:s29+s30], $0x800, $0x38;
	[tilespmem:$0x1D800] =	vst v63  }
0x2f: {  	_ =	swait.ge [sflag:s19], $0x800  }
0x30: {  	[sflag:s19] =	ssyncset.done $0x0  }
0x31: {  	s4 =	sadd.s32 s3, s4;
	s6 =	simm.s32 $0x1A000;
	[sflag:s19] =	ssyncadd.s32 $0xFFFFF800  }
0x32: {  	[tilespmem:s6], [sflag:$0x2] =	stream.linear.gather [hbm4b:s4+s30], $0x800, $0x38;
	[tilespmem:$0x1D800] =	vst v63  }
0x33: {  	_ =	swait.ge [sflag:s19], $0x800  }
0x34: {  	[sflag:s19] =	ssyncset.done $0x0  }
0x35: {  	s4 =	simm.s32 $0x0;
	[sflag:s19] =	ssyncadd.s32 $0xFFFFF800  }
.LBB2_7:
0x36: {  	s16 =	sshll.u32 s4, $0x7  }
0x37: {  	s17 =	sadd.s32 $0x19000, s16  }
0x38: {  	[tilespmem:s23], [sflag:$0x1] =	stream.indirect.gather [hbm4b:s0+s22], $0x20, s17, s22, $0xb8;
	[tilespmem:$0x1D800] =	vst v63  }
0x39: {  	_ =	swait.ge [sflag:s24], $0x1000  }
0x3a: {  	[sflag:s24] =	ssyncset.done $0x0  }
0x3b: {  	s17 =	simm.s32 $0x1A900;
	[sflag:s24] =	ssyncadd.s32 $0xFFFFF000  }
0x3c: {  	v7 =	vld [tilespmem:s17+$0xFFFFFFA0]  }
0x3d: {  	v4 =	vld [tilespmem:s17+$0xFFFFFFF0]  }
0x3e: {  	v1 =	vld [tilespmem:s17+$0xFFFFFF60]  }
0x3f: {  	v5 =	vmov s6;
	v8 =	vld [tilespmem:s17+$0xFFFFFFD0]  }
0x40: {  	v9 =	vld [tilespmem:s17+$0x80]  }
0x41: {  	v12 =	vld [tilespmem:s17+$0xFFFFFF10]  }
0x42: {  	v16 =	vld [tilespmem:s17+$0xE0]  }
0x43: {  	s26 =	simm.s32 $0x0;
	v11 =	vld [tilespmem:s17+$0xFFFFFF40]  }
0x44: {  	v2 =	vld.idx.msk [tilespmem:v5+s26+$0x0 ss:$0x1], $0xffff  }
0x45: {  	v3 =	vld [tilespmem:s17+$0xFFFFFF90]  }
0x46: {  	v10 =	vld [tilespmem:s17+$0xFFFFFFC0]  }
0x47: {  	v13 =	vld [tilespmem:s17+$0xFFFFFF00]  }
0x48: {  	v14 =	vld [tilespmem:s17+$0xD0]  }
0x49: {  	v23 =	vld [tilespmem:s17+$0xC0]  }
0x4a: {  	v21 =	vld [tilespmem:s17+$0x90];
	v19 =	vbroadcast v2, $0x0;
	v6 =	vbroadcast v2, $0xF  }
0x4b: {  	v22 =	vld [tilespmem:s17+$0xFFFFFF50];
	v20 =	vbroadcast v2, $0x2;
	v18 =	vbroadcast v2, $0xE  }
0x4c: {  	v17 =	vld [tilespmem:s17+$0xB0];
	v15 =	vbroadcast v2, $0xC;
	v25 =	vmul.f32 v19, v13  }
0x4d: {  	s29 =	simm.s32 $0x40;
	s26 =	simm.s32 $0x1A900;
	v13 =	vbroadcast v2, $0xD;
	v24 =	vmul.f32 v11, v20;
	v11 =	vld [tilespmem:s17+$0x60]  }
.LBB2_8:
0x4e: {  	p0 =	sne.s32 s29, $0x1C0  }
0x4f: {  	[tilespmem:s17+$0xFFFFFF00] =	vst v25;
	v25 =	vld [tilespmem:s17+$0xFFFFFFB0];
	v23 =	vmul.f32 v23, v18;
	v16 =	vmul.f32 v16, v6;
	s26 =	sadd.s32 $0x200, s26;
	s28 =	smov.u32 s29;
	s29 =	sadd.s32 $0x40, s29  }
0x50: {  	[tilespmem:s17+$0xFFFFFF40] =	vst v24;
	v24 =	vbroadcast v2, $0xA;
	v21 =	vmul.f32 v21, v15;
	v26 =	vld [tilespmem:s17+$0xA0]  }
0x51: {  	v12 =	vmul.f32 v12, v19;
	v19 =	vmul.f32 v22, v20;
	v20 =	vld [tilespmem:s17+$0x70];
	[tilespmem:s17+$0xE0] =	vst v16  }
0x52: {  	v16 =	vbroadcast v2, $0x5;
	v22 =	vld [tilespmem:s17+$0xFFFFFFE0];
	v17 =	vmul.f32 v17, v13;
	[tilespmem:s17+$0xC0] =	vst v23  }
0x53: {  	v14 =	vmul.f32 v14, v18;
	[tilespmem:s17+$0xFFFFFF10] =	vst v12;
	v12 =	vbroadcast v2, $0x6;
	v23 =	vld [tilespmem:s17+$0x40]  }
0x54: {  	v27 =	vbroadcast v2, $0xB;
	v7 =	vmul.f32 v7, v16;
	v18 =	vld [tilespmem:s17+$0xFFFFFF20];
	[tilespmem:s17+$0x90] =	vst v21  }
0x55: {  	v21 =	vbroadcast v2, $0x9;
	[tilespmem:s17+$0xFFFFFF50] =	vst v19;
	v19 =	vld [tilespmem:s17+$0x20];
	v13 =	vmul.f32 v26, v13  }
0x56: {  	v16 =	vmul.f32 v25, v16;
	v25 =	vld [tilespmem:s17+$0x50];
	v20 =	vmul.f32 v20, v27;
	[tilespmem:s17+$0xD0] =	vst v14  }
0x57: {  	v9 =	vmul.f32 v9, v15;
	v14 =	vbroadcast v2, $0x7;
	v26 =	vld [tilespmem:s17+$0x30];
	[tilespmem:s17+$0xA0] =	vst v13  }
0x58: {  	v10 =	vmul.f32 v10, v12;
	v13 =	vbroadcast v2, $0x3;
	v15 =	vld [tilespmem:s17+$0x0];
	[tilespmem:s17+$0x70] =	vst v20  }
0x59: {  	v11 =	vmul.f32 v11, v27;
	v8 =	vmul.f32 v8, v12;
	v12 =	vld [tilespmem:s17+$0x10];
	[tilespmem:s17+$0x80] =	vst v9  }
0x5a: {  	v20 =	vbroadcast v2, $0x8;
	v23 =	vmul.f32 v23, v24;
	v9 =	vld [tilespmem:s17+$0xFFFFFF30];
	[tilespmem:s17+$0xB0] =	vst v17  }
0x5b: {  	v17 =	vbroadcast v2, $0x1;
	v27 =	vld [tilespmem:s17+$0xFFFFFF70];
	[tilespmem:s17+$0xFFFFFFD0] =	vst v8;
	v24 =	vmul.f32 v25, v24  }
0x5c: {  	v4 =	vmul.f32 v4, v14;
	v8 =	vmul.f32 v22, v14;
	[tilespmem:s17+$0xFFFFFFC0] =	vst v10;
	v10 =	vld [tilespmem:s17+$0xF0]  }
0x5d: {  	v22 =	vmul.f32 v26, v21;
	v14 =	vld [tilespmem:s17+$0xFFFFFF80];
	[tilespmem:s17+$0xFFFFFFA0] =	vst v7;
	v15 =	vmul.f32 v15, v20  }
0x5e: {  	v7 =	vld [tilespmem:s26+$0xFFFFFFA0];
	[tilespmem:s17+$0xFFFFFFF0] =	vst v4;
	v20 =	vmul.f32 v12, v20;
	v12 =	vmul.f32 v19, v21  }
0x5f: {  	v4 =	vmul.f32 v18, v17;
	v17 =	vmul.f32 v9, v17;
	[tilespmem:s17+$0x60] =	vst v11  }
0x60: {  	v1 =	vmul.f32 v1, v13;
	v9 =	vmul.f32 v27, v13;
	[tilespmem:s17+$0xFFFFFFB0] =	vst v16  }
0x61: {  	v2 =	vbroadcast v2, $0x4;
	[tilespmem:s17+$0xFFFFFF20] =	vst v4;
	v4 =	vmul.f32 v10, v6  }
0x62: {  	[tilespmem:s17+$0xFFFFFF60] =	vst v1  }
0x63: {  	v6 =	vmul.f32 v14, v2;
	v1 =	vmul.f32 v3, v2;
	[tilespmem:s17+$0x40] =	vst v23  }
0x64: {  	[tilespmem:s17+$0xFFFFFFE0] =	vst v8  }
0x65: {  	[tilespmem:s17+$0xF0] =	vst v4  }
0x66: {  	[tilespmem:s17+$0xFFFFFF90] =	vst v1  }
0x67: {  	[tilespmem:s17+$0xFFFFFF70] =	vst v9  }
0x68: {  	v4 =	vld [tilespmem:s26+$0xFFFFFFF0];
	[tilespmem:s17+$0x20] =	vst v12  }
0x69: {  	v1 =	vld [tilespmem:s26+$0xFFFFFF60];
	[tilespmem:s17+$0x30] =	vst v22  }
0x6a: {  	v8 =	vld [tilespmem:s26+$0xFFFFFFD0];
	[tilespmem:s17+$0xFFFFFF80] =	vst v6  }
0x6b: {  	v9 =	vld [tilespmem:s26+$0x80];
	[tilespmem:s17+$0x50] =	vst v24  }
0x6c: {  	v12 =	vld [tilespmem:s26+$0xFFFFFF10];
	[tilespmem:s17+$0x0] =	vst v15  }
0x6d: {  	v16 =	vld [tilespmem:s26+$0xE0];
	[tilespmem:s17+$0xFFFFFF30] =	vst v17  }
0x6e: {  	s28 =	sshra.s32 s28, $0x2;
	v11 =	vld [tilespmem:s26+$0xFFFFFF40];
	[tilespmem:s17+$0x10] =	vst v20;
	s17 =	smov.u32 s26  }
0x6f: {  	v2 =	vld.idx.msk [tilespmem:v5+s28+$0x0 ss:$0x1], $0xffff  }
0x70: {  	v3 =	vld [tilespmem:s26+$0xFFFFFF90]  }
0x71: {  	v10 =	vld [tilespmem:s26+$0xFFFFFFC0]  }
0x72: {  	v13 =	vld [tilespmem:s26+$0xFFFFFF00]  }
0x73: {  	v14 =	vld [tilespmem:s26+$0xD0]  }
.Ltmp2:
0x74: {  	v23 =	vld [tilespmem:s26+$0xC0];
	(pc) =	sbr.rel @p0 .LBB2_8-.Ltmp2, $4  }
0x75: {  	v19 =	vbroadcast v2, $0x0;
	v6 =	vbroadcast v2, $0xF;
	v21 =	vld [tilespmem:s26+$0x90]  }
0x76: {  	v20 =	vbroadcast v2, $0x2;
	v18 =	vbroadcast v2, $0xE;
	v22 =	vld [tilespmem:s26+$0xFFFFFF50]  }
0x77: {  	v25 =	vmul.f32 v19, v13;
	v13 =	vbroadcast v2, $0xD;
	v17 =	vld [tilespmem:s26+$0xB0]  }
0x78: {  	v15 =	vbroadcast v2, $0xC;
	v24 =	vmul.f32 v11, v20;
	v11 =	vld [tilespmem:s26+$0x60]  }
0x79: {  	[tilespmem:s17+$0xFFFFFF00] =	vst v25;
	v5 =	vmul.f32 v16, v6  }
0x7a: {  	v30 =	vmul.f32 v23, v18;
	[tilespmem:s17+$0xFFFFFF40] =	vst v24  }
0x7b: {  	v12 =	vmul.f32 v12, v19;
	[tilespmem:s17+$0xE0] =	vst v5  }
0x7c: {  	v35 =	vmul.f32 v14, v18;
	[tilespmem:s17+$0xC0] =	vst v30  }
0x7d: {  	v33 =	vmul.f32 v21, v15;
	[tilespmem:s17+$0xFFFFFF10] =	vst v12  }
0x7e: {  	v41 =	vbroadcast v2, $0x6;
	v9 =	vmul.f32 v9, v15;
	[tilespmem:s17+$0xD0] =	vst v35  }
0x7f: {  	v20 =	vmul.f32 v22, v20;
	[tilespmem:s17+$0x90] =	vst v33  }
0x80: {  	v45 =	vbroadcast v2, $0x5;
	v8 =	vmul.f32 v8, v41;
	[tilespmem:s17+$0x80] =	vst v9  }
0x81: {  	v47 =	vbroadcast v2, $0x7;
	v10 =	vmul.f32 v10, v41;
	[tilespmem:s17+$0xFFFFFF50] =	vst v20  }
0x82: {  	v54 =	vbroadcast v2, $0x3;
	v7 =	vmul.f32 v7, v45;
	[tilespmem:s17+$0xFFFFFFD0] =	vst v8  }
0x83: {  	v31 =	vld [tilespmem:s17+$0xA0];
	v59 =	vbroadcast v2, $0x4;
	v4 =	vmul.f32 v4, v47;
	[tilespmem:s17+$0xFFFFFFC0] =	vst v10  }
0x84: {  	v32 =	vld [tilespmem:s17+$0x70];
	v1 =	vmul.f32 v1, v54;
	[tilespmem:s17+$0xFFFFFFA0] =	vst v7  }
0x85: {  	v34 =	vld [tilespmem:s17+$0xFFFFFFB0];
	v37 =	vbroadcast v2, $0xB;
	v3 =	vmul.f32 v3, v59;
	[tilespmem:s17+$0xFFFFFFF0] =	vst v4  }
0x86: {  	v36 =	vld [tilespmem:s17+$0xFFFFFF20];
	v43 =	vmul.f32 v17, v13;
	[tilespmem:s17+$0xFFFFFF60] =	vst v1  }
0x87: {  	v40 =	vld [tilespmem:s17+$0x40];
	v11 =	vmul.f32 v11, v37;
	[tilespmem:s17+$0xFFFFFF90] =	vst v3  }
0x88: {  	v38 =	vld [tilespmem:s17+$0xFFFFFFE0];
	v39 =	vmul.f32 v31, v13;
	[tilespmem:s17+$0xB0] =	vst v43  }
0x89: {  	v52 =	vbroadcast v2, $0x1;
	v55 =	vld [tilespmem:s17+$0xF0];
	v19 =	vmul.f32 v32, v37;
	[tilespmem:s17+$0x60] =	vst v11  }
0x8a: {  	v49 =	vld [tilespmem:s17+$0xFFFFFF70];
	v56 =	vbroadcast v2, $0xA;
	v53 =	vmul.f32 v34, v45;
	[tilespmem:s17+$0xA0] =	vst v39  }
0x8b: {  	v46 =	vld [tilespmem:s17+$0x30];
	v14 =	vmul.f32 v36, v52;
	[tilespmem:s17+$0x70] =	vst v19  }
0x8c: {  	v50 =	vld [tilespmem:s17+$0xFFFFFF80];
	v58 =	vmul.f32 v40, v56;
	[tilespmem:s17+$0xFFFFFFB0] =	vst v53  }
0x8d: {  	v44 =	vld [tilespmem:s17+$0x20];
	v5 =	vmul.f32 v38, v47;
	[tilespmem:s17+$0xFFFFFF20] =	vst v14  }
0x8e: {  	v57 =	vld [tilespmem:s17+$0xFFFFFF30];
	v60 =	vbroadcast v2, $0x9;
	v1 =	vmul.f32 v55, v6;
	[tilespmem:s17+$0x40] =	vst v58  }
0x8f: {  	v42 =	vld [tilespmem:s17+$0x50];
	v61 =	vmul.f32 v49, v54;
	[tilespmem:s17+$0xFFFFFFE0] =	vst v5  }
0x90: {  	v48 =	vld [tilespmem:s17+$0x0];
	v3 =	vmul.f32 v46, v60;
	[tilespmem:s17+$0xF0] =	vst v1  }
0x91: {  	v51 =	vld [tilespmem:s17+$0x10];
	v62 =	vmul.f32 v50, v59;
	[tilespmem:s17+$0xFFFFFF70] =	vst v61  }
0x92: {  	v1 =	vmul.f32 v44, v60;
	[tilespmem:s17+$0x30] =	vst v3  }
0x93: {  	v2 =	vbroadcast v2, $0x8;
	v63 =	vmul.f32 v57, v52;
	[tilespmem:s17+$0xFFFFFF80] =	vst v62  }
0x94: {  	[tilespmem:s17+$0x20] =	vst v1;
	v1 =	vmul.f32 v42, v56  }
0x95: {  	v3 =	vmul.f32 v48, v2;
	[tilespmem:s17+$0xFFFFFF30] =	vst v63  }
0x96: {  	s4 =	sadd.s32 $0x1, s4;
	[tilespmem:s17+$0x50] =	vst v1;
	v1 =	vmul.f32 v51, v2  }
0x97: {  	p0 =	sne.s32 s4, $0x10;
	[tilespmem:s17+$0x0] =	vst v3  }
.Ltmp3:
0x98: {  	s16 =	sadd.s32 $0x19800, s16;
	[tilespmem:s17+$0x10] =	vst v1;
	(pc) =	sbr.rel @p0 .LBB2_7-.Ltmp3, $4  }
0x99: {  	[spmem:s5] =	stream.indirect.scatter.add.f32 [tilespmem:s23], [sflag:$0x2], $0x20, s16, s22, $0xb8;
	[tilespmem:$0x1D800] =	vst v63  }
0x9a: {  	_ =	swait.ge [sflag:s19], $0x1000  }
0x9b: {  	[sflag:s19] =	ssyncset.done $0x0  }
0x9c: {  	s6 =	sadd.s32 $0x80, s6;
	[sflag:s19] =	ssyncadd.s32 $0xFFFFF000  }
0x9d: {  	s31 =	sadd.s32 $0x1, s31  }
0x9e: {  	p0 =	sne.s32 s31, $0x19  }
.Ltmp4:
0x9f: {  	_ = 	snop;
	(pc) =	sbr.rel @p0 .LBB2_6-.Ltmp4, $1  }
0xa0: {  	_ =	sdelay $0x3  }
0xa1: {  	[bflag:$0x0] =	sbarrier.arrive $0xFFFF  }
0xa2: {  	[tilespmem:s25], [sflag:$0x2] =	stream.linear.gather [spmem:s14], $0x800, $0x38;
	[tilespmem:$0x1D800] =	vst v63  }
0xa3: {  	_ =	swait.ge [sflag:s19], $0x800  }
0xa4: {  	s4 =	rddreg [dreg:$0xa]  }
0xa5: {  	[sflag:s19] =	ssyncset.done $0x0;
	s4 =	sadd.s32 s7, s4  }
0xa6: {  	[sflag:s19] =	ssyncadd.s32 $0xFFFFF800;
	s6 =	sadd.s32 $0x0, s4  }
0xa7: {  	[hbm4b:s6+s10] =	stream.linear.scatter [tilespmem:s25], [sflag:$0x2], $0x800, $0x38;
	[tilespmem:$0x1D800] =	vst v63  }
0xa8: {  	_ =	swait.ge [sflag:s19], $0x800  }
0xa9: {  	s16 =	smov.u32 s14;
	s6 =	simm.s32 $0x100;
	[sflag:s19] =	ssyncset.done $0x0  }
.LBB2_12:
0xaa: {  	p0 =	sne.s32 s6, $0x3100;
	[sflag:s19] =	ssyncadd.s32 $0xFFFFF800;
	s16 =	sadd.s32 $0x800, s16  }
0xab: {  	[tilespmem:s25], [sflag:$0x2] =	stream.linear.gather [spmem:s16], $0x800, $0x38;
	[tilespmem:$0x1D800] =	vst v63  }
0xac: {  	s17 =	smov.u32 s6;
	s6 =	sadd.s32 $0x100, s6;
	_ =	swait.ge [sflag:s19], $0x800  }
.Ltmp5:
0xad: {  	[sflag:s19] =	ssyncset.done $0x0;
	(pc) =	sbr.rel @p0 .LBB2_12-.Ltmp5, $4  }
0xae: {  	s17 =	sadd.s32 s17, s4;
	[sflag:s19] =	ssyncadd.s32 $0xFFFFF800  }
0xaf: {  	[hbm4b:s17+s10] =	stream.linear.scatter [tilespmem:s25], [sflag:$0x2], $0x800, $0x38;
	[tilespmem:$0x1D800] =	vst v63  }
0xb0: {  	_ =	swait.ge [sflag:s19], $0x800  }
0xb1: {  	[sflag:s19] =	ssyncset.done $0x0  }
0xb2: {  	[sflag:s19] =	ssyncadd.s32 $0xFFFFF800  }
0xb3: {  	s4 =	sadd.s32 $0x0, s14;
	[bflag:$0x0] =	sbarrier.arrive $0xFFFF  }
0xb4: {  	[spmem:s4] =	stream.linear.scatter [tilespmem:s18], [sflag:$0x2], $0x800, $0x38;
	[tilespmem:$0x1D800] =	vst v63  }
0xb5: {  	s4 =	simm.s32 $0x2000;
	_ =	swait.ge [sflag:s19], $0x800  }
.LBB2_14:
0xb6: {  	s6 =	sshra.s32 s4, $0x2;
	[sflag:s19] =	ssyncset.done $0x0;
	p0 =	sne.s32 s4, $0x62000  }
.Ltmp6:
0xb7: {  	s6 =	sadd.s32 s6, s14;
	[sflag:s19] =	ssyncadd.s32 $0xFFFFF800;
	(pc) =	sbr.rel @p0 .LBB2_14-.Ltmp6, $3  }
0xb8: {  	[spmem:s6] =	stream.linear.scatter [tilespmem:s18], [sflag:$0x2], $0x800, $0x38;
	[tilespmem:$0x1D800] =	vst v63  }
0xb9: {  	s4 =	sadd.s32 $0x2000, s4;
	_ =	sdelay $0x1  }
0xba: {  	_ =	swait.ge [sflag:s19], $0x800  }
0xbb: {  	[sflag:s19] =	ssyncset.done $0x0  }
0xbc: {  	[sflag:s19] =	ssyncadd.s32 $0xFFFFF800  }
0xbd: {  	s30 =	simm.s32 $0x0;
	s31 =	simm.s32 $0x0;
	[bflag:$0x0] =	sbarrier.arrive $0xFFFF  }
.LBB2_16:
0xbe: {  	s4 =	sshll.u32 s31, $0xB  }
0xbf: {  	s4 =	sadd.s32 s12, s4  }
0xc0: {  	s6 =	sadd.s32 s15, s4  }
0xc1: {  	s6 =	sshrl.u32 s6, $0x3  }
0xc2: {  	s6 =	sadd.s32 s1, s6  }
0xc3: {  	[tilespmem:s20], [sflag:$0x2] =	stream.linear.gather [hbm4b:s6+s30], $0x800, $0x38;
	[tilespmem:$0x1D800] =	vst v63  }
0xc4: {  	_ =	swait.ge [sflag:s19], $0x800  }
0xc5: {  	s4 =	sshrl.u32 s4, $0x3;
	[sflag:s19] =	ssyncset.done $0x0  }
0xc6: {  	s29 =	sadd.s32 s2, s4;
	[sflag:s19] =	ssyncadd.s32 $0xFFFFF800  }
0xc7: {  	[tilespmem:s21], [sflag:$0x2] =	stream.linear.gather [hbm4b:s29+s30], $0x800, $0x38;
	[tilespmem:$0x1D800] =	vst v63  }
0xc8: {  	_ =	swait.ge [sflag:s19], $0x800  }
0xc9: {  	[sflag:s19] =	ssyncset.done $0x0  }
0xca: {  	s4 =	sadd.s32 s3, s4;
	s6 =	simm.s32 $0x1A000;
	[sflag:s19] =	ssyncadd.s32 $0xFFFFF800  }
0xcb: {  	[tilespmem:s6], [sflag:$0x2] =	stream.linear.gather [hbm4b:s4+s30], $0x800, $0x38;
	[tilespmem:$0x1D800] =	vst v63  }
0xcc: {  	_ =	swait.ge [sflag:s19], $0x800  }
0xcd: {  	[sflag:s19] =	ssyncset.done $0x0  }
0xce: {  	s4 =	simm.s32 $0x0;
	[sflag:s19] =	ssyncadd.s32 $0xFFFFF800  }
.LBB2_17:
0xcf: {  	s16 =	sshll.u32 s4, $0x7  }
0xd0: {  	s17 =	sadd.s32 $0x19000, s16  }
0xd1: {  	[tilespmem:s23], [sflag:$0x1] =	stream.indirect.gather [hbm4b:s7+s22], $0x20, s17, s22, $0xb8;
	[tilespmem:$0x1D800] =	vst v63  }
0xd2: {  	_ =	swait.ge [sflag:s24], $0x1000  }
0xd3: {  	[sflag:s24] =	ssyncset.done $0x0  }
0xd4: {  	s17 =	simm.s32 $0x1A900;
	[sflag:s24] =	ssyncadd.s32 $0xFFFFF000  }
0xd5: {  	v7 =	vld [tilespmem:s17+$0xFFFFFFA0]  }
0xd6: {  	v4 =	vld [tilespmem:s17+$0xFFFFFFF0]  }
0xd7: {  	v1 =	vld [tilespmem:s17+$0xFFFFFF60]  }
0xd8: {  	v5 =	vmov s6;
	v8 =	vld [tilespmem:s17+$0xFFFFFFD0]  }
0xd9: {  	v9 =	vld [tilespmem:s17+$0x80]  }
0xda: {  	v12 =	vld [tilespmem:s17+$0xFFFFFF10]  }
0xdb: {  	v16 =	vld [tilespmem:s17+$0xE0]  }
0xdc: {  	s26 =	simm.s32 $0x0;
	v11 =	vld [tilespmem:s17+$0xFFFFFF40]  }
0xdd: {  	v2 =	vld.idx.msk [tilespmem:v5+s26+$0x0 ss:$0x1], $0xffff  }
0xde: {  	v3 =	vld [tilespmem:s17+$0xFFFFFF90]  }
0xdf: {  	v10 =	vld [tilespmem:s17+$0xFFFFFFC0]  }
0xe0: {  	v13 =	vld [tilespmem:s17+$0xFFFFFF00]  }
0xe1: {  	v14 =	vld [tilespmem:s17+$0xD0]  }
0xe2: {  	v23 =	vld [tilespmem:s17+$0xC0]  }
0xe3: {  	v21 =	vld [tilespmem:s17+$0x90];
	v19 =	vbroadcast v2, $0x0;
	v6 =	vbroadcast v2, $0xF  }
0xe4: {  	v22 =	vld [tilespmem:s17+$0xFFFFFF50];
	v20 =	vbroadcast v2, $0x2;
	v18 =	vbroadcast v2, $0xE  }
0xe5: {  	v17 =	vld [tilespmem:s17+$0xB0];
	v15 =	vbroadcast v2, $0xC;
	v25 =	vmul.f32 v19, v13  }
0xe6: {  	s29 =	simm.s32 $0x40;
	s26 =	simm.s32 $0x1A900;
	v13 =	vbroadcast v2, $0xD;
	v24 =	vmul.f32 v11, v20;
	v11 =	vld [tilespmem:s17+$0x60]  }
.LBB2_18:
0xe7: {  	p0 =	sne.s32 s29, $0x1C0  }
0xe8: {  	[tilespmem:s17+$0xFFFFFF00] =	vst v25;
	v25 =	vld [tilespmem:s17+$0xFFFFFFB0];
	v23 =	vmul.f32 v23, v18;
	v16 =	vmul.f32 v16, v6;
	s26 =	sadd.s32 $0x200, s26;
	s28 =	smov.u32 s29;
	s29 =	sadd.s32 $0x40, s29  }
0xe9: {  	[tilespmem:s17+$0xFFFFFF40] =	vst v24;
	v24 =	vbroadcast v2, $0xA;
	v21 =	vmul.f32 v21, v15;
	v26 =	vld [tilespmem:s17+$0xA0]  }
0xea: {  	v12 =	vmul.f32 v12, v19;
	v19 =	vmul.f32 v22, v20;
	v20 =	vld [tilespmem:s17+$0x70];
	[tilespmem:s17+$0xE0] =	vst v16  }
0xeb: {  	v16 =	vbroadcast v2, $0x5;
	v22 =	vld [tilespmem:s17+$0xFFFFFFE0];
	v17 =	vmul.f32 v17, v13;
	[tilespmem:s17+$0xC0] =	vst v23  }
0xec: {  	v14 =	vmul.f32 v14, v18;
	[tilespmem:s17+$0xFFFFFF10] =	vst v12;
	v12 =	vbroadcast v2, $0x6;
	v23 =	vld [tilespmem:s17+$0x40]  }
0xed: {  	v27 =	vbroadcast v2, $0xB;
	v7 =	vmul.f32 v7, v16;
	v18 =	vld [tilespmem:s17+$0xFFFFFF20];
	[tilespmem:s17+$0x90] =	vst v21  }
0xee: {  	v21 =	vbroadcast v2, $0x9;
	[tilespmem:s17+$0xFFFFFF50] =	vst v19;
	v19 =	vld [tilespmem:s17+$0x20];
	v13 =	vmul.f32 v26, v13  }
0xef: {  	v16 =	vmul.f32 v25, v16;
	v25 =	vld [tilespmem:s17+$0x50];
	v20 =	vmul.f32 v20, v27;
	[tilespmem:s17+$0xD0] =	vst v14  }
0xf0: {  	v9 =	vmul.f32 v9, v15;
	v14 =	vbroadcast v2, $0x7;
	v26 =	vld [tilespmem:s17+$0x30];
	[tilespmem:s17+$0xA0] =	vst v13  }
0xf1: {  	v10 =	vmul.f32 v10, v12;
	v13 =	vbroadcast v2, $0x3;
	v15 =	vld [tilespmem:s17+$0x0];
	[tilespmem:s17+$0x70] =	vst v20  }
0xf2: {  	v11 =	vmul.f32 v11, v27;
	v8 =	vmul.f32 v8, v12;
	v12 =	vld [tilespmem:s17+$0x10];
	[tilespmem:s17+$0x80] =	vst v9  }
0xf3: {  	v20 =	vbroadcast v2, $0x8;
	v23 =	vmul.f32 v23, v24;
	v9 =	vld [tilespmem:s17+$0xFFFFFF30];
	[tilespmem:s17+$0xB0] =	vst v17  }
0xf4: {  	v17 =	vbroadcast v2, $0x1;
	v27 =	vld [tilespmem:s17+$0xFFFFFF70];
	[tilespmem:s17+$0xFFFFFFD0] =	vst v8;
	v24 =	vmul.f32 v25, v24  }
0xf5: {  	v4 =	vmul.f32 v4, v14;
	v8 =	vmul.f32 v22, v14;
	[tilespmem:s17+$0xFFFFFFC0] =	vst v10;
	v10 =	vld [tilespmem:s17+$0xF0]  }
0xf6: {  	v22 =	vmul.f32 v26, v21;
	v14 =	vld [tilespmem:s17+$0xFFFFFF80];
	[tilespmem:s17+$0xFFFFFFA0] =	vst v7;
	v15 =	vmul.f32 v15, v20  }
0xf7: {  	v7 =	vld [tilespmem:s26+$0xFFFFFFA0];
	[tilespmem:s17+$0xFFFFFFF0] =	vst v4;
	v20 =	vmul.f32 v12, v20;
	v12 =	vmul.f32 v19, v21  }
0xf8: {  	v4 =	vmul.f32 v18, v17;
	v17 =	vmul.f32 v9, v17;
	[tilespmem:s17+$0x60] =	vst v11  }
0xf9: {  	v1 =	vmul.f32 v1, v13;
	v9 =	vmul.f32 v27, v13;
	[tilespmem:s17+$0xFFFFFFB0] =	vst v16  }
0xfa: {  	v2 =	vbroadcast v2, $0x4;
	[tilespmem:s17+$0xFFFFFF20] =	vst v4;
	v4 =	vmul.f32 v10, v6  }
0xfb: {  	[tilespmem:s17+$0xFFFFFF60] =	vst v1  }
0xfc: {  	v6 =	vmul.f32 v14, v2;
	v1 =	vmul.f32 v3, v2;
	[tilespmem:s17+$0x40] =	vst v23  }
0xfd: {  	[tilespmem:s17+$0xFFFFFFE0] =	vst v8  }
0xfe: {  	[tilespmem:s17+$0xF0] =	vst v4  }
0xff: {  	[tilespmem:s17+$0xFFFFFF90] =	vst v1  }
0x100: {  	[tilespmem:s17+$0xFFFFFF70] =	vst v9  }
0x101: {  	v4 =	vld [tilespmem:s26+$0xFFFFFFF0];
	[tilespmem:s17+$0x20] =	vst v12  }
0x102: {  	v1 =	vld [tilespmem:s26+$0xFFFFFF60];
	[tilespmem:s17+$0x30] =	vst v22  }
0x103: {  	v8 =	vld [tilespmem:s26+$0xFFFFFFD0];
	[tilespmem:s17+$0xFFFFFF80] =	vst v6  }
0x104: {  	v9 =	vld [tilespmem:s26+$0x80];
	[tilespmem:s17+$0x50] =	vst v24  }
0x105: {  	v12 =	vld [tilespmem:s26+$0xFFFFFF10];
	[tilespmem:s17+$0x0] =	vst v15  }
0x106: {  	v16 =	vld [tilespmem:s26+$0xE0];
	[tilespmem:s17+$0xFFFFFF30] =	vst v17  }
0x107: {  	s28 =	sshra.s32 s28, $0x2;
	v11 =	vld [tilespmem:s26+$0xFFFFFF40];
	[tilespmem:s17+$0x10] =	vst v20;
	s17 =	smov.u32 s26  }
0x108: {  	v2 =	vld.idx.msk [tilespmem:v5+s28+$0x0 ss:$0x1], $0xffff  }
0x109: {  	v3 =	vld [tilespmem:s26+$0xFFFFFF90]  }
0x10a: {  	v10 =	vld [tilespmem:s26+$0xFFFFFFC0]  }
0x10b: {  	v13 =	vld [tilespmem:s26+$0xFFFFFF00]  }
0x10c: {  	v14 =	vld [tilespmem:s26+$0xD0]  }
.Ltmp7:
0x10d: {  	v23 =	vld [tilespmem:s26+$0xC0];
	(pc) =	sbr.rel @p0 .LBB2_18-.Ltmp7, $4  }
0x10e: {  	v19 =	vbroadcast v2, $0x0;
	v6 =	vbroadcast v2, $0xF;
	v21 =	vld [tilespmem:s26+$0x90]  }
0x10f: {  	v20 =	vbroadcast v2, $0x2;
	v18 =	vbroadcast v2, $0xE;
	v22 =	vld [tilespmem:s26+$0xFFFFFF50]  }
0x110: {  	v25 =	vmul.f32 v19, v13;
	v13 =	vbroadcast v2, $0xD;
	v17 =	vld [tilespmem:s26+$0xB0]  }
0x111: {  	v15 =	vbroadcast v2, $0xC;
	v24 =	vmul.f32 v11, v20;
	v11 =	vld [tilespmem:s26+$0x60]  }
0x112: {  	[tilespmem:s17+$0xFFFFFF00] =	vst v25;
	v5 =	vmul.f32 v16, v6  }
0x113: {  	v30 =	vmul.f32 v23, v18;
	[tilespmem:s17+$0xFFFFFF40] =	vst v24  }
0x114: {  	v12 =	vmul.f32 v12, v19;
	[tilespmem:s17+$0xE0] =	vst v5  }
0x115: {  	v35 =	vmul.f32 v14, v18;
	[tilespmem:s17+$0xC0] =	vst v30  }
0x116: {  	v33 =	vmul.f32 v21, v15;
	[tilespmem:s17+$0xFFFFFF10] =	vst v12  }
0x117: {  	v41 =	vbroadcast v2, $0x6;
	v9 =	vmul.f32 v9, v15;
	[tilespmem:s17+$0xD0] =	vst v35  }
0x118: {  	v20 =	vmul.f32 v22, v20;
	[tilespmem:s17+$0x90] =	vst v33  }
0x119: {  	v45 =	vbroadcast v2, $0x5;
	v8 =	vmul.f32 v8, v41;
	[tilespmem:s17+$0x80] =	vst v9  }
0x11a: {  	v47 =	vbroadcast v2, $0x7;
	v10 =	vmul.f32 v10, v41;
	[tilespmem:s17+$0xFFFFFF50] =	vst v20  }
0x11b: {  	v54 =	vbroadcast v2, $0x3;
	v7 =	vmul.f32 v7, v45;
	[tilespmem:s17+$0xFFFFFFD0] =	vst v8  }
0x11c: {  	v31 =	vld [tilespmem:s17+$0xA0];
	v59 =	vbroadcast v2, $0x4;
	v4 =	vmul.f32 v4, v47;
	[tilespmem:s17+$0xFFFFFFC0] =	vst v10  }
0x11d: {  	v32 =	vld [tilespmem:s17+$0x70];
	v1 =	vmul.f32 v1, v54;
	[tilespmem:s17+$0xFFFFFFA0] =	vst v7  }
0x11e: {  	v34 =	vld [tilespmem:s17+$0xFFFFFFB0];
	v37 =	vbroadcast v2, $0xB;
	v3 =	vmul.f32 v3, v59;
	[tilespmem:s17+$0xFFFFFFF0] =	vst v4  }
0x11f: {  	v36 =	vld [tilespmem:s17+$0xFFFFFF20];
	v43 =	vmul.f32 v17, v13;
	[tilespmem:s17+$0xFFFFFF60] =	vst v1  }
0x120: {  	v40 =	vld [tilespmem:s17+$0x40];
	v11 =	vmul.f32 v11, v37;
	[tilespmem:s17+$0xFFFFFF90] =	vst v3  }
0x121: {  	v38 =	vld [tilespmem:s17+$0xFFFFFFE0];
	v39 =	vmul.f32 v31, v13;
	[tilespmem:s17+$0xB0] =	vst v43  }
0x122: {  	v52 =	vbroadcast v2, $0x1;
	v55 =	vld [tilespmem:s17+$0xF0];
	v19 =	vmul.f32 v32, v37;
	[tilespmem:s17+$0x60] =	vst v11  }
0x123: {  	v49 =	vld [tilespmem:s17+$0xFFFFFF70];
	v56 =	vbroadcast v2, $0xA;
	v53 =	vmul.f32 v34, v45;
	[tilespmem:s17+$0xA0] =	vst v39  }
0x124: {  	v46 =	vld [tilespmem:s17+$0x30];
	v14 =	vmul.f32 v36, v52;
	[tilespmem:s17+$0x70] =	vst v19  }
0x125: {  	v50 =	vld [tilespmem:s17+$0xFFFFFF80];
	v58 =	vmul.f32 v40, v56;
	[tilespmem:s17+$0xFFFFFFB0] =	vst v53  }
0x126: {  	v44 =	vld [tilespmem:s17+$0x20];
	v5 =	vmul.f32 v38, v47;
	[tilespmem:s17+$0xFFFFFF20] =	vst v14  }
0x127: {  	v57 =	vld [tilespmem:s17+$0xFFFFFF30];
	v60 =	vbroadcast v2, $0x9;
	v1 =	vmul.f32 v55, v6;
	[tilespmem:s17+$0x40] =	vst v58  }
0x128: {  	v42 =	vld [tilespmem:s17+$0x50];
	v61 =	vmul.f32 v49, v54;
	[tilespmem:s17+$0xFFFFFFE0] =	vst v5  }
0x129: {  	v48 =	vld [tilespmem:s17+$0x0];
	v3 =	vmul.f32 v46, v60;
	[tilespmem:s17+$0xF0] =	vst v1  }
0x12a: {  	v51 =	vld [tilespmem:s17+$0x10];
	v62 =	vmul.f32 v50, v59;
	[tilespmem:s17+$0xFFFFFF70] =	vst v61  }
0x12b: {  	v1 =	vmul.f32 v44, v60;
	[tilespmem:s17+$0x30] =	vst v3  }
0x12c: {  	v2 =	vbroadcast v2, $0x8;
	v63 =	vmul.f32 v57, v52;
	[tilespmem:s17+$0xFFFFFF80] =	vst v62  }
0x12d: {  	[tilespmem:s17+$0x20] =	vst v1;
	v1 =	vmul.f32 v42, v56  }
0x12e: {  	v3 =	vmul.f32 v48, v2;
	[tilespmem:s17+$0xFFFFFF30] =	vst v63  }
0x12f: {  	s4 =	sadd.s32 $0x1, s4;
	[tilespmem:s17+$0x50] =	vst v1;
	v1 =	vmul.f32 v51, v2  }
0x130: {  	p0 =	sne.s32 s4, $0x10;
	[tilespmem:s17+$0x0] =	vst v3  }
.Ltmp8:
0x131: {  	s16 =	sadd.s32 $0x19800, s16;
	[tilespmem:s17+$0x10] =	vst v1;
	(pc) =	sbr.rel @p0 .LBB2_17-.Ltmp8, $4  }
0x132: {  	[spmem:s5] =	stream.indirect.scatter.add.f32 [tilespmem:s23], [sflag:$0x2], $0x20, s16, s22, $0xb8;
	[tilespmem:$0x1D800] =	vst v63  }
0x133: {  	_ =	swait.ge [sflag:s19], $0x1000  }
0x134: {  	[sflag:s19] =	ssyncset.done $0x0  }
0x135: {  	s6 =	sadd.s32 $0x80, s6;
	[sflag:s19] =	ssyncadd.s32 $0xFFFFF000  }
0x136: {  	s31 =	sadd.s32 $0x1, s31  }
0x137: {  	p0 =	sne.s32 s31, $0x19  }
.Ltmp9:
0x138: {  	_ = 	snop;
	(pc) =	sbr.rel @p0 .LBB2_16-.Ltmp9, $1  }
0x139: {  	_ =	sdelay $0x3  }
0x13a: {  	[bflag:$0x0] =	sbarrier.arrive $0xFFFF  }
0x13b: {  	[tilespmem:s25], [sflag:$0x2] =	stream.linear.gather [spmem:s14], $0x800, $0x38;
	[tilespmem:$0x1D800] =	vst v63  }
0x13c: {  	_ =	swait.ge [sflag:s19], $0x800  }
0x13d: {  	s4 =	rddreg [dreg:$0xa]  }
0x13e: {  	[sflag:s19] =	ssyncset.done $0x0;
	s4 =	sadd.s32 s8, s4  }
0x13f: {  	[sflag:s19] =	ssyncadd.s32 $0xFFFFF800;
	s6 =	sadd.s32 $0x0, s4  }
0x140: {  	[hbm4b:s6+s10] =	stream.linear.scatter [tilespmem:s25], [sflag:$0x2], $0x800, $0x38;
	[tilespmem:$0x1D800] =	vst v63  }
0x141: {  	_ =	swait.ge [sflag:s19], $0x800  }
0x142: {  	s16 =	smov.u32 s14;
	s6 =	simm.s32 $0x100;
	[sflag:s19] =	ssyncset.done $0x0  }
.LBB2_22:
0x143: {  	p0 =	sne.s32 s6, $0x3100;
	[sflag:s19] =	ssyncadd.s32 $0xFFFFF800;
	s16 =	sadd.s32 $0x800, s16  }
0x144: {  	[tilespmem:s25], [sflag:$0x2] =	stream.linear.gather [spmem:s16], $0x800, $0x38;
	[tilespmem:$0x1D800] =	vst v63  }
0x145: {  	s17 =	smov.u32 s6;
	s6 =	sadd.s32 $0x100, s6;
	_ =	swait.ge [sflag:s19], $0x800  }
.Ltmp10:
0x146: {  	[sflag:s19] =	ssyncset.done $0x0;
	(pc) =	sbr.rel @p0 .LBB2_22-.Ltmp10, $4  }
0x147: {  	s17 =	sadd.s32 s17, s4;
	[sflag:s19] =	ssyncadd.s32 $0xFFFFF800  }
0x148: {  	[hbm4b:s17+s10] =	stream.linear.scatter [tilespmem:s25], [sflag:$0x2], $0x800, $0x38;
	[tilespmem:$0x1D800] =	vst v63  }
0x149: {  	_ =	swait.ge [sflag:s19], $0x800  }
0x14a: {  	[sflag:s19] =	ssyncset.done $0x0  }
0x14b: {  	[sflag:s19] =	ssyncadd.s32 $0xFFFFF800  }
0x14c: {  	s4 =	sadd.s32 $0x0, s14;
	[bflag:$0x0] =	sbarrier.arrive $0xFFFF  }
0x14d: {  	[spmem:s4] =	stream.linear.scatter [tilespmem:s18], [sflag:$0x2], $0x800, $0x38;
	[tilespmem:$0x1D800] =	vst v63  }
0x14e: {  	s4 =	simm.s32 $0x2000;
	_ =	swait.ge [sflag:s19], $0x800  }
.LBB2_24:
0x14f: {  	s6 =	sshra.s32 s4, $0x2;
	[sflag:s19] =	ssyncset.done $0x0;
	p0 =	sne.s32 s4, $0x62000  }
.Ltmp11:
0x150: {  	s6 =	sadd.s32 s6, s14;
	[sflag:s19] =	ssyncadd.s32 $0xFFFFF800;
	(pc) =	sbr.rel @p0 .LBB2_24-.Ltmp11, $3  }
0x151: {  	[spmem:s6] =	stream.linear.scatter [tilespmem:s18], [sflag:$0x2], $0x800, $0x38;
	[tilespmem:$0x1D800] =	vst v63  }
0x152: {  	s4 =	sadd.s32 $0x2000, s4;
	_ =	sdelay $0x1  }
0x153: {  	_ =	swait.ge [sflag:s19], $0x800  }
0x154: {  	[sflag:s19] =	ssyncset.done $0x0  }
0x155: {  	[sflag:s19] =	ssyncadd.s32 $0xFFFFF800  }
0x156: {  	s30 =	simm.s32 $0x0;
	s31 =	simm.s32 $0x0;
	[bflag:$0x0] =	sbarrier.arrive $0xFFFF  }
.LBB2_26:
0x157: {  	s4 =	sshll.u32 s31, $0xB  }
0x158: {  	s4 =	sadd.s32 s12, s4  }
0x159: {  	s6 =	sadd.s32 s15, s4  }
0x15a: {  	s6 =	sshrl.u32 s6, $0x3  }
0x15b: {  	s6 =	sadd.s32 s1, s6  }
0x15c: {  	[tilespmem:s20], [sflag:$0x2] =	stream.linear.gather [hbm4b:s6+s30], $0x800, $0x38;
	[tilespmem:$0x1D800] =	vst v63  }
0x15d: {  	_ =	swait.ge [sflag:s19], $0x800  }
0x15e: {  	s4 =	sshrl.u32 s4, $0x3;
	[sflag:s19] =	ssyncset.done $0x0  }
0x15f: {  	s29 =	sadd.s32 s2, s4;
	[sflag:s19] =	ssyncadd.s32 $0xFFFFF800  }
0x160: {  	[tilespmem:s21], [sflag:$0x2] =	stream.linear.gather [hbm4b:s29+s30], $0x800, $0x38;
	[tilespmem:$0x1D800] =	vst v63  }
0x161: {  	_ =	swait.ge [sflag:s19], $0x800  }
0x162: {  	[sflag:s19] =	ssyncset.done $0x0  }
0x163: {  	s4 =	sadd.s32 s3, s4;
	s6 =	simm.s32 $0x1A000;
	[sflag:s19] =	ssyncadd.s32 $0xFFFFF800  }
0x164: {  	[tilespmem:s6], [sflag:$0x2] =	stream.linear.gather [hbm4b:s4+s30], $0x800, $0x38;
	[tilespmem:$0x1D800] =	vst v63  }
0x165: {  	_ =	swait.ge [sflag:s19], $0x800  }
0x166: {  	[sflag:s19] =	ssyncset.done $0x0  }
0x167: {  	s4 =	simm.s32 $0x0;
	[sflag:s19] =	ssyncadd.s32 $0xFFFFF800  }
.LBB2_27:
0x168: {  	s16 =	sshll.u32 s4, $0x7  }
0x169: {  	s17 =	sadd.s32 $0x19000, s16  }
0x16a: {  	[tilespmem:s23], [sflag:$0x1] =	stream.indirect.gather [hbm4b:s8+s22], $0x20, s17, s22, $0xb8;
	[tilespmem:$0x1D800] =	vst v63  }
0x16b: {  	_ =	swait.ge [sflag:s24], $0x1000  }
0x16c: {  	[sflag:s24] =	ssyncset.done $0x0  }
0x16d: {  	s17 =	simm.s32 $0x1A900;
	[sflag:s24] =	ssyncadd.s32 $0xFFFFF000  }
0x16e: {  	v7 =	vld [tilespmem:s17+$0xFFFFFFA0]  }
0x16f: {  	v4 =	vld [tilespmem:s17+$0xFFFFFFF0]  }
0x170: {  	v1 =	vld [tilespmem:s17+$0xFFFFFF60]  }
0x171: {  	v5 =	vmov s6;
	v8 =	vld [tilespmem:s17+$0xFFFFFFD0]  }
0x172: {  	v9 =	vld [tilespmem:s17+$0x80]  }
0x173: {  	v12 =	vld [tilespmem:s17+$0xFFFFFF10]  }
0x174: {  	v16 =	vld [tilespmem:s17+$0xE0]  }
0x175: {  	s26 =	simm.s32 $0x0;
	v11 =	vld [tilespmem:s17+$0xFFFFFF40]  }
0x176: {  	v2 =	vld.idx.msk [tilespmem:v5+s26+$0x0 ss:$0x1], $0xffff  }
0x177: {  	v3 =	vld [tilespmem:s17+$0xFFFFFF90]  }
0x178: {  	v10 =	vld [tilespmem:s17+$0xFFFFFFC0]  }
0x179: {  	v13 =	vld [tilespmem:s17+$0xFFFFFF00]  }
0x17a: {  	v14 =	vld [tilespmem:s17+$0xD0]  }
0x17b: {  	v23 =	vld [tilespmem:s17+$0xC0]  }
0x17c: {  	v21 =	vld [tilespmem:s17+$0x90];
	v19 =	vbroadcast v2, $0x0;
	v6 =	vbroadcast v2, $0xF  }
0x17d: {  	v22 =	vld [tilespmem:s17+$0xFFFFFF50];
	v20 =	vbroadcast v2, $0x2;
	v18 =	vbroadcast v2, $0xE  }
0x17e: {  	v17 =	vld [tilespmem:s17+$0xB0];
	v15 =	vbroadcast v2, $0xC;
	v25 =	vmul.f32 v19, v13  }
0x17f: {  	s29 =	simm.s32 $0x40;
	s26 =	simm.s32 $0x1A900;
	v13 =	vbroadcast v2, $0xD;
	v24 =	vmul.f32 v11, v20;
	v11 =	vld [tilespmem:s17+$0x60]  }
.LBB2_28:
0x180: {  	p0 =	sne.s32 s29, $0x1C0  }
0x181: {  	[tilespmem:s17+$0xFFFFFF00] =	vst v25;
	v25 =	vld [tilespmem:s17+$0xFFFFFFB0];
	v23 =	vmul.f32 v23, v18;
	v16 =	vmul.f32 v16, v6;
	s26 =	sadd.s32 $0x200, s26;
	s28 =	smov.u32 s29;
	s29 =	sadd.s32 $0x40, s29  }
0x182: {  	[tilespmem:s17+$0xFFFFFF40] =	vst v24;
	v24 =	vbroadcast v2, $0xA;
	v21 =	vmul.f32 v21, v15;
	v26 =	vld [tilespmem:s17+$0xA0]  }
0x183: {  	v12 =	vmul.f32 v12, v19;
	v19 =	vmul.f32 v22, v20;
	v20 =	vld [tilespmem:s17+$0x70];
	[tilespmem:s17+$0xE0] =	vst v16  }
0x184: {  	v16 =	vbroadcast v2, $0x5;
	v22 =	vld [tilespmem:s17+$0xFFFFFFE0];
	v17 =	vmul.f32 v17, v13;
	[tilespmem:s17+$0xC0] =	vst v23  }
0x185: {  	v14 =	vmul.f32 v14, v18;
	[tilespmem:s17+$0xFFFFFF10] =	vst v12;
	v12 =	vbroadcast v2, $0x6;
	v23 =	vld [tilespmem:s17+$0x40]  }
0x186: {  	v27 =	vbroadcast v2, $0xB;
	v7 =	vmul.f32 v7, v16;
	v18 =	vld [tilespmem:s17+$0xFFFFFF20];
	[tilespmem:s17+$0x90] =	vst v21  }
0x187: {  	v21 =	vbroadcast v2, $0x9;
	[tilespmem:s17+$0xFFFFFF50] =	vst v19;
	v19 =	vld [tilespmem:s17+$0x20];
	v13 =	vmul.f32 v26, v13  }
0x188: {  	v16 =	vmul.f32 v25, v16;
	v25 =	vld [tilespmem:s17+$0x50];
	v20 =	vmul.f32 v20, v27;
	[tilespmem:s17+$0xD0] =	vst v14  }
0x189: {  	v9 =	vmul.f32 v9, v15;
	v14 =	vbroadcast v2, $0x7;
	v26 =	vld [tilespmem:s17+$0x30];
	[tilespmem:s17+$0xA0] =	vst v13  }
0x18a: {  	v10 =	vmul.f32 v10, v12;
	v13 =	vbroadcast v2, $0x3;
	v15 =	vld [tilespmem:s17+$0x0];
	[tilespmem:s17+$0x70] =	vst v20  }
0x18b: {  	v11 =	vmul.f32 v11, v27;
	v8 =	vmul.f32 v8, v12;
	v12 =	vld [tilespmem:s17+$0x10];
	[tilespmem:s17+$0x80] =	vst v9  }
0x18c: {  	v20 =	vbroadcast v2, $0x8;
	v23 =	vmul.f32 v23, v24;
	v9 =	vld [tilespmem:s17+$0xFFFFFF30];
	[tilespmem:s17+$0xB0] =	vst v17  }
0x18d: {  	v17 =	vbroadcast v2, $0x1;
	v27 =	vld [tilespmem:s17+$0xFFFFFF70];
	[tilespmem:s17+$0xFFFFFFD0] =	vst v8;
	v24 =	vmul.f32 v25, v24  }
0x18e: {  	v4 =	vmul.f32 v4, v14;
	v8 =	vmul.f32 v22, v14;
	[tilespmem:s17+$0xFFFFFFC0] =	vst v10;
	v10 =	vld [tilespmem:s17+$0xF0]  }
0x18f: {  	v22 =	vmul.f32 v26, v21;
	v14 =	vld [tilespmem:s17+$0xFFFFFF80];
	[tilespmem:s17+$0xFFFFFFA0] =	vst v7;
	v15 =	vmul.f32 v15, v20  }
0x190: {  	v7 =	vld [tilespmem:s26+$0xFFFFFFA0];
	[tilespmem:s17+$0xFFFFFFF0] =	vst v4;
	v20 =	vmul.f32 v12, v20;
	v12 =	vmul.f32 v19, v21  }
0x191: {  	v4 =	vmul.f32 v18, v17;
	v17 =	vmul.f32 v9, v17;
	[tilespmem:s17+$0x60] =	vst v11  }
0x192: {  	v1 =	vmul.f32 v1, v13;
	v9 =	vmul.f32 v27, v13;
	[tilespmem:s17+$0xFFFFFFB0] =	vst v16  }
0x193: {  	v2 =	vbroadcast v2, $0x4;
	[tilespmem:s17+$0xFFFFFF20] =	vst v4;
	v4 =	vmul.f32 v10, v6  }
0x194: {  	[tilespmem:s17+$0xFFFFFF60] =	vst v1  }
0x195: {  	v6 =	vmul.f32 v14, v2;
	v1 =	vmul.f32 v3, v2;
	[tilespmem:s17+$0x40] =	vst v23  }
0x196: {  	[tilespmem:s17+$0xFFFFFFE0] =	vst v8  }
0x197: {  	[tilespmem:s17+$0xF0] =	vst v4  }
0x198: {  	[tilespmem:s17+$0xFFFFFF90] =	vst v1  }
0x199: {  	[tilespmem:s17+$0xFFFFFF70] =	vst v9  }
0x19a: {  	v4 =	vld [tilespmem:s26+$0xFFFFFFF0];
	[tilespmem:s17+$0x20] =	vst v12  }
0x19b: {  	v1 =	vld [tilespmem:s26+$0xFFFFFF60];
	[tilespmem:s17+$0x30] =	vst v22  }
0x19c: {  	v8 =	vld [tilespmem:s26+$0xFFFFFFD0];
	[tilespmem:s17+$0xFFFFFF80] =	vst v6  }
0x19d: {  	v9 =	vld [tilespmem:s26+$0x80];
	[tilespmem:s17+$0x50] =	vst v24  }
0x19e: {  	v12 =	vld [tilespmem:s26+$0xFFFFFF10];
	[tilespmem:s17+$0x0] =	vst v15  }
0x19f: {  	v16 =	vld [tilespmem:s26+$0xE0];
	[tilespmem:s17+$0xFFFFFF30] =	vst v17  }
0x1a0: {  	s28 =	sshra.s32 s28, $0x2;
	v11 =	vld [tilespmem:s26+$0xFFFFFF40];
	[tilespmem:s17+$0x10] =	vst v20;
	s17 =	smov.u32 s26  }
0x1a1: {  	v2 =	vld.idx.msk [tilespmem:v5+s28+$0x0 ss:$0x1], $0xffff  }
0x1a2: {  	v3 =	vld [tilespmem:s26+$0xFFFFFF90]  }
0x1a3: {  	v10 =	vld [tilespmem:s26+$0xFFFFFFC0]  }
0x1a4: {  	v13 =	vld [tilespmem:s26+$0xFFFFFF00]  }
0x1a5: {  	v14 =	vld [tilespmem:s26+$0xD0]  }
.Ltmp12:
0x1a6: {  	v23 =	vld [tilespmem:s26+$0xC0];
	(pc) =	sbr.rel @p0 .LBB2_28-.Ltmp12, $4  }
0x1a7: {  	v19 =	vbroadcast v2, $0x0;
	v6 =	vbroadcast v2, $0xF;
	v21 =	vld [tilespmem:s26+$0x90]  }
0x1a8: {  	v20 =	vbroadcast v2, $0x2;
	v18 =	vbroadcast v2, $0xE;
	v22 =	vld [tilespmem:s26+$0xFFFFFF50]  }
0x1a9: {  	v25 =	vmul.f32 v19, v13;
	v13 =	vbroadcast v2, $0xD;
	v17 =	vld [tilespmem:s26+$0xB0]  }
0x1aa: {  	v15 =	vbroadcast v2, $0xC;
	v24 =	vmul.f32 v11, v20;
	v11 =	vld [tilespmem:s26+$0x60]  }
0x1ab: {  	[tilespmem:s17+$0xFFFFFF00] =	vst v25;
	v5 =	vmul.f32 v16, v6  }
0x1ac: {  	v30 =	vmul.f32 v23, v18;
	[tilespmem:s17+$0xFFFFFF40] =	vst v24  }
0x1ad: {  	v12 =	vmul.f32 v12, v19;
	[tilespmem:s17+$0xE0] =	vst v5  }
0x1ae: {  	v35 =	vmul.f32 v14, v18;
	[tilespmem:s17+$0xC0] =	vst v30  }
0x1af: {  	v33 =	vmul.f32 v21, v15;
	[tilespmem:s17+$0xFFFFFF10] =	vst v12  }
0x1b0: {  	v41 =	vbroadcast v2, $0x6;
	v9 =	vmul.f32 v9, v15;
	[tilespmem:s17+$0xD0] =	vst v35  }
0x1b1: {  	v20 =	vmul.f32 v22, v20;
	[tilespmem:s17+$0x90] =	vst v33  }
0x1b2: {  	v45 =	vbroadcast v2, $0x5;
	v8 =	vmul.f32 v8, v41;
	[tilespmem:s17+$0x80] =	vst v9  }
0x1b3: {  	v47 =	vbroadcast v2, $0x7;
	v10 =	vmul.f32 v10, v41;
	[tilespmem:s17+$0xFFFFFF50] =	vst v20  }
0x1b4: {  	v54 =	vbroadcast v2, $0x3;
	v7 =	vmul.f32 v7, v45;
	[tilespmem:s17+$0xFFFFFFD0] =	vst v8  }
0x1b5: {  	v31 =	vld [tilespmem:s17+$0xA0];
	v59 =	vbroadcast v2, $0x4;
	v4 =	vmul.f32 v4, v47;
	[tilespmem:s17+$0xFFFFFFC0] =	vst v10  }
0x1b6: {  	v32 =	vld [tilespmem:s17+$0x70];
	v1 =	vmul.f32 v1, v54;
	[tilespmem:s17+$0xFFFFFFA0] =	vst v7  }
0x1b7: {  	v34 =	vld [tilespmem:s17+$0xFFFFFFB0];
	v37 =	vbroadcast v2, $0xB;
	v3 =	vmul.f32 v3, v59;
	[tilespmem:s17+$0xFFFFFFF0] =	vst v4  }
0x1b8: {  	v36 =	vld [tilespmem:s17+$0xFFFFFF20];
	v43 =	vmul.f32 v17, v13;
	[tilespmem:s17+$0xFFFFFF60] =	vst v1  }
0x1b9: {  	v40 =	vld [tilespmem:s17+$0x40];
	v11 =	vmul.f32 v11, v37;
	[tilespmem:s17+$0xFFFFFF90] =	vst v3  }
0x1ba: {  	v38 =	vld [tilespmem:s17+$0xFFFFFFE0];
	v39 =	vmul.f32 v31, v13;
	[tilespmem:s17+$0xB0] =	vst v43  }
0x1bb: {  	v52 =	vbroadcast v2, $0x1;
	v55 =	vld [tilespmem:s17+$0xF0];
	v19 =	vmul.f32 v32, v37;
	[tilespmem:s17+$0x60] =	vst v11  }
0x1bc: {  	v49 =	vld [tilespmem:s17+$0xFFFFFF70];
	v56 =	vbroadcast v2, $0xA;
	v53 =	vmul.f32 v34, v45;
	[tilespmem:s17+$0xA0] =	vst v39  }
0x1bd: {  	v46 =	vld [tilespmem:s17+$0x30];
	v14 =	vmul.f32 v36, v52;
	[tilespmem:s17+$0x70] =	vst v19  }
0x1be: {  	v50 =	vld [tilespmem:s17+$0xFFFFFF80];
	v58 =	vmul.f32 v40, v56;
	[tilespmem:s17+$0xFFFFFFB0] =	vst v53  }
0x1bf: {  	v44 =	vld [tilespmem:s17+$0x20];
	v5 =	vmul.f32 v38, v47;
	[tilespmem:s17+$0xFFFFFF20] =	vst v14  }
0x1c0: {  	v57 =	vld [tilespmem:s17+$0xFFFFFF30];
	v60 =	vbroadcast v2, $0x9;
	v1 =	vmul.f32 v55, v6;
	[tilespmem:s17+$0x40] =	vst v58  }
0x1c1: {  	v42 =	vld [tilespmem:s17+$0x50];
	v61 =	vmul.f32 v49, v54;
	[tilespmem:s17+$0xFFFFFFE0] =	vst v5  }
0x1c2: {  	v48 =	vld [tilespmem:s17+$0x0];
	v3 =	vmul.f32 v46, v60;
	[tilespmem:s17+$0xF0] =	vst v1  }
0x1c3: {  	v51 =	vld [tilespmem:s17+$0x10];
	v62 =	vmul.f32 v50, v59;
	[tilespmem:s17+$0xFFFFFF70] =	vst v61  }
0x1c4: {  	v1 =	vmul.f32 v44, v60;
	[tilespmem:s17+$0x30] =	vst v3  }
0x1c5: {  	v2 =	vbroadcast v2, $0x8;
	v63 =	vmul.f32 v57, v52;
	[tilespmem:s17+$0xFFFFFF80] =	vst v62  }
0x1c6: {  	[tilespmem:s17+$0x20] =	vst v1;
	v1 =	vmul.f32 v42, v56  }
0x1c7: {  	v3 =	vmul.f32 v48, v2;
	[tilespmem:s17+$0xFFFFFF30] =	vst v63  }
0x1c8: {  	s4 =	sadd.s32 $0x1, s4;
	[tilespmem:s17+$0x50] =	vst v1;
	v1 =	vmul.f32 v51, v2  }
0x1c9: {  	p0 =	sne.s32 s4, $0x10;
	[tilespmem:s17+$0x0] =	vst v3  }
.Ltmp13:
0x1ca: {  	s16 =	sadd.s32 $0x19800, s16;
	[tilespmem:s17+$0x10] =	vst v1;
	(pc) =	sbr.rel @p0 .LBB2_27-.Ltmp13, $4  }
0x1cb: {  	[spmem:s5] =	stream.indirect.scatter.add.f32 [tilespmem:s23], [sflag:$0x2], $0x20, s16, s22, $0xb8;
	[tilespmem:$0x1D800] =	vst v63  }
0x1cc: {  	_ =	swait.ge [sflag:s19], $0x1000  }
0x1cd: {  	[sflag:s19] =	ssyncset.done $0x0  }
0x1ce: {  	s6 =	sadd.s32 $0x80, s6;
	[sflag:s19] =	ssyncadd.s32 $0xFFFFF000  }
0x1cf: {  	s31 =	sadd.s32 $0x1, s31  }
0x1d0: {  	p0 =	sne.s32 s31, $0x19  }
.Ltmp14:
0x1d1: {  	_ = 	snop;
	(pc) =	sbr.rel @p0 .LBB2_26-.Ltmp14, $1  }
0x1d2: {  	_ =	sdelay $0x3  }
0x1d3: {  	[bflag:$0x0] =	sbarrier.arrive $0xFFFF;
	s4 =	simm.s32 $0x0  }
0x1d4: {  	s6 =	simm.s32 $0x0;
	s29 =	simm.s32 $0x1C800;
	s30 =	simm.s32 $0x1D000  }
.LBB2_32:
0x1d5: {  	s16 =	sshll.u32 s6, $0x6  }
0x1d6: {  	s17 =	sadd.s32 s9, s16  }
0x1d7: {  	s16 =	sadd.s32 s11, s17  }
0x1d8: {  	s16 =	sshll.u32 s16, $0x2  }
0x1d9: {  	s26 =	sadd.s32 s0, s16  }
0x1da: {  	[tilespmem:s18], [sflag:$0x2] =	stream.linear.gather [hbm4b:s26+s4], $0x800, $0x38;
	[tilespmem:$0x1D800] =	vst v63  }
0x1db: {  	_ =	swait.ge [sflag:s19], $0x800  }
0x1dc: {  	[sflag:s19] =	ssyncset.done $0x0  }
0x1dd: {  	s28 =	sadd.s32 s16, s7;
	[sflag:s19] =	ssyncadd.s32 $0xFFFFF800  }
0x1de: {  	[tilespmem:s25], [sflag:$0x2] =	stream.linear.gather [hbm4b:s28+s4], $0x800, $0x38;
	[tilespmem:$0x1D800] =	vst v63  }
0x1df: {  	_ =	swait.ge [sflag:s19], $0x800  }
0x1e0: {  	[sflag:s19] =	ssyncset.done $0x0  }
0x1e1: {  	s31 =	sadd.s32 s16, s8;
	[sflag:s19] =	ssyncadd.s32 $0xFFFFF800  }
0x1e2: {  	[tilespmem:s29], [sflag:$0x2] =	stream.linear.gather [hbm4b:s31+s4], $0x800, $0x38;
	[tilespmem:$0x1D800] =	vst v63  }
0x1e3: {  	s17 =	sshll.u32 s17, $0x5;
	_ =	swait.ge [sflag:s19], $0x800  }
0x1e4: {  	s17 =	sand.u32 $0x3FFFFFE0, s17;
	[sflag:s19] =	ssyncset.done $0x0  }
0x1e5: {  	s17 =	sadd.s32 s17, s5;
	[sflag:s19] =	ssyncadd.s32 $0xFFFFF800  }
0x1e6: {  	[tilespmem:s30], [sflag:$0x2] =	stream.linear.gather [spmem:s17], $0x800, $0x38;
	[tilespmem:$0x1D800] =	vst v63  }
0x1e7: {  	_ =	swait.ge [sflag:s19], $0x800  }
0x1e8: {  	[sflag:s19] =	ssyncset.done $0x0  }
0x1e9: {  	s17 =	simm.s32 $0x0;
	[sflag:s19] =	ssyncadd.s32 $0xFFFFF800  }
0x1ea: {  	v2 =	vld [tilespmem:s17+$0x1C000]  }
0x1eb: {  	v1 =	vld [tilespmem:s17+$0x1C010]  }
0x1ec: {  	s26 =	simm.s32 $0x80;
	v3 =	vld [tilespmem:s17+$0x1B800]  }
.LBB2_33:
0x1ed: {  	p0 =	sne.s32 s26, $0x1F80;
	v4 =	vld [tilespmem:s17+$0x1B810]  }
0x1ee: {  	v5 =	vld [tilespmem:s17+$0x1C800]  }
0x1ef: {  	v6 =	vld [tilespmem:s17+$0x1C810]  }
0x1f0: {  	v7 =	vld [tilespmem:s17+$0x1D000]  }
0x1f1: {  	v2 =	vadd.f32 v2, v3;
	v3 =	vld [tilespmem:s17+$0x1D010]  }
0x1f2: {  	v1 =	vadd.f32 v1, v4  }
0x1f3: {  	v2 =	vadd.f32 v5, v2  }
0x1f4: {  	v1 =	vadd.f32 v6, v1  }
0x1f5: {  	v2 =	vadd.f32 v7, v2  }
.Ltmp15:
0x1f6: {  	v1 =	vadd.f32 v3, v1;
	(pc) =	sbr.rel @p0 .LBB2_33-.Ltmp15, $4  }
0x1f7: {  	s28 =	sshra.s32 s26, $0x2;
	v3 =	vmul.f32 $2.500000000e-01, v2  }
0x1f8: {  	v2 =	vld [tilespmem:s28+$0x1C000];
	v4 =	vmul.f32 $2.500000000e-01, v1  }
0x1f9: {  	v1 =	vld [tilespmem:s28+$0x1C010];
	[tilespmem:s17+$0x1B800] =	vst v3  }
0x1fa: {  	s26 =	sadd.s32 $0x80, s26;
	v3 =	vld [tilespmem:s28+$0x1B800];
	[tilespmem:s17+$0x1B810] =	vst v4;
	s17 =	smov.u32 s28  }
0x1fb: {  	v4 =	vld [tilespmem:s17+$0x1B810]  }
0x1fc: {  	v5 =	vld [tilespmem:s17+$0x1C800]  }
0x1fd: {  	v6 =	vld [tilespmem:s17+$0x1C810]  }
0x1fe: {  	v7 =	vld [tilespmem:s17+$0x1D000]  }
0x1ff: {  	v2 =	vadd.f32 v2, v3;
	v3 =	vld [tilespmem:s17+$0x1D010]  }
0x200: {  	v1 =	vadd.f32 v1, v4  }
0x201: {  	v2 =	vadd.f32 v5, v2  }
0x202: {  	v1 =	vadd.f32 v6, v1  }
0x203: {  	v2 =	vadd.f32 v7, v2  }
0x204: {  	v1 =	vadd.f32 v3, v1  }
0x205: {  	v2 =	vmul.f32 $2.500000000e-01, v2  }
0x206: {  	s6 =	sadd.s32 $0x1, s6;
	v1 =	vmul.f32 $2.500000000e-01, v1  }
0x207: {  	p0 =	sne.s32 s6, $0x32;
	[tilespmem:s17+$0x1B800] =	vst v2  }
.Ltmp16:
0x208: {  	s16 =	sadd.s32 s13, s16;
	[tilespmem:s17+$0x1B810] =	vst v1;
	(pc) =	sbr.rel @p0 .LBB2_32-.Ltmp16, $4  }
0x209: {  	[hbm4b:s16+s10] =	stream.linear.scatter [tilespmem:s18], [sflag:$0x2], $0x800, $0x38;
	[tilespmem:$0x1D800] =	vst v63  }
0x20a: {  	_ =	swait.ge [sflag:s19], $0x800  }
0x20b: {  	[sflag:s19] =	ssyncset.done $0x0  }
0x20c: {  	[sflag:s19] =	ssyncadd.s32 $0xFFFFF800  }
0x20d: {  	s6 =	rddreg [dreg:$0xb]  }
0x20e: {  	s4 =	rddreg [dreg:$0x9];
	s6 =	sadd.s32 $0x1, s6  }
0x20f: {  	p0 =	sne.s32 s6, s4  }
.Ltmp17:
0x210: {  	_ = 	snop;
	(pc) =	sbr.rel @p0 .LBB2_1-.Ltmp17, $1  }
0x211: {  	_ =	sdelay $0x3  }
0x212: {  	_ =	sfence.sel $0x180000  }
0x213: {  	[bflag:$0x0] =	sbarrier.arrive $0xFFFF  }
0x214: {  	_ =	strace $0x90000047  }
0x215: {  	s0 =	stileid.u32;
	[bflag:$0x2] =	sbarrier.arrive $0xFFFF  }
0x216: {  	p0 =	sne.s32 s0, $0x0;
	s0 =	rddreg [dreg:$0x8]  }
0x217: {  	s0 =	sadd.s32 @!p0 $0x100000, s0  }
0x218: {  	[sflag:s0] =	ssyncadd.tile.s32 @!p0 $0x1;
	_ =	shalt  }
.Lfunc_end2:
_tile_overlayer_lowered:
.L_overlay_start_2:
0x219: {  	(tag) =	ssettag $0x2  }
0x21a: {  	s0 =	rddreg [dreg:$0x0];
	s2 =	stileid.u32  }
0x21b: {  	s1 =	rddreg [dreg:$0x1];
	p0 =	sne.s32 s2, $0x0  }
0x21c: {  	s3 =	rddreg [dreg:$0x2];
	[bflag:$0x3] =	sbarrier.arrive $0xFFFF;
	s2 =	simm.s32 @!p0 $0x1C02  }
0x21d: {  	[timem:s3], [sflag:s2] =	dma.local @!p0 [hbm:s0], s1  }
0x21e: {  	s0 =	simm.s32 @!p0 $0x2  }
0x21f: {  	_ =	swait.ge @!p0 [sflag:s0], s1  }
0x220: {  	s1 =	ssub.s32 @!p0 $0x0, s1;
	[sflag:s0] =	ssyncset.done @!p0 $0x0  }
0x221: {  	[sflag:s0] =	ssyncadd.s32 @!p0 s1  }
0x222: {  	[bflag:$0x3] =	sbarrier.arrive $0xFFFF  }
0x223: {  	_ =	shalt  }

</sc_bundles>
